<compile_context>
chip_gen: v7x
topology: tpu7x:2x2x1
jax: 0.10.2.dev20260603
libtpu: 0.0.44.dev20260713+nightly
codegen_flags: <defaults>
</compile_context>

<pallas_src>
import functools

import jax
import jax.numpy as jnp
from jax import lax
from jax.experimental import pallas as pl
from jax.experimental.pallas import tpu as pltpu
from jax.experimental.pallas import tpu_sc as plsc

B = 16384
D = 32
NC = 2
NS = 16
NW = NC * NS
BPW = B // NW
C = 128
NCH = BPW // C
L = 16

NJ_A, NJ_C, NJ_T = 20, 4, 8
R0_A, R0_C, R0_T = 0, NJ_A * NCH, (NJ_A + NJ_C) * NCH
NROWS = (NJ_A + NJ_C + NJ_T) * NCH

H1, H2 = 64, 32


def _user_movie_body(pu, pm, u_idx, m_idx, uo, mo, guv, gmv, sbu, sbm, sem):
  wid = lax.axis_index("s") * NC + lax.axis_index("c")
  base = wid * BPW
  pltpu.sync_copy(u_idx.at[pl.ds(base, BPW)], guv)
  pltpu.sync_copy(m_idx.at[pl.ds(base, BPW)], gmv)

  for ch in range(NCH):
    k0 = ch * C
    du = pltpu.async_copy(pu.at[guv.at[pl.ds(k0, C)]], sbu, sem)
    dm = pltpu.async_copy(pm.at[gmv.at[pl.ds(k0, C)]], sbm, sem)
    du.wait()
    dm.wait()
    pltpu.sync_copy(sbu, uo.at[pl.ds(base + k0, C)])
    pltpu.sync_copy(sbm, mo.at[pl.ds(base + k0, C)])


@functools.cache
def _user_movie():
  mesh = plsc.VectorSubcoreMesh(core_axis_name="c", subcore_axis_name="s",
                                num_cores=NC, num_subcores=NS)
  return pl.kernel(
      _user_movie_body,
      out_type=[jax.ShapeDtypeStruct((B, 128), jnp.float32),
                jax.ShapeDtypeStruct((B, 128), jnp.float32)],
      mesh=mesh,
      compiler_params=pltpu.CompilerParams(use_tc_tiling_on_sc=True,
                                           needs_layout_passes=False),
      scratch_types=[
          pltpu.VMEM((BPW,), jnp.int32),
          pltpu.VMEM((BPW,), jnp.int32),
          pltpu.VMEM((C, 128), jnp.float32),
          pltpu.VMEM((C, 128), jnp.float32),
          pltpu.SemaphoreType.DMA,
      ],
  )


def _sc_gather_body(a_tab, c_tab, t_tab,
                    a_idx, c_idx, t_idx, zrows,
                    ao, co, to,
                    av, cv, tv, idxf, aa, ca, ta,
                    semi, semz, sema):
  wid = lax.axis_index("s") * NC + lax.axis_index("c")
  base = wid * BPW

  di = [pltpu.async_copy(a_idx.at[pl.ds(base, BPW)], av, semi),
        pltpu.async_copy(c_idx.at[pl.ds(base, BPW)], cv, semi),
        pltpu.async_copy(t_idx.at[pl.ds(base, BPW)], tv, semi)]
  dz = [pltpu.async_copy(zrows, acc, semz) for acc in (aa, ca, ta)]
  for d in di:
    d.wait()
  for d in dz:
    d.wait()

  iota = lax.iota(jnp.int32, L)

  def pooled(src_v, nj, tab, acc, r0):
    def body(j, carry):
      col = jnp.broadcast_to(j, (L,))
      for c in range(NCH):
        row = (r0 + j * NCH + c) * C
        for k0 in range(C // L):
          rows = c * C + k0 * L + iota
          vals = plsc.load_gather(src_v, [rows, col])
          idxf[pl.ds(pl.multiple_of(row + k0 * L, L), L)] = vals
        start = pl.multiple_of(row, C)
        pltpu.async_copy(tab.at[idxf.at[pl.ds(start, C)]],
                         acc.at[pl.ds(c * C, C)], sema, add=True)
      return carry
    lax.fori_loop(0, nj, body, 0)

  pooled(av, NJ_A, a_tab, aa, R0_A)
  pooled(cv, NJ_C, c_tab, ca, R0_C)
  pooled(tv, NJ_T, t_tab, ta, R0_T)

  def drain_body(i, carry):
    pltpu.make_async_copy(a_tab.at[pl.ds(0, BPW)], aa, sema).wait()
    return carry
  lax.fori_loop(0, NROWS // NCH, drain_body, 0)

  for acc, out in ((aa, ao), (ca, co), (ta, to)):
    pltpu.sync_copy(acc, out.at[pl.ds(base, BPW)])


@functools.cache
def _sc_gather():
  mesh = plsc.VectorSubcoreMesh(core_axis_name="c", subcore_axis_name="s",
                                num_cores=NC, num_subcores=NS)
  return pl.kernel(
      _sc_gather_body,
      out_type=[jax.ShapeDtypeStruct((B, D), jnp.float32) for _ in range(3)],
      mesh=mesh,
      compiler_params=pltpu.CompilerParams(use_tc_tiling_on_sc=False,
                                           needs_layout_passes=False),
      scratch_types=[
          pltpu.VMEM((BPW, NJ_A), jnp.int32),
          pltpu.VMEM((BPW, NJ_C), jnp.int32),
          pltpu.VMEM((BPW, NJ_T), jnp.int32),
          pltpu.VMEM((NROWS * C,), jnp.int32),
          pltpu.VMEM((BPW, D), jnp.float32),
          pltpu.VMEM((BPW, D), jnp.float32),
          pltpu.VMEM((BPW, D), jnp.float32),
          pltpu.SemaphoreType.DMA,
          pltpu.SemaphoreType.DMA,
          pltpu.SemaphoreType.DMA,
      ],
  )


BT = 2048


def _mlp_body(u, m, a, c, t, w1u, w1m, w1r, b1, w2, b2, w3t, b3, o):
  h = jnp.dot(u[...], w1u[...], preferred_element_type=jnp.float32)
  h += jnp.dot(m[...], w1m[...], preferred_element_type=jnp.float32)
  h += jnp.dot(a[...], w1r[0:D, :], preferred_element_type=jnp.float32)
  h += jnp.dot(c[...], w1r[D:2 * D, :], preferred_element_type=jnp.float32)
  h += jnp.dot(t[...], w1r[2 * D:3 * D, :], preferred_element_type=jnp.float32)
  h = jnp.maximum(h + b1[...], 0.0)
  h = jnp.maximum(jnp.dot(h, w2[...], preferred_element_type=jnp.float32)
                  + b2[...], 0.0)
  o[...] = jnp.sum(h * w3t[...], axis=1) + b3[0, 0]


def _mlp(ut, mt, ae, ce, te, w1u, w1m, w1r, b1, w2, b2, w3t, b3):
  pad_spec = pl.BlockSpec((BT, 128), lambda i: (i, 0))
  emb_spec = pl.BlockSpec((BT, D), lambda i: (i, 0))
  full = lambda *s: pl.BlockSpec(s, lambda i: tuple(0 for _ in s))
  return pl.pallas_call(
      _mlp_body,
      grid=(B // BT,),
      in_specs=[pad_spec, pad_spec] + [emb_spec] * 3 + [
          full(128, H1), full(128, H1), full(3 * D, H1), full(1, H1),
          full(H1, H2), full(1, H2), full(1, H2), full(1, 1)],
      out_specs=pl.BlockSpec((BT,), lambda i: (i,)),
      out_shape=jax.ShapeDtypeStruct((B,), jnp.float32),
  )(ut, mt, ae, ce, te, w1u, w1m, w1r, b1, w2, b2, w3t, b3)


def kernel(user, movie, actor, country, movie_type,
           user_table, movie_table, actor_table, country_table, type_table,
           W1, b1, W2, b2, W3, b3):
  zrows = jnp.zeros((BPW, D), jnp.float32)
  ae, ce, te = _sc_gather()(
      actor_table, country_table, type_table,
      actor, country, movie_type, zrows)
  pu = jnp.pad(user_table, ((0, 0), (0, 128 - D)))
  pm = jnp.pad(movie_table, ((0, 0), (0, 128 - D)))
  ut, mt = _user_movie()(pu, pm, user.astype(jnp.int32), movie)
  scale = jnp.concatenate([
      jnp.full((D,), 1.0 / NJ_A, jnp.float32),
      jnp.full((D,), 1.0 / NJ_C, jnp.float32),
      jnp.full((D,), 1.0 / NJ_T, jnp.float32),
  ])[:, None]
  w1r = W1[2 * D:] * scale
  w1u = jnp.pad(W1[0:D], ((0, 128 - D), (0, 0)))
  w1m = jnp.pad(W1[D:2 * D], ((0, 128 - D), (0, 0)))
  return _mlp(ut, mt, ae, ce, te, w1u, w1m, w1r,
              b1.reshape(1, H1), W2, b2.reshape(1, H2), W3.reshape(1, H2),
              b3.reshape(1, 1))

# --- scband reference (transcript-rebuilt; emitter-appended) ---
"""Pipeline reference for scband-content-based-model-17102559772865 (READ-ONLY COPY).

The authoritative reference and input builder live on the scoring server;
editing this copy changes nothing except your own understanding.
"""

import jax, jax.numpy as jnp
import numpy as np

B = 16384
NUM_USERS = 1000000
NUM_MOVIES = 100000
NUM_ACTORS = 100000
NUM_COUNTRIES = 1000
NUM_TYPES = 1000
D = 32
H1, H2 = 64, 32


def setup_inputs(seed: int = 0) -> dict:
    key = jax.random.key(seed)
    ks = jax.random.split(key, 16)
    user = jax.random.randint(ks[0], (B,), 0, NUM_USERS, dtype=jnp.int64 if jax.config.jax_enable_x64 else jnp.int32)
    movie = jax.random.randint(ks[1], (B,), 0, NUM_MOVIES, dtype=jnp.int32)
    actor = jax.random.randint(ks[2], (B, 20), 0, NUM_ACTORS, dtype=jnp.int32)
    country = jax.random.randint(ks[3], (B, 4), 0, NUM_COUNTRIES, dtype=jnp.int32)
    movie_type = jax.random.randint(ks[4], (B, 8), 0, NUM_TYPES, dtype=jnp.int32)
    user_table = jax.random.normal(ks[5], (NUM_USERS, D), dtype=jnp.float32) * 0.05
    movie_table = jax.random.normal(ks[6], (NUM_MOVIES, D), dtype=jnp.float32) * 0.05
    actor_table = jax.random.normal(ks[7], (NUM_ACTORS, D), dtype=jnp.float32) * 0.05
    country_table = jax.random.normal(ks[8], (NUM_COUNTRIES, D), dtype=jnp.float32) * 0.05
    type_table = jax.random.normal(ks[9], (NUM_TYPES, D), dtype=jnp.float32) * 0.05
    W1 = jax.random.normal(ks[10], (5 * D, H1), dtype=jnp.float32) * (1.0 / np.sqrt(5 * D))
    b1 = jnp.zeros((H1,), dtype=jnp.float32)
    W2 = jax.random.normal(ks[11], (H1, H2), dtype=jnp.float32) * (1.0 / np.sqrt(H1))
    b2 = jnp.zeros((H2,), dtype=jnp.float32)
    W3 = jax.random.normal(ks[12], (H2, 1), dtype=jnp.float32) * (1.0 / np.sqrt(H2))
    b3 = jnp.zeros((1,), dtype=jnp.float32)
    return {"user": user, "movie": movie, "actor": actor, "country": country,
            "movie_type": movie_type, "user_table": user_table, "movie_table": movie_table,
            "actor_table": actor_table, "country_table": country_table, "type_table": type_table,
            "W1": W1, "b1": b1, "W2": W2, "b2": b2, "W3": W3, "b3": b3}


def reference(user, movie, actor, country, movie_type,
              user_table, movie_table, actor_table, country_table, type_table,
              W1, b1, W2, b2, W3, b3):
    user_emb = jnp.take(user_table, user, axis=0)
    movie_emb = jnp.take(movie_table, movie, axis=0)
    actor_emb = jnp.mean(jnp.take(actor_table, actor, axis=0), axis=1)
    country_emb = jnp.mean(jnp.take(country_table, country, axis=0), axis=1)
    type_emb = jnp.mean(jnp.take(type_table, movie_type, axis=0), axis=1)
    x = jnp.concatenate([user_emb, movie_emb, actor_emb, country_emb, type_emb], axis=1)
    x = jax.nn.relu(x @ W1 + b1)
    x = jax.nn.relu(x @ W2 + b2)
    x = x @ W3 + b3
    return jnp.squeeze(x, axis=-1)

if __name__ == "__main__":
    import jax
    _d = setup_inputs()
    print(jax.jit(kernel)(*tuple(_d.values())))

</pallas_src>

<mosaic_0001>
#map = affine_map<(d0, d1) -> (0, 0)>
module attributes {stable_mosaic.version = 14 : i64} {
  func.func @_sc_gather_body(%arg0: i32, %arg1: i32, %arg2: memref<100000x32xf32, #tpu.memory_space<hbm>>, %arg3: memref<1000x32xf32, #tpu.memory_space<hbm>>, %arg4: memref<1000x32xf32, #tpu.memory_space<hbm>>, %arg5: memref<16384x20xi32, #tpu.memory_space<hbm>>, %arg6: memref<16384x4xi32, #tpu.memory_space<hbm>>, %arg7: memref<16384x8xi32, #tpu.memory_space<hbm>>, %arg8: memref<512x32xf32, #tpu.memory_space<hbm>>, %arg9: memref<16384x32xf32, #tpu.memory_space<hbm>>, %arg10: memref<16384x32xf32, #tpu.memory_space<hbm>>, %arg11: memref<16384x32xf32, #tpu.memory_space<hbm>>, %arg12: memref<512x20xi32, #tpu.memory_space<vmem>>, %arg13: memref<512x4xi32, #tpu.memory_space<vmem>>, %arg14: memref<512x8xi32, #tpu.memory_space<vmem>>, %arg15: memref<16384xi32, #tpu.memory_space<vmem>>, %arg16: memref<512x32xf32, #tpu.memory_space<vmem>>, %arg17: memref<512x32xf32, #tpu.memory_space<vmem>>, %arg18: memref<512x32xf32, #tpu.memory_space<vmem>>, %arg19: memref<!tpu.dma_semaphore, #tpu.memory_space<semaphore_mem>>, %arg20: memref<!tpu.dma_semaphore, #tpu.memory_space<semaphore_mem>>, %arg21: memref<!tpu.dma_semaphore, #tpu.memory_space<semaphore_mem>>) attributes {dimension_semantics = [#tpu.dimension_semantics<core_parallel>, #tpu.dimension_semantics<subcore_parallel>], iteration_bounds = array<i64: 2, 16>, scalar_prefetch = 0 : i64, scratch_operands = 10 : i64, tpu.core_type = #tpu.core_type<sc_vector_subcore>, window_params = [{transform_indices = #map}, {transform_indices = #map}, {transform_indices = #map}, {transform_indices = #map}, {transform_indices = #map}, {transform_indices = #map}, {transform_indices = #map}, {transform_indices = #map}, {transform_indices = #map}, {transform_indices = #map}]} {
    %mul3A = arith.constant 2 : i32
    %mul3A_0 = arith.muli %arg1, %mul3A : i32
    %add3A = arith.addi %mul3A_0, %arg0 : i32
    %mul3A_1 = arith.constant 512 : i32
    %mul3A_2 = arith.muli %add3A, %mul3A_1 : i32
    %dma_start3A = arith.constant 0 : i32
    %dma_start3A_3 = tpu.memref_slice %arg5[%mul3A_2, %dma_start3A] : memref<16384x20xi32, #tpu.memory_space<hbm>> -> memref<512x20xi32, #tpu.memory_space<hbm>>
    %dma_start3A_4 = arith.constant 0 : i32
    %dma_start3A_5 = tpu.memref_slice %arg5[%mul3A_2, %dma_start3A_4] : memref<16384x20xi32, #tpu.memory_space<hbm>> -> memref<512x20xi32, #tpu.memory_space<hbm>>
    tpu.enqueue_dma source(%dma_start3A_5 : memref<512x20xi32, #tpu.memory_space<hbm>>) target(%arg12 : memref<512x20xi32, #tpu.memory_space<vmem>>) target_semaphore(%arg19 : memref<!tpu.dma_semaphore, #tpu.memory_space<semaphore_mem>>)
    %dma_start3A_6 = arith.constant 0 : i32
    %dma_start3A_7 = tpu.memref_slice %arg6[%mul3A_2, %dma_start3A_6] : memref<16384x4xi32, #tpu.memory_space<hbm>> -> memref<512x4xi32, #tpu.memory_space<hbm>>
    %dma_start3A_8 = arith.constant 0 : i32
    %dma_start3A_9 = tpu.memref_slice %arg6[%mul3A_2, %dma_start3A_8] : memref<16384x4xi32, #tpu.memory_space<hbm>> -> memref<512x4xi32, #tpu.memory_space<hbm>>
    tpu.enqueue_dma source(%dma_start3A_9 : memref<512x4xi32, #tpu.memory_space<hbm>>) target(%arg13 : memref<512x4xi32, #tpu.memory_space<vmem>>) target_semaphore(%arg19 : memref<!tpu.dma_semaphore, #tpu.memory_space<semaphore_mem>>)
    %dma_start3A_10 = arith.constant 0 : i32
    %dma_start3A_11 = tpu.memref_slice %arg7[%mul3A_2, %dma_start3A_10] : memref<16384x8xi32, #tpu.memory_space<hbm>> -> memref<512x8xi32, #tpu.memory_space<hbm>>
    %dma_start3A_12 = arith.constant 0 : i32
    %dma_start3A_13 = tpu.memref_slice %arg7[%mul3A_2, %dma_start3A_12] : memref<16384x8xi32, #tpu.memory_space<hbm>> -> memref<512x8xi32, #tpu.memory_space<hbm>>
    tpu.enqueue_dma source(%dma_start3A_13 : memref<512x8xi32, #tpu.memory_space<hbm>>) target(%arg14 : memref<512x8xi32, #tpu.memory_space<vmem>>) target_semaphore(%arg19 : memref<!tpu.dma_semaphore, #tpu.memory_space<semaphore_mem>>)
    tpu.enqueue_dma source(%arg8 : memref<512x32xf32, #tpu.memory_space<hbm>>) target(%arg16 : memref<512x32xf32, #tpu.memory_space<vmem>>) target_semaphore(%arg20 : memref<!tpu.dma_semaphore, #tpu.memory_space<semaphore_mem>>)
    tpu.enqueue_dma source(%arg8 : memref<512x32xf32, #tpu.memory_space<hbm>>) target(%arg17 : memref<512x32xf32, #tpu.memory_space<vmem>>) target_semaphore(%arg20 : memref<!tpu.dma_semaphore, #tpu.memory_space<semaphore_mem>>)
    tpu.enqueue_dma source(%arg8 : memref<512x32xf32, #tpu.memory_space<hbm>>) target(%arg18 : memref<512x32xf32, #tpu.memory_space<vmem>>) target_semaphore(%arg20 : memref<!tpu.dma_semaphore, #tpu.memory_space<semaphore_mem>>)
    %dma_wait3A = arith.constant 0 : i32
    %dma_wait3A_14 = tpu.memref_slice %arg5[%mul3A_2, %dma_wait3A] : memref<16384x20xi32, #tpu.memory_space<hbm>> -> memref<512x20xi32, #tpu.memory_space<hbm>>
    %dma_wait3A_15 = arith.constant 0 : i32
    %dma_wait3A_16 = tpu.memref_slice %arg5[%mul3A_2, %dma_wait3A_15] : memref<16384x20xi32, #tpu.memory_space<hbm>> -> memref<512x20xi32, #tpu.memory_space<hbm>>
    tpu.wait_dma2 semaphore(%arg19 : memref<!tpu.dma_semaphore, #tpu.memory_space<semaphore_mem>>) src(%dma_wait3A_16 : memref<512x20xi32, #tpu.memory_space<hbm>>) dst(%arg12 : memref<512x20xi32, #tpu.memory_space<vmem>>)
    %dma_wait3A_17 = arith.constant 0 : i32
    %dma_wait3A_18 = tpu.memref_slice %arg6[%mul3A_2, %dma_wait3A_17] : memref<16384x4xi32, #tpu.memory_space<hbm>> -> memref<512x4xi32, #tpu.memory_space<hbm>>
    %dma_wait3A_19 = arith.constant 0 : i32
    %dma_wait3A_20 = tpu.memref_slice %arg6[%mul3A_2, %dma_wait3A_19] : memref<16384x4xi32, #tpu.memory_space<hbm>> -> memref<512x4xi32, #tpu.memory_space<hbm>>
    tpu.wait_dma2 semaphore(%arg19 : memref<!tpu.dma_semaphore, #tpu.memory_space<semaphore_mem>>) src(%dma_wait3A_20 : memref<512x4xi32, #tpu.memory_space<hbm>>) dst(%arg13 : memref<512x4xi32, #tpu.memory_space<vmem>>)
    %dma_wait3A_21 = arith.constant 0 : i32
    %dma_wait3A_22 = tpu.memref_slice %arg7[%mul3A_2, %dma_wait3A_21] : memref<16384x8xi32, #tpu.memory_space<hbm>> -> memref<512x8xi32, #tpu.memory_space<hbm>>
    %dma_wait3A_23 = arith.constant 0 : i32
    %dma_wait3A_24 = tpu.memref_slice %arg7[%mul3A_2, %dma_wait3A_23] : memref<16384x8xi32, #tpu.memory_space<hbm>> -> memref<512x8xi32, #tpu.memory_space<hbm>>
    tpu.wait_dma2 semaphore(%arg19 : memref<!tpu.dma_semaphore, #tpu.memory_space<semaphore_mem>>) src(%dma_wait3A_24 : memref<512x8xi32, #tpu.memory_space<hbm>>) dst(%arg14 : memref<512x8xi32, #tpu.memory_space<vmem>>)
    tpu.wait_dma2 semaphore(%arg20 : memref<!tpu.dma_semaphore, #tpu.memory_space<semaphore_mem>>) src(%arg8 : memref<512x32xf32, #tpu.memory_space<hbm>>) dst(%arg16 : memref<512x32xf32, #tpu.memory_space<vmem>>)
    tpu.wait_dma2 semaphore(%arg20 : memref<!tpu.dma_semaphore, #tpu.memory_space<semaphore_mem>>) src(%arg8 : memref<512x32xf32, #tpu.memory_space<hbm>>) dst(%arg17 : memref<512x32xf32, #tpu.memory_space<vmem>>)
    tpu.wait_dma2 semaphore(%arg20 : memref<!tpu.dma_semaphore, #tpu.memory_space<semaphore_mem>>) src(%arg8 : memref<512x32xf32, #tpu.memory_space<hbm>>) dst(%arg18 : memref<512x32xf32, #tpu.memory_space<vmem>>)
    %iota3A = tpu.iota {dimensions = array<i32: 0>} : vector<16xi32>
    %scan3A = arith.constant 0 : i32
    %scan3A_25 = arith.constant 0 : i32
    %scan3A_26 = arith.constant 20 : i32
    %scan3A_27 = arith.addi %scan3A_25, %scan3A_26 : i32
    %scan3A_28 = arith.constant 1 : i32
    scf.for %scan3A_48 = %scan3A_25 to %scan3A_27 step %scan3A_28  : i32 {
      %broadcast_in_dim3A = vector.broadcast %scan3A_48 : i32 to vector<16xi32>
      %mul3A_49 = arith.constant 4 : i32
      %mul3A_50 = arith.muli %scan3A_48, %mul3A_49 : i32
      %add3A_51 = arith.constant 0 : i32
      %add3A_52 = arith.addi %add3A_51, %mul3A_50 : i32
      %add3A_53 = arith.constant 0 : i32
      %add3A_54 = arith.addi %add3A_52, %add3A_53 : i32
      %mul3A_55 = arith.constant 128 : i32
      %mul3A_56 = arith.muli %add3A_54, %mul3A_55 : i32
      %add3A_57 = arith.constant 0 : i32
      %add3A_58 = vector.broadcast %add3A_57 : i32 to vector<16xi32>
      %add3A_59 = arith.addi %add3A_58, %iota3A : vector<16xi32>
      %gather3A = tpu.vector_load_idx %arg12[%add3A_59, %broadcast_in_dim3A] : memref<512x20xi32, #tpu.memory_space<vmem>>[vector<16xi32>, vector<16xi32>], vector<16xi32>,
      %add3A_60 = arith.constant 0 : i32
      %add3A_61 = arith.addi %mul3A_56, %add3A_60 : i32
      %multiple_of3A = tpu.assume_multiple %add3A_61, 16 : i32
      %swap3A = arith.index_cast %multiple_of3A : i32 to index
      %swap3A_62 = tpu.vector_load %arg15[%swap3A] {strides = array<i32>} : memref<16384xi32, #tpu.memory_space<vmem>>, vector<16xi32>,
      tpu.vector_store %arg15[%swap3A], %gather3A {strides = array<i32>} : memref<16384xi32, #tpu.memory_space<vmem>>, vector<16xi32>,
      %add3A_63 = arith.constant 16 : i32
      %add3A_64 = vector.broadcast %add3A_63 : i32 to vector<16xi32>
      %add3A_65 = arith.addi %add3A_64, %iota3A : vector<16xi32>
      %gather3A_66 = tpu.vector_load_idx %arg12[%add3A_65, %broadcast_in_dim3A] : memref<512x20xi32, #tpu.memory_space<vmem>>[vector<16xi32>, vector<16xi32>], vector<16xi32>,
      %add3A_67 = arith.constant 16 : i32
      %add3A_68 = arith.addi %mul3A_56, %add3A_67 : i32
      %multiple_of3A_69 = tpu.assume_multiple %add3A_68, 16 : i32
      %swap3A_70 = arith.index_cast %multiple_of3A_69 : i32 to index
      %swap3A_71 = tpu.vector_load %arg15[%swap3A_70] {strides = array<i32>} : memref<16384xi32, #tpu.memory_space<vmem>>, vector<16xi32>,
      tpu.vector_store %arg15[%swap3A_70], %gather3A_66 {strides = array<i32>} : memref<16384xi32, #tpu.memory_space<vmem>>, vector<16xi32>,
      %add3A_72 = arith.constant 32 : i32
      %add3A_73 = vector.broadcast %add3A_72 : i32 to vector<16xi32>
      %add3A_74 = arith.addi %add3A_73, %iota3A : vector<16xi32>
      %gather3A_75 = tpu.vector_load_idx %arg12[%add3A_74, %broadcast_in_dim3A] : memref<512x20xi32, #tpu.memory_space<vmem>>[vector<16xi32>, vector<16xi32>], vector<16xi32>,
      %add3A_76 = arith.constant 32 : i32
      %add3A_77 = arith.addi %mul3A_56, %add3A_76 : i32
      %multiple_of3A_78 = tpu.assume_multiple %add3A_77, 16 : i32
      %swap3A_79 = arith.index_cast %multiple_of3A_78 : i32 to index
      %swap3A_80 = tpu.vector_load %arg15[%swap3A_79] {strides = array<i32>} : memref<16384xi32, #tpu.memory_space<vmem>>, vector<16xi32>,
      tpu.vector_store %arg15[%swap3A_79], %gather3A_75 {strides = array<i32>} : memref<16384xi32, #tpu.memory_space<vmem>>, vector<16xi32>,
      %add3A_81 = arith.constant 48 : i32
      %add3A_82 = vector.broadcast %add3A_81 : i32 to vector<16xi32>
      %add3A_83 = arith.addi %add3A_82, %iota3A : vector<16xi32>
      %gather3A_84 = tpu.vector_load_idx %arg12[%add3A_83, %broadcast_in_dim3A] : memref<512x20xi32, #tpu.memory_space<vmem>>[vector<16xi32>, vector<16xi32>], vector<16xi32>,
      %add3A_85 = arith.constant 48 : i32
      %add3A_86 = arith.addi %mul3A_56, %add3A_85 : i32
      %multiple_of3A_87 = tpu.assume_multiple %add3A_86, 16 : i32
      %swap3A_88 = arith.index_cast %multiple_of3A_87 : i32 to index
      %swap3A_89 = tpu.vector_load %arg15[%swap3A_88] {strides = array<i32>} : memref<16384xi32, #tpu.memory_space<vmem>>, vector<16xi32>,
      tpu.vector_store %arg15[%swap3A_88], %gather3A_84 {strides = array<i32>} : memref<16384xi32, #tpu.memory_space<vmem>>, vector<16xi32>,
      %add3A_90 = arith.constant 64 : i32
      %add3A_91 = vector.broadcast %add3A_90 : i32 to vector<16xi32>
      %add3A_92 = arith.addi %add3A_91, %iota3A : vector<16xi32>
      %gather3A_93 = tpu.vector_load_idx %arg12[%add3A_92, %broadcast_in_dim3A] : memref<512x20xi32, #tpu.memory_space<vmem>>[vector<16xi32>, vector<16xi32>], vector<16xi32>,
      %add3A_94 = arith.constant 64 : i32
      %add3A_95 = arith.addi %mul3A_56, %add3A_94 : i32
      %multiple_of3A_96 = tpu.assume_multiple %add3A_95, 16 : i32
      %swap3A_97 = arith.index_cast %multiple_of3A_96 : i32 to index
      %swap3A_98 = tpu.vector_load %arg15[%swap3A_97] {strides = array<i32>} : memref<16384xi32, #tpu.memory_space<vmem>>, vector<16xi32>,
      tpu.vector_store %arg15[%swap3A_97], %gather3A_93 {strides = array<i32>} : memref<16384xi32, #tpu.memory_space<vmem>>, vector<16xi32>,
      %add3A_99 = arith.constant 80 : i32
      %add3A_100 = vector.broadcast %add3A_99 : i32 to vector<16xi32>
      %add3A_101 = arith.addi %add3A_100, %iota3A : vector<16xi32>
      %gather3A_102 = tpu.vector_load_idx %arg12[%add3A_101, %broadcast_in_dim3A] : memref<512x20xi32, #tpu.memory_space<vmem>>[vector<16xi32>, vector<16xi32>], vector<16xi32>,
      %add3A_103 = arith.constant 80 : i32
      %add3A_104 = arith.addi %mul3A_56, %add3A_103 : i32
      %multiple_of3A_105 = tpu.assume_multiple %add3A_104, 16 : i32
      %swap3A_106 = arith.index_cast %multiple_of3A_105 : i32 to index
      %swap3A_107 = tpu.vector_load %arg15[%swap3A_106] {strides = array<i32>} : memref<16384xi32, #tpu.memory_space<vmem>>, vector<16xi32>,
      tpu.vector_store %arg15[%swap3A_106], %gather3A_102 {strides = array<i32>} : memref<16384xi32, #tpu.memory_space<vmem>>, vector<16xi32>,
      %add3A_108 = arith.constant 96 : i32
      %add3A_109 = vector.broadcast %add3A_108 : i32 to vector<16xi32>
      %add3A_110 = arith.addi %add3A_109, %iota3A : vector<16xi32>
      %gather3A_111 = tpu.vector_load_idx %arg12[%add3A_110, %broadcast_in_dim3A] : memref<512x20xi32, #tpu.memory_space<vmem>>[vector<16xi32>, vector<16xi32>], vector<16xi32>,
      %add3A_112 = arith.constant 96 : i32
      %add3A_113 = arith.addi %mul3A_56, %add3A_112 : i32
      %multiple_of3A_114 = tpu.assume_multiple %add3A_113, 16 : i32
      %swap3A_115 = arith.index_cast %multiple_of3A_114 : i32 to index
      %swap3A_116 = tpu.vector_load %arg15[%swap3A_115] {strides = array<i32>} : memref<16384xi32, #tpu.memory_space<vmem>>, vector<16xi32>,
      tpu.vector_store %arg15[%swap3A_115], %gather3A_111 {strides = array<i32>} : memref<16384xi32, #tpu.memory_space<vmem>>, vector<16xi32>,
      %add3A_117 = arith.constant 112 : i32
      %add3A_118 = vector.broadcast %add3A_117 : i32 to vector<16xi32>
      %add3A_119 = arith.addi %add3A_118, %iota3A : vector<16xi32>
      %gather3A_120 = tpu.vector_load_idx %arg12[%add3A_119, %broadcast_in_dim3A] : memref<512x20xi32, #tpu.memory_space<vmem>>[vector<16xi32>, vector<16xi32>], vector<16xi32>,
      %add3A_121 = arith.constant 112 : i32
      %add3A_122 = arith.addi %mul3A_56, %add3A_121 : i32
      %multiple_of3A_123 = tpu.assume_multiple %add3A_122, 16 : i32
      %swap3A_124 = arith.index_cast %multiple_of3A_123 : i32 to index
      %swap3A_125 = tpu.vector_load %arg15[%swap3A_124] {strides = array<i32>} : memref<16384xi32, #tpu.memory_space<vmem>>, vector<16xi32>,
      tpu.vector_store %arg15[%swap3A_124], %gather3A_120 {strides = array<i32>} : memref<16384xi32, #tpu.memory_space<vmem>>, vector<16xi32>,
      %multiple_of3A_126 = tpu.assume_multiple %mul3A_56, 128 : i32
      %dma_start3A_127 = arith.constant 0 : i32
      %dma_start3A_128 = arith.constant 0 : i32
      %dma_start3A_129 = tpu.memref_slice %arg16[%dma_start3A_127, %dma_start3A_128] : memref<512x32xf32, #tpu.memory_space<vmem>> -> memref<128x32xf32, #tpu.memory_space<vmem>>
      %dma_start3A_130 = tpu.memref_slice %arg15[%multiple_of3A_126] : memref<16384xi32, #tpu.memory_space<vmem>> -> memref<128xi32, #tpu.memory_space<vmem>>
      %dma_start3A_131 = arith.constant 0 : i32
      %dma_start3A_132 = arith.constant 0 : i32
      %dma_start3A_133 = tpu.memref_slice %arg2[%dma_start3A_131, %dma_start3A_132] : memref<100000x32xf32, #tpu.memory_space<hbm>> -> memref<100000x32xf32, #tpu.memory_space<hbm>>
      tpu.enqueue_indirect_dma source(%dma_start3A_133 : memref<100000x32xf32, #tpu.memory_space<hbm>>) target(%dma_start3A_129 : memref<128x32xf32, #tpu.memory_space<vmem>>) offsets(%dma_start3A_130 : memref<128xi32, #tpu.memory_space<vmem>>) semaphore(%arg21 : memref<!tpu.dma_semaphore, #tpu.memory_space<semaphore_mem>>) {add = true}
      %mul3A_134 = arith.constant 4 : i32
      %mul3A_135 = arith.muli %scan3A_48, %mul3A_134 : i32
      %add3A_136 = arith.constant 0 : i32
      %add3A_137 = arith.addi %add3A_136, %mul3A_135 : i32
      %add3A_138 = arith.constant 1 : i32
      %add3A_139 = arith.addi %add3A_137, %add3A_138 : i32
      %mul3A_140 = arith.constant 128 : i32
      %mul3A_141 = arith.muli %add3A_139, %mul3A_140 : i32
      %add3A_142 = arith.constant 128 : i32
      %add3A_143 = vector.broadcast %add3A_142 : i32 to vector<16xi32>
      %add3A_144 = arith.addi %add3A_143, %iota3A : vector<16xi32>
      %gather3A_145 = tpu.vector_load_idx %arg12[%add3A_144, %broadcast_in_dim3A] : memref<512x20xi32, #tpu.memory_space<vmem>>[vector<16xi32>, vector<16xi32>], vector<16xi32>,
      %add3A_146 = arith.constant 0 : i32
      %add3A_147 = arith.addi %mul3A_141, %add3A_146 : i32
      %multiple_of3A_148 = tpu.assume_multiple %add3A_147, 16 : i32
      %swap3A_149 = arith.index_cast %multiple_of3A_148 : i32 to index
      %swap3A_150 = tpu.vector_load %arg15[%swap3A_149] {strides = array<i32>} : memref<16384xi32, #tpu.memory_space<vmem>>, vector<16xi32>,
      tpu.vector_store %arg15[%swap3A_149], %gather3A_145 {strides = array<i32>} : memref<16384xi32, #tpu.memory_space<vmem>>, vector<16xi32>,
      %add3A_151 = arith.constant 144 : i32
      %add3A_152 = vector.broadcast %add3A_151 : i32 to vector<16xi32>
      %add3A_153 = arith.addi %add3A_152, %iota3A : vector<16xi32>
      %gather3A_154 = tpu.vector_load_idx %arg12[%add3A_153, %broadcast_in_dim3A] : memref<512x20xi32, #tpu.memory_space<vmem>>[vector<16xi32>, vector<16xi32>], vector<16xi32>,
      %add3A_155 = arith.constant 16 : i32
      %add3A_156 = arith.addi %mul3A_141, %add3A_155 : i32
      %multiple_of3A_157 = tpu.assume_multiple %add3A_156, 16 : i32
      %swap3A_158 = arith.index_cast %multiple_of3A_157 : i32 to index
      %swap3A_159 = tpu.vector_load %arg15[%swap3A_158] {strides = array<i32>} : memref<16384xi32, #tpu.memory_space<vmem>>, vector<16xi32>,
      tpu.vector_store %arg15[%swap3A_158], %gather3A_154 {strides = array<i32>} : memref<16384xi32, #tpu.memory_space<vmem>>, vector<16xi32>,
      %add3A_160 = arith.constant 160 : i32
      %add3A_161 = vector.broadcast %add3A_160 : i32 to vector<16xi32>
      %add3A_162 = arith.addi %add3A_161, %iota3A : vector<16xi32>
      %gather3A_163 = tpu.vector_load_idx %arg12[%add3A_162, %broadcast_in_dim3A] : memref<512x20xi32, #tpu.memory_space<vmem>>[vector<16xi32>, vector<16xi32>], vector<16xi32>,
      %add3A_164 = arith.constant 32 : i32
      %add3A_165 = arith.addi %mul3A_141, %add3A_164 : i32
      %multiple_of3A_166 = tpu.assume_multiple %add3A_165, 16 : i32
      %swap3A_167 = arith.index_cast %multiple_of3A_166 : i32 to index
      %swap3A_168 = tpu.vector_load %arg15[%swap3A_167] {strides = array<i32>} : memref<16384xi32, #tpu.memory_space<vmem>>, vector<16xi32>,
      tpu.vector_store %arg15[%swap3A_167], %gather3A_163 {strides = array<i32>} : memref<16384xi32, #tpu.memory_space<vmem>>, vector<16xi32>,
      %add3A_169 = arith.constant 176 : i32
      %add3A_170 = vector.broadcast %add3A_169 : i32 to vector<16xi32>
      %add3A_171 = arith.addi %add3A_170, %iota3A : vector<16xi32>
      %gather3A_172 = tpu.vector_load_idx %arg12[%add3A_171, %broadcast_in_dim3A] : memref<512x20xi32, #tpu.memory_space<vmem>>[vector<16xi32>, vector<16xi32>], vector<16xi32>,
      %add3A_173 = arith.constant 48 : i32
      %add3A_174 = arith.addi %mul3A_141, %add3A_173 : i32
      %multiple_of3A_175 = tpu.assume_multiple %add3A_174, 16 : i32
      %swap3A_176 = arith.index_cast %multiple_of3A_175 : i32 to index
      %swap3A_177 = tpu.vector_load %arg15[%swap3A_176] {strides = array<i32>} : memref<16384xi32, #tpu.memory_space<vmem>>, vector<16xi32>,
      tpu.vector_store %arg15[%swap3A_176], %gather3A_172 {strides = array<i32>} : memref<16384xi32, #tpu.memory_space<vmem>>, vector<16xi32>,
      %add3A_178 = arith.constant 192 : i32
      %add3A_179 = vector.broadcast %add3A_178 : i32 to vector<16xi32>
      %add3A_180 = arith.addi %add3A_179, %iota3A : vector<16xi32>
      %gather3A_181 = tpu.vector_load_idx %arg12[%add3A_180, %broadcast_in_dim3A] : memref<512x20xi32, #tpu.memory_space<vmem>>[vector<16xi32>, vector<16xi32>], vector<16xi32>,
      %add3A_182 = arith.constant 64 : i32
      %add3A_183 = arith.addi %mul3A_141, %add3A_182 : i32
      %multiple_of3A_184 = tpu.assume_multiple %add3A_183, 16 : i32
      %swap3A_185 = arith.index_cast %multiple_of3A_184 : i32 to index
      %swap3A_186 = tpu.vector_load %arg15[%swap3A_185] {strides = array<i32>} : memref<16384xi32, #tpu.memory_space<vmem>>, vector<16xi32>,
      tpu.vector_store %arg15[%swap3A_185], %gather3A_181 {strides = array<i32>} : memref<16384xi32, #tpu.memory_space<vmem>>, vector<16xi32>,
      %add3A_187 = arith.constant 208 : i32
      %add3A_188 = vector.broadcast %add3A_187 : i32 to vector<16xi32>
      %add3A_189 = arith.addi %add3A_188, %iota3A : vector<16xi32>
      %gather3A_190 = tpu.vector_load_idx %arg12[%add3A_189, %broadcast_in_dim3A] : memref<512x20xi32, #tpu.memory_space<vmem>>[vector<16xi32>, vector<16xi32>], vector<16xi32>,
      %add3A_191 = arith.constant 80 : i32
      %add3A_192 = arith.addi %mul3A_141, %add3A_191 : i32
      %multiple_of3A_193 = tpu.assume_multiple %add3A_192, 16 : i32
      %swap3A_194 = arith.index_cast %multiple_of3A_193 : i32 to index
      %swap3A_195 = tpu.vector_load %arg15[%swap3A_194] {strides = array<i32>} : memref<16384xi32, #tpu.memory_space<vmem>>, vector<16xi32>,
      tpu.vector_store %arg15[%swap3A_194], %gather3A_190 {strides = array<i32>} : memref<16384xi32, #tpu.memory_space<vmem>>, vector<16xi32>,
      %add3A_196 = arith.constant 224 : i32
      %add3A_197 = vector.broadcast %add3A_196 : i32 to vector<16xi32>
      %add3A_198 = arith.addi %add3A_197, %iota3A : vector<16xi32>
      %gather3A_199 = tpu.vector_load_idx %arg12[%add3A_198, %broadcast_in_dim3A] : memref<512x20xi32, #tpu.memory_space<vmem>>[vector<16xi32>, vector<16xi32>], vector<16xi32>,
      %add3A_200 = arith.constant 96 : i32
      %add3A_201 = arith.addi %mul3A_141, %add3A_200 : i32
      %multiple_of3A_202 = tpu.assume_multiple %add3A_201, 16 : i32
      %swap3A_203 = arith.index_cast %multiple_of3A_202 : i32 to index
      %swap3A_204 = tpu.vector_load %arg15[%swap3A_203] {strides = array<i32>} : memref<16384xi32, #tpu.memory_space<vmem>>, vector<16xi32>,
      tpu.vector_store %arg15[%swap3A_203], %gather3A_199 {strides = array<i32>} : memref<16384xi32, #tpu.memory_space<vmem>>, vector<16xi32>,
      %add3A_205 = arith.constant 240 : i32
      %add3A_206 = vector.broadcast %add3A_205 : i32 to vector<16xi32>
      %add3A_207 = arith.addi %add3A_206, %iota3A : vector<16xi32>
      %gather3A_208 = tpu.vector_load_idx %arg12[%add3A_207, %broadcast_in_dim3A] : memref<512x20xi32, #tpu.memory_space<vmem>>[vector<16xi32>, vector<16xi32>], vector<16xi32>,
      %add3A_209 = arith.constant 112 : i32
      %add3A_210 = arith.addi %mul3A_141, %add3A_209 : i32
      %multiple_of3A_211 = tpu.assume_multiple %add3A_210, 16 : i32
      %swap3A_212 = arith.index_cast %multiple_of3A_211 : i32 to index
      %swap3A_213 = tpu.vector_load %arg15[%swap3A_212] {strides = array<i32>} : memref<16384xi32, #tpu.memory_space<vmem>>, vector<16xi32>,
      tpu.vector_store %arg15[%swap3A_212], %gather3A_208 {strides = array<i32>} : memref<16384xi32, #tpu.memory_space<vmem>>, vector<16xi32>,
      %multiple_of3A_214 = tpu.assume_multiple %mul3A_141, 128 : i32
      %dma_start3A_215 = arith.constant 128 : i32
      %dma_start3A_216 = arith.constant 0 : i32
      %dma_start3A_217 = tpu.memref_slice %arg16[%dma_start3A_215, %dma_start3A_216] : memref<512x32xf32, #tpu.memory_space<vmem>> -> memref<128x32xf32, #tpu.memory_space<vmem>>
      %dma_start3A_218 = tpu.memref_slice %arg15[%multiple_of3A_214] : memref<16384xi32, #tpu.memory_space<vmem>> -> memref<128xi32, #tpu.memory_space<vmem>>
      %dma_start3A_219 = arith.constant 0 : i32
      %dma_start3A_220 = arith.constant 0 : i32
      %dma_start3A_221 = tpu.memref_slice %arg2[%dma_start3A_219, %dma_start3A_220] : memref<100000x32xf32, #tpu.memory_space<hbm>> -> memref<100000x32xf32, #tpu.memory_space<hbm>>
      tpu.enqueue_indirect_dma source(%dma_start3A_221 : memref<100000x32xf32, #tpu.memory_space<hbm>>) target(%dma_start3A_217 : memref<128x32xf32, #tpu.memory_space<vmem>>) offsets(%dma_start3A_218 : memref<128xi32, #tpu.memory_space<vmem>>) semaphore(%arg21 : memref<!tpu.dma_semaphore, #tpu.memory_space<semaphore_mem>>) {add = true}
      %mul3A_222 = arith.constant 4 : i32
      %mul3A_223 = arith.muli %scan3A_48, %mul3A_222 : i32
      %add3A_224 = arith.constant 0 : i32
      %add3A_225 = arith.addi %add3A_224, %mul3A_223 : i32
      %add3A_226 = arith.constant 2 : i32
      %add3A_227 = arith.addi %add3A_225, %add3A_226 : i32
      %mul3A_228 = arith.constant 128 : i32
      %mul3A_229 = arith.muli %add3A_227, %mul3A_228 : i32
      %add3A_230 = arith.constant 256 : i32
      %add3A_231 = vector.broadcast %add3A_230 : i32 to vector<16xi32>
      %add3A_232 = arith.addi %add3A_231, %iota3A : vector<16xi32>
      %gather3A_233 = tpu.vector_load_idx %arg12[%add3A_232, %broadcast_in_dim3A] : memref<512x20xi32, #tpu.memory_space<vmem>>[vector<16xi32>, vector<16xi32>], vector<16xi32>,
      %add3A_234 = arith.constant 0 : i32
      %add3A_235 = arith.addi %mul3A_229, %add3A_234 : i32
      %multiple_of3A_236 = tpu.assume_multiple %add3A_235, 16 : i32
      %swap3A_237 = arith.index_cast %multiple_of3A_236 : i32 to index
      %swap3A_238 = tpu.vector_load %arg15[%swap3A_237] {strides = array<i32>} : memref<16384xi32, #tpu.memory_space<vmem>>, vector<16xi32>,
      tpu.vector_store %arg15[%swap3A_237], %gather3A_233 {strides = array<i32>} : memref<16384xi32, #tpu.memory_space<vmem>>, vector<16xi32>,
      %add3A_239 = arith.constant 272 : i32
      %add3A_240 = vector.broadcast %add3A_239 : i32 to vector<16xi32>
      %add3A_241 = arith.addi %add3A_240, %iota3A : vector<16xi32>
      %gather3A_242 = tpu.vector_load_idx %arg12[%add3A_241, %broadcast_in_dim3A] : memref<512x20xi32, #tpu.memory_space<vmem>>[vector<16xi32>, vector<16xi32>], vector<16xi32>,
      %add3A_243 = arith.constant 16 : i32
      %add3A_244 = arith.addi %mul3A_229, %add3A_243 : i32
      %multiple_of3A_245 = tpu.assume_multiple %add3A_244, 16 : i32
      %swap3A_246 = arith.index_cast %multiple_of3A_245 : i32 to index
      %swap3A_247 = tpu.vector_load %arg15[%swap3A_246] {strides = array<i32>} : memref<16384xi32, #tpu.memory_space<vmem>>, vector<16xi32>,
      tpu.vector_store %arg15[%swap3A_246], %gather3A_242 {strides = array<i32>} : memref<16384xi32, #tpu.memory_space<vmem>>, vector<16xi32>,
      %add3A_248 = arith.constant 288 : i32
      %add3A_249 = vector.broadcast %add3A_248 : i32 to vector<16xi32>
      %add3A_250 = arith.addi %add3A_249, %iota3A : vector<16xi32>
      %gather3A_251 = tpu.vector_load_idx %arg12[%add3A_250, %broadcast_in_dim3A] : memref<512x20xi32, #tpu.memory_space<vmem>>[vector<16xi32>, vector<16xi32>], vector<16xi32>,
      %add3A_252 = arith.constant 32 : i32
      %add3A_253 = arith.addi %mul3A_229, %add3A_252 : i32
      %multiple_of3A_254 = tpu.assume_multiple %add3A_253, 16 : i32
      %swap3A_255 = arith.index_cast %multiple_of3A_254 : i32 to index
      %swap3A_256 = tpu.vector_load %arg15[%swap3A_255] {strides = array<i32>} : memref<16384xi32, #tpu.memory_space<vmem>>, vector<16xi32>,
      tpu.vector_store %arg15[%swap3A_255], %gather3A_251 {strides = array<i32>} : memref<16384xi32, #tpu.memory_space<vmem>>, vector<16xi32>,
      %add3A_257 = arith.constant 304 : i32
      %add3A_258 = vector.broadcast %add3A_257 : i32 to vector<16xi32>
      %add3A_259 = arith.addi %add3A_258, %iota3A : vector<16xi32>
      %gather3A_260 = tpu.vector_load_idx %arg12[%add3A_259, %broadcast_in_dim3A] : memref<512x20xi32, #tpu.memory_space<vmem>>[vector<16xi32>, vector<16xi32>], vector<16xi32>,
      %add3A_261 = arith.constant 48 : i32
      %add3A_262 = arith.addi %mul3A_229, %add3A_261 : i32
      %multiple_of3A_263 = tpu.assume_multiple %add3A_262, 16 : i32
      %swap3A_264 = arith.index_cast %multiple_of3A_263 : i32 to index
      %swap3A_265 = tpu.vector_load %arg15[%swap3A_264] {strides = array<i32>} : memref<16384xi32, #tpu.memory_space<vmem>>, vector<16xi32>,
      tpu.vector_store %arg15[%swap3A_264], %gather3A_260 {strides = array<i32>} : memref<16384xi32, #tpu.memory_space<vmem>>, vector<16xi32>,
      %add3A_266 = arith.constant 320 : i32
      %add3A_267 = vector.broadcast %add3A_266 : i32 to vector<16xi32>
      %add3A_268 = arith.addi %add3A_267, %iota3A : vector<16xi32>
      %gather3A_269 = tpu.vector_load_idx %arg12[%add3A_268, %broadcast_in_dim3A] : memref<512x20xi32, #tpu.memory_space<vmem>>[vector<16xi32>, vector<16xi32>], vector<16xi32>,
      %add3A_270 = arith.constant 64 : i32
      %add3A_271 = arith.addi %mul3A_229, %add3A_270 : i32
      %multiple_of3A_272 = tpu.assume_multiple %add3A_271, 16 : i32
      %swap3A_273 = arith.index_cast %multiple_of3A_272 : i32 to index
      %swap3A_274 = tpu.vector_load %arg15[%swap3A_273] {strides = array<i32>} : memref<16384xi32, #tpu.memory_space<vmem>>, vector<16xi32>,
      tpu.vector_store %arg15[%swap3A_273], %gather3A_269 {strides = array<i32>} : memref<16384xi32, #tpu.memory_space<vmem>>, vector<16xi32>,
      %add3A_275 = arith.constant 336 : i32
      %add3A_276 = vector.broadcast %add3A_275 : i32 to vector<16xi32>
      %add3A_277 = arith.addi %add3A_276, %iota3A : vector<16xi32>
      %gather3A_278 = tpu.vector_load_idx %arg12[%add3A_277, %broadcast_in_dim3A] : memref<512x20xi32, #tpu.memory_space<vmem>>[vector<16xi32>, vector<16xi32>], vector<16xi32>,
      %add3A_279 = arith.constant 80 : i32
      %add3A_280 = arith.addi %mul3A_229, %add3A_279 : i32
      %multiple_of3A_281 = tpu.assume_multiple %add3A_280, 16 : i32
      %swap3A_282 = arith.index_cast %multiple_of3A_281 : i32 to index
      %swap3A_283 = tpu.vector_load %arg15[%swap3A_282] {strides = array<i32>} : memref<16384xi32, #tpu.memory_space<vmem>>, vector<16xi32>,
      tpu.vector_store %arg15[%swap3A_282], %gather3A_278 {strides = array<i32>} : memref<16384xi32, #tpu.memory_space<vmem>>, vector<16xi32>,
      %add3A_284 = arith.constant 352 : i32
      %add3A_285 = vector.broadcast %add3A_284 : i32 to vector<16xi32>
      %add3A_286 = arith.addi %add3A_285, %iota3A : vector<16xi32>
      %gather3A_287 = tpu.vector_load_idx %arg12[%add3A_286, %broadcast_in_dim3A] : memref<512x20xi32, #tpu.memory_space<vmem>>[vector<16xi32>, vector<16xi32>], vector<16xi32>,
      %add3A_288 = arith.constant 96 : i32
      %add3A_289 = arith.addi %mul3A_229, %add3A_288 : i32
      %multiple_of3A_290 = tpu.assume_multiple %add3A_289, 16 : i32
      %swap3A_291 = arith.index_cast %multiple_of3A_290 : i32 to index
      %swap3A_292 = tpu.vector_load %arg15[%swap3A_291] {strides = array<i32>} : memref<16384xi32, #tpu.memory_space<vmem>>, vector<16xi32>,
      tpu.vector_store %arg15[%swap3A_291], %gather3A_287 {strides = array<i32>} : memref<16384xi32, #tpu.memory_space<vmem>>, vector<16xi32>,
      %add3A_293 = arith.constant 368 : i32
      %add3A_294 = vector.broadcast %add3A_293 : i32 to vector<16xi32>
      %add3A_295 = arith.addi %add3A_294, %iota3A : vector<16xi32>
      %gather3A_296 = tpu.vector_load_idx %arg12[%add3A_295, %broadcast_in_dim3A] : memref<512x20xi32, #tpu.memory_space<vmem>>[vector<16xi32>, vector<16xi32>], vector<16xi32>,
      %add3A_297 = arith.constant 112 : i32
      %add3A_298 = arith.addi %mul3A_229, %add3A_297 : i32
      %multiple_of3A_299 = tpu.assume_multiple %add3A_298, 16 : i32
      %swap3A_300 = arith.index_cast %multiple_of3A_299 : i32 to index
      %swap3A_301 = tpu.vector_load %arg15[%swap3A_300] {strides = array<i32>} : memref<16384xi32, #tpu.memory_space<vmem>>, vector<16xi32>,
      tpu.vector_store %arg15[%swap3A_300], %gather3A_296 {strides = array<i32>} : memref<16384xi32, #tpu.memory_space<vmem>>, vector<16xi32>,
      %multiple_of3A_302 = tpu.assume_multiple %mul3A_229, 128 : i32
      %dma_start3A_303 = arith.constant 256 : i32
      %dma_start3A_304 = arith.constant 0 : i32
      %dma_start3A_305 = tpu.memref_slice %arg16[%dma_start3A_303, %dma_start3A_304] : memref<512x32xf32, #tpu.memory_space<vmem>> -> memref<128x32xf32, #tpu.memory_space<vmem>>
      %dma_start3A_306 = tpu.memref_slice %arg15[%multiple_of3A_302] : memref<16384xi32, #tpu.memory_space<vmem>> -> memref<128xi32, #tpu.memory_space<vmem>>
      %dma_start3A_307 = arith.constant 0 : i32
      %dma_start3A_308 = arith.constant 0 : i32
      %dma_start3A_309 = tpu.memref_slice %arg2[%dma_start3A_307, %dma_start3A_308] : memref<100000x32xf32, #tpu.memory_space<hbm>> -> memref<100000x32xf32, #tpu.memory_space<hbm>>
      tpu.enqueue_indirect_dma source(%dma_start3A_309 : memref<100000x32xf32, #tpu.memory_space<hbm>>) target(%dma_start3A_305 : memref<128x32xf32, #tpu.memory_space<vmem>>) offsets(%dma_start3A_306 : memref<128xi32, #tpu.memory_space<vmem>>) semaphore(%arg21 : memref<!tpu.dma_semaphore, #tpu.memory_space<semaphore_mem>>) {add = true}
      %mul3A_310 = arith.constant 4 : i32
      %mul3A_311 = arith.muli %scan3A_48, %mul3A_310 : i32
      %add3A_312 = arith.constant 0 : i32
      %add3A_313 = arith.addi %add3A_312, %mul3A_311 : i32
      %add3A_314 = arith.constant 3 : i32
      %add3A_315 = arith.addi %add3A_313, %add3A_314 : i32
      %mul3A_316 = arith.constant 128 : i32
      %mul3A_317 = arith.muli %add3A_315, %mul3A_316 : i32
      %add3A_318 = arith.constant 384 : i32
      %add3A_319 = vector.broadcast %add3A_318 : i32 to vector<16xi32>
      %add3A_320 = arith.addi %add3A_319, %iota3A : vector<16xi32>
      %gather3A_321 = tpu.vector_load_idx %arg12[%add3A_320, %broadcast_in_dim3A] : memref<512x20xi32, #tpu.memory_space<vmem>>[vector<16xi32>, vector<16xi32>], vector<16xi32>,
      %add3A_322 = arith.constant 0 : i32
      %add3A_323 = arith.addi %mul3A_317, %add3A_322 : i32
      %multiple_of3A_324 = tpu.assume_multiple %add3A_323, 16 : i32
      %swap3A_325 = arith.index_cast %multiple_of3A_324 : i32 to index
      %swap3A_326 = tpu.vector_load %arg15[%swap3A_325] {strides = array<i32>} : memref<16384xi32, #tpu.memory_space<vmem>>, vector<16xi32>,
      tpu.vector_store %arg15[%swap3A_325], %gather3A_321 {strides = array<i32>} : memref<16384xi32, #tpu.memory_space<vmem>>, vector<16xi32>,
      %add3A_327 = arith.constant 400 : i32
      %add3A_328 = vector.broadcast %add3A_327 : i32 to vector<16xi32>
      %add3A_329 = arith.addi %add3A_328, %iota3A : vector<16xi32>
      %gather3A_330 = tpu.vector_load_idx %arg12[%add3A_329, %broadcast_in_dim3A] : memref<512x20xi32, #tpu.memory_space<vmem>>[vector<16xi32>, vector<16xi32>], vector<16xi32>,
      %add3A_331 = arith.constant 16 : i32
      %add3A_332 = arith.addi %mul3A_317, %add3A_331 : i32
      %multiple_of3A_333 = tpu.assume_multiple %add3A_332, 16 : i32
      %swap3A_334 = arith.index_cast %multiple_of3A_333 : i32 to index
      %swap3A_335 = tpu.vector_load %arg15[%swap3A_334] {strides = array<i32>} : memref<16384xi32, #tpu.memory_space<vmem>>, vector<16xi32>,
      tpu.vector_store %arg15[%swap3A_334], %gather3A_330 {strides = array<i32>} : memref<16384xi32, #tpu.memory_space<vmem>>, vector<16xi32>,
      %add3A_336 = arith.constant 416 : i32
      %add3A_337 = vector.broadcast %add3A_336 : i32 to vector<16xi32>
      %add3A_338 = arith.addi %add3A_337, %iota3A : vector<16xi32>
      %gather3A_339 = tpu.vector_load_idx %arg12[%add3A_338, %broadcast_in_dim3A] : memref<512x20xi32, #tpu.memory_space<vmem>>[vector<16xi32>, vector<16xi32>], vector<16xi32>,
      %add3A_340 = arith.constant 32 : i32
      %add3A_341 = arith.addi %mul3A_317, %add3A_340 : i32
      %multiple_of3A_342 = tpu.assume_multiple %add3A_341, 16 : i32
      %swap3A_343 = arith.index_cast %multiple_of3A_342 : i32 to index
      %swap3A_344 = tpu.vector_load %arg15[%swap3A_343] {strides = array<i32>} : memref<16384xi32, #tpu.memory_space<vmem>>, vector<16xi32>,
      tpu.vector_store %arg15[%swap3A_343], %gather3A_339 {strides = array<i32>} : memref<16384xi32, #tpu.memory_space<vmem>>, vector<16xi32>,
      %add3A_345 = arith.constant 432 : i32
      %add3A_346 = vector.broadcast %add3A_345 : i32 to vector<16xi32>
      %add3A_347 = arith.addi %add3A_346, %iota3A : vector<16xi32>
      %gather3A_348 = tpu.vector_load_idx %arg12[%add3A_347, %broadcast_in_dim3A] : memref<512x20xi32, #tpu.memory_space<vmem>>[vector<16xi32>, vector<16xi32>], vector<16xi32>,
      %add3A_349 = arith.constant 48 : i32
      %add3A_350 = arith.addi %mul3A_317, %add3A_349 : i32
      %multiple_of3A_351 = tpu.assume_multiple %add3A_350, 16 : i32
      %swap3A_352 = arith.index_cast %multiple_of3A_351 : i32 to index
      %swap3A_353 = tpu.vector_load %arg15[%swap3A_352] {strides = array<i32>} : memref<16384xi32, #tpu.memory_space<vmem>>, vector<16xi32>,
      tpu.vector_store %arg15[%swap3A_352], %gather3A_348 {strides = array<i32>} : memref<16384xi32, #tpu.memory_space<vmem>>, vector<16xi32>,
      %add3A_354 = arith.constant 448 : i32
      %add3A_355 = vector.broadcast %add3A_354 : i32 to vector<16xi32>
      %add3A_356 = arith.addi %add3A_355, %iota3A : vector<16xi32>
      %gather3A_357 = tpu.vector_load_idx %arg12[%add3A_356, %broadcast_in_dim3A] : memref<512x20xi32, #tpu.memory_space<vmem>>[vector<16xi32>, vector<16xi32>], vector<16xi32>,
      %add3A_358 = arith.constant 64 : i32
      %add3A_359 = arith.addi %mul3A_317, %add3A_358 : i32
      %multiple_of3A_360 = tpu.assume_multiple %add3A_359, 16 : i32
      %swap3A_361 = arith.index_cast %multiple_of3A_360 : i32 to index
      %swap3A_362 = tpu.vector_load %arg15[%swap3A_361] {strides = array<i32>} : memref<16384xi32, #tpu.memory_space<vmem>>, vector<16xi32>,
      tpu.vector_store %arg15[%swap3A_361], %gather3A_357 {strides = array<i32>} : memref<16384xi32, #tpu.memory_space<vmem>>, vector<16xi32>,
      %add3A_363 = arith.constant 464 : i32
      %add3A_364 = vector.broadcast %add3A_363 : i32 to vector<16xi32>
      %add3A_365 = arith.addi %add3A_364, %iota3A : vector<16xi32>
      %gather3A_366 = tpu.vector_load_idx %arg12[%add3A_365, %broadcast_in_dim3A] : memref<512x20xi32, #tpu.memory_space<vmem>>[vector<16xi32>, vector<16xi32>], vector<16xi32>,
      %add3A_367 = arith.constant 80 : i32
      %add3A_368 = arith.addi %mul3A_317, %add3A_367 : i32
      %multiple_of3A_369 = tpu.assume_multiple %add3A_368, 16 : i32
      %swap3A_370 = arith.index_cast %multiple_of3A_369 : i32 to index
      %swap3A_371 = tpu.vector_load %arg15[%swap3A_370] {strides = array<i32>} : memref<16384xi32, #tpu.memory_space<vmem>>, vector<16xi32>,
      tpu.vector_store %arg15[%swap3A_370], %gather3A_366 {strides = array<i32>} : memref<16384xi32, #tpu.memory_space<vmem>>, vector<16xi32>,
      %add3A_372 = arith.constant 480 : i32
      %add3A_373 = vector.broadcast %add3A_372 : i32 to vector<16xi32>
      %add3A_374 = arith.addi %add3A_373, %iota3A : vector<16xi32>
      %gather3A_375 = tpu.vector_load_idx %arg12[%add3A_374, %broadcast_in_dim3A] : memref<512x20xi32, #tpu.memory_space<vmem>>[vector<16xi32>, vector<16xi32>], vector<16xi32>,
      %add3A_376 = arith.constant 96 : i32
      %add3A_377 = arith.addi %mul3A_317, %add3A_376 : i32
      %multiple_of3A_378 = tpu.assume_multiple %add3A_377, 16 : i32
      %swap3A_379 = arith.index_cast %multiple_of3A_378 : i32 to index
      %swap3A_380 = tpu.vector_load %arg15[%swap3A_379] {strides = array<i32>} : memref<16384xi32, #tpu.memory_space<vmem>>, vector<16xi32>,
      tpu.vector_store %arg15[%swap3A_379], %gather3A_375 {strides = array<i32>} : memref<16384xi32, #tpu.memory_space<vmem>>, vector<16xi32>,
      %add3A_381 = arith.constant 496 : i32
      %add3A_382 = vector.broadcast %add3A_381 : i32 to vector<16xi32>
      %add3A_383 = arith.addi %add3A_382, %iota3A : vector<16xi32>
      %gather3A_384 = tpu.vector_load_idx %arg12[%add3A_383, %broadcast_in_dim3A] : memref<512x20xi32, #tpu.memory_space<vmem>>[vector<16xi32>, vector<16xi32>], vector<16xi32>,
      %add3A_385 = arith.constant 112 : i32
      %add3A_386 = arith.addi %mul3A_317, %add3A_385 : i32
      %multiple_of3A_387 = tpu.assume_multiple %add3A_386, 16 : i32
      %swap3A_388 = arith.index_cast %multiple_of3A_387 : i32 to index
      %swap3A_389 = tpu.vector_load %arg15[%swap3A_388] {strides = array<i32>} : memref<16384xi32, #tpu.memory_space<vmem>>, vector<16xi32>,
      tpu.vector_store %arg15[%swap3A_388], %gather3A_384 {strides = array<i32>} : memref<16384xi32, #tpu.memory_space<vmem>>, vector<16xi32>,
      %multiple_of3A_390 = tpu.assume_multiple %mul3A_317, 128 : i32
      %dma_start3A_391 = arith.constant 384 : i32
      %dma_start3A_392 = arith.constant 0 : i32
      %dma_start3A_393 = tpu.memref_slice %arg16[%dma_start3A_391, %dma_start3A_392] : memref<512x32xf32, #tpu.memory_space<vmem>> -> memref<128x32xf32, #tpu.memory_space<vmem>>
      %dma_start3A_394 = tpu.memref_slice %arg15[%multiple_of3A_390] : memref<16384xi32, #tpu.memory_space<vmem>> -> memref<128xi32, #tpu.memory_space<vmem>>
      %dma_start3A_395 = arith.constant 0 : i32
      %dma_start3A_396 = arith.constant 0 : i32
      %dma_start3A_397 = tpu.memref_slice %arg2[%dma_start3A_395, %dma_start3A_396] : memref<100000x32xf32, #tpu.memory_space<hbm>> -> memref<100000x32xf32, #tpu.memory_space<hbm>>
      tpu.enqueue_indirect_dma source(%dma_start3A_397 : memref<100000x32xf32, #tpu.memory_space<hbm>>) target(%dma_start3A_393 : memref<128x32xf32, #tpu.memory_space<vmem>>) offsets(%dma_start3A_394 : memref<128xi32, #tpu.memory_space<vmem>>) semaphore(%arg21 : memref<!tpu.dma_semaphore, #tpu.memory_space<semaphore_mem>>) {add = true}
    }
    %scan3A_29 = arith.constant 20 : i32
    %scan3A_30 = arith.constant 0 : i32
    %scan3A_31 = arith.constant 0 : i32
    %scan3A_32 = arith.constant 4 : i32
    %scan3A_33 = arith.addi %scan3A_31, %scan3A_32 : i32
    %scan3A_34 = arith.constant 1 : i32
    scf.for %scan3A_48 = %scan3A_31 to %scan3A_33 step %scan3A_34  : i32 {
      %broadcast_in_dim3A = vector.broadcast %scan3A_48 : i32 to vector<16xi32>
      %mul3A_49 = arith.constant 4 : i32
      %mul3A_50 = arith.muli %scan3A_48, %mul3A_49 : i32
      %add3A_51 = arith.constant 80 : i32
      %add3A_52 = arith.addi %add3A_51, %mul3A_50 : i32
      %add3A_53 = arith.constant 0 : i32
      %add3A_54 = arith.addi %add3A_52, %add3A_53 : i32
      %mul3A_55 = arith.constant 128 : i32
      %mul3A_56 = arith.muli %add3A_54, %mul3A_55 : i32
      %add3A_57 = arith.constant 0 : i32
      %add3A_58 = vector.broadcast %add3A_57 : i32 to vector<16xi32>
      %add3A_59 = arith.addi %add3A_58, %iota3A : vector<16xi32>
      %gather3A = tpu.vector_load_idx %arg13[%add3A_59, %broadcast_in_dim3A] : memref<512x4xi32, #tpu.memory_space<vmem>>[vector<16xi32>, vector<16xi32>], vector<16xi32>,
      %add3A_60 = arith.constant 0 : i32
      %add3A_61 = arith.addi %mul3A_56, %add3A_60 : i32
      %multiple_of3A = tpu.assume_multiple %add3A_61, 16 : i32
      %swap3A = arith.index_cast %multiple_of3A : i32 to index
      %swap3A_62 = tpu.vector_load %arg15[%swap3A] {strides = array<i32>} : memref<16384xi32, #tpu.memory_space<vmem>>, vector<16xi32>,
      tpu.vector_store %arg15[%swap3A], %gather3A {strides = array<i32>} : memref<16384xi32, #tpu.memory_space<vmem>>, vector<16xi32>,
      %add3A_63 = arith.constant 16 : i32
      %add3A_64 = vector.broadcast %add3A_63 : i32 to vector<16xi32>
      %add3A_65 = arith.addi %add3A_64, %iota3A : vector<16xi32>
      %gather3A_66 = tpu.vector_load_idx %arg13[%add3A_65, %broadcast_in_dim3A] : memref<512x4xi32, #tpu.memory_space<vmem>>[vector<16xi32>, vector<16xi32>], vector<16xi32>,
      %add3A_67 = arith.constant 16 : i32
      %add3A_68 = arith.addi %mul3A_56, %add3A_67 : i32
      %multiple_of3A_69 = tpu.assume_multiple %add3A_68, 16 : i32
      %swap3A_70 = arith.index_cast %multiple_of3A_69 : i32 to index
      %swap3A_71 = tpu.vector_load %arg15[%swap3A_70] {strides = array<i32>} : memref<16384xi32, #tpu.memory_space<vmem>>, vector<16xi32>,
      tpu.vector_store %arg15[%swap3A_70], %gather3A_66 {strides = array<i32>} : memref<16384xi32, #tpu.memory_space<vmem>>, vector<16xi32>,
      %add3A_72 = arith.constant 32 : i32
      %add3A_73 = vector.broadcast %add3A_72 : i32 to vector<16xi32>
      %add3A_74 = arith.addi %add3A_73, %iota3A : vector<16xi32>
      %gather3A_75 = tpu.vector_load_idx %arg13[%add3A_74, %broadcast_in_dim3A] : memref<512x4xi32, #tpu.memory_space<vmem>>[vector<16xi32>, vector<16xi32>], vector<16xi32>,
      %add3A_76 = arith.constant 32 : i32
      %add3A_77 = arith.addi %mul3A_56, %add3A_76 : i32
      %multiple_of3A_78 = tpu.assume_multiple %add3A_77, 16 : i32
      %swap3A_79 = arith.index_cast %multiple_of3A_78 : i32 to index
      %swap3A_80 = tpu.vector_load %arg15[%swap3A_79] {strides = array<i32>} : memref<16384xi32, #tpu.memory_space<vmem>>, vector<16xi32>,
      tpu.vector_store %arg15[%swap3A_79], %gather3A_75 {strides = array<i32>} : memref<16384xi32, #tpu.memory_space<vmem>>, vector<16xi32>,
      %add3A_81 = arith.constant 48 : i32
      %add3A_82 = vector.broadcast %add3A_81 : i32 to vector<16xi32>
      %add3A_83 = arith.addi %add3A_82, %iota3A : vector<16xi32>
      %gather3A_84 = tpu.vector_load_idx %arg13[%add3A_83, %broadcast_in_dim3A] : memref<512x4xi32, #tpu.memory_space<vmem>>[vector<16xi32>, vector<16xi32>], vector<16xi32>,
      %add3A_85 = arith.constant 48 : i32
      %add3A_86 = arith.addi %mul3A_56, %add3A_85 : i32
      %multiple_of3A_87 = tpu.assume_multiple %add3A_86, 16 : i32
      %swap3A_88 = arith.index_cast %multiple_of3A_87 : i32 to index
      %swap3A_89 = tpu.vector_load %arg15[%swap3A_88] {strides = array<i32>} : memref<16384xi32, #tpu.memory_space<vmem>>, vector<16xi32>,
      tpu.vector_store %arg15[%swap3A_88], %gather3A_84 {strides = array<i32>} : memref<16384xi32, #tpu.memory_space<vmem>>, vector<16xi32>,
      %add3A_90 = arith.constant 64 : i32
      %add3A_91 = vector.broadcast %add3A_90 : i32 to vector<16xi32>
      %add3A_92 = arith.addi %add3A_91, %iota3A : vector<16xi32>
      %gather3A_93 = tpu.vector_load_idx %arg13[%add3A_92, %broadcast_in_dim3A] : memref<512x4xi32, #tpu.memory_space<vmem>>[vector<16xi32>, vector<16xi32>], vector<16xi32>,
      %add3A_94 = arith.constant 64 : i32
      %add3A_95 = arith.addi %mul3A_56, %add3A_94 : i32
      %multiple_of3A_96 = tpu.assume_multiple %add3A_95, 16 : i32
      %swap3A_97 = arith.index_cast %multiple_of3A_96 : i32 to index
      %swap3A_98 = tpu.vector_load %arg15[%swap3A_97] {strides = array<i32>} : memref<16384xi32, #tpu.memory_space<vmem>>, vector<16xi32>,
      tpu.vector_store %arg15[%swap3A_97], %gather3A_93 {strides = array<i32>} : memref<16384xi32, #tpu.memory_space<vmem>>, vector<16xi32>,
      %add3A_99 = arith.constant 80 : i32
      %add3A_100 = vector.broadcast %add3A_99 : i32 to vector<16xi32>
      %add3A_101 = arith.addi %add3A_100, %iota3A : vector<16xi32>
      %gather3A_102 = tpu.vector_load_idx %arg13[%add3A_101, %broadcast_in_dim3A] : memref<512x4xi32, #tpu.memory_space<vmem>>[vector<16xi32>, vector<16xi32>], vector<16xi32>,
      %add3A_103 = arith.constant 80 : i32
      %add3A_104 = arith.addi %mul3A_56, %add3A_103 : i32
      %multiple_of3A_105 = tpu.assume_multiple %add3A_104, 16 : i32
      %swap3A_106 = arith.index_cast %multiple_of3A_105 : i32 to index
      %swap3A_107 = tpu.vector_load %arg15[%swap3A_106] {strides = array<i32>} : memref<16384xi32, #tpu.memory_space<vmem>>, vector<16xi32>,
      tpu.vector_store %arg15[%swap3A_106], %gather3A_102 {strides = array<i32>} : memref<16384xi32, #tpu.memory_space<vmem>>, vector<16xi32>,
      %add3A_108 = arith.constant 96 : i32
      %add3A_109 = vector.broadcast %add3A_108 : i32 to vector<16xi32>
      %add3A_110 = arith.addi %add3A_109, %iota3A : vector<16xi32>
      %gather3A_111 = tpu.vector_load_idx %arg13[%add3A_110, %broadcast_in_dim3A] : memref<512x4xi32, #tpu.memory_space<vmem>>[vector<16xi32>, vector<16xi32>], vector<16xi32>,
      %add3A_112 = arith.constant 96 : i32
      %add3A_113 = arith.addi %mul3A_56, %add3A_112 : i32
      %multiple_of3A_114 = tpu.assume_multiple %add3A_113, 16 : i32
      %swap3A_115 = arith.index_cast %multiple_of3A_114 : i32 to index
      %swap3A_116 = tpu.vector_load %arg15[%swap3A_115] {strides = array<i32>} : memref<16384xi32, #tpu.memory_space<vmem>>, vector<16xi32>,
      tpu.vector_store %arg15[%swap3A_115], %gather3A_111 {strides = array<i32>} : memref<16384xi32, #tpu.memory_space<vmem>>, vector<16xi32>,
      %add3A_117 = arith.constant 112 : i32
      %add3A_118 = vector.broadcast %add3A_117 : i32 to vector<16xi32>
      %add3A_119 = arith.addi %add3A_118, %iota3A : vector<16xi32>
      %gather3A_120 = tpu.vector_load_idx %arg13[%add3A_119, %broadcast_in_dim3A] : memref<512x4xi32, #tpu.memory_space<vmem>>[vector<16xi32>, vector<16xi32>], vector<16xi32>,
      %add3A_121 = arith.constant 112 : i32
      %add3A_122 = arith.addi %mul3A_56, %add3A_121 : i32
      %multiple_of3A_123 = tpu.assume_multiple %add3A_122, 16 : i32
      %swap3A_124 = arith.index_cast %multiple_of3A_123 : i32 to index
      %swap3A_125 = tpu.vector_load %arg15[%swap3A_124] {strides = array<i32>} : memref<16384xi32, #tpu.memory_space<vmem>>, vector<16xi32>,
      tpu.vector_store %arg15[%swap3A_124], %gather3A_120 {strides = array<i32>} : memref<16384xi32, #tpu.memory_space<vmem>>, vector<16xi32>,
      %multiple_of3A_126 = tpu.assume_multiple %mul3A_56, 128 : i32
      %dma_start3A_127 = arith.constant 0 : i32
      %dma_start3A_128 = arith.constant 0 : i32
      %dma_start3A_129 = tpu.memref_slice %arg17[%dma_start3A_127, %dma_start3A_128] : memref<512x32xf32, #tpu.memory_space<vmem>> -> memref<128x32xf32, #tpu.memory_space<vmem>>
      %dma_start3A_130 = tpu.memref_slice %arg15[%multiple_of3A_126] : memref<16384xi32, #tpu.memory_space<vmem>> -> memref<128xi32, #tpu.memory_space<vmem>>
      %dma_start3A_131 = arith.constant 0 : i32
      %dma_start3A_132 = arith.constant 0 : i32
      %dma_start3A_133 = tpu.memref_slice %arg3[%dma_start3A_131, %dma_start3A_132] : memref<1000x32xf32, #tpu.memory_space<hbm>> -> memref<1000x32xf32, #tpu.memory_space<hbm>>
      tpu.enqueue_indirect_dma source(%dma_start3A_133 : memref<1000x32xf32, #tpu.memory_space<hbm>>) target(%dma_start3A_129 : memref<128x32xf32, #tpu.memory_space<vmem>>) offsets(%dma_start3A_130 : memref<128xi32, #tpu.memory_space<vmem>>) semaphore(%arg21 : memref<!tpu.dma_semaphore, #tpu.memory_space<semaphore_mem>>) {add = true}
      %mul3A_134 = arith.constant 4 : i32
      %mul3A_135 = arith.muli %scan3A_48, %mul3A_134 : i32
      %add3A_136 = arith.constant 80 : i32
      %add3A_137 = arith.addi %add3A_136, %mul3A_135 : i32
      %add3A_138 = arith.constant 1 : i32
      %add3A_139 = arith.addi %add3A_137, %add3A_138 : i32
      %mul3A_140 = arith.constant 128 : i32
      %mul3A_141 = arith.muli %add3A_139, %mul3A_140 : i32
      %add3A_142 = arith.constant 128 : i32
      %add3A_143 = vector.broadcast %add3A_142 : i32 to vector<16xi32>
      %add3A_144 = arith.addi %add3A_143, %iota3A : vector<16xi32>
      %gather3A_145 = tpu.vector_load_idx %arg13[%add3A_144, %broadcast_in_dim3A] : memref<512x4xi32, #tpu.memory_space<vmem>>[vector<16xi32>, vector<16xi32>], vector<16xi32>,
      %add3A_146 = arith.constant 0 : i32
      %add3A_147 = arith.addi %mul3A_141, %add3A_146 : i32
      %multiple_of3A_148 = tpu.assume_multiple %add3A_147, 16 : i32
      %swap3A_149 = arith.index_cast %multiple_of3A_148 : i32 to index
      %swap3A_150 = tpu.vector_load %arg15[%swap3A_149] {strides = array<i32>} : memref<16384xi32, #tpu.memory_space<vmem>>, vector<16xi32>,
      tpu.vector_store %arg15[%swap3A_149], %gather3A_145 {strides = array<i32>} : memref<16384xi32, #tpu.memory_space<vmem>>, vector<16xi32>,
      %add3A_151 = arith.constant 144 : i32
      %add3A_152 = vector.broadcast %add3A_151 : i32 to vector<16xi32>
      %add3A_153 = arith.addi %add3A_152, %iota3A : vector<16xi32>
      %gather3A_154 = tpu.vector_load_idx %arg13[%add3A_153, %broadcast_in_dim3A] : memref<512x4xi32, #tpu.memory_space<vmem>>[vector<16xi32>, vector<16xi32>], vector<16xi32>,
      %add3A_155 = arith.constant 16 : i32
      %add3A_156 = arith.addi %mul3A_141, %add3A_155 : i32
      %multiple_of3A_157 = tpu.assume_multiple %add3A_156, 16 : i32
      %swap3A_158 = arith.index_cast %multiple_of3A_157 : i32 to index
      %swap3A_159 = tpu.vector_load %arg15[%swap3A_158] {strides = array<i32>} : memref<16384xi32, #tpu.memory_space<vmem>>, vector<16xi32>,
      tpu.vector_store %arg15[%swap3A_158], %gather3A_154 {strides = array<i32>} : memref<16384xi32, #tpu.memory_space<vmem>>, vector<16xi32>,
      %add3A_160 = arith.constant 160 : i32
      %add3A_161 = vector.broadcast %add3A_160 : i32 to vector<16xi32>
      %add3A_162 = arith.addi %add3A_161, %iota3A : vector<16xi32>
      %gather3A_163 = tpu.vector_load_idx %arg13[%add3A_162, %broadcast_in_dim3A] : memref<512x4xi32, #tpu.memory_space<vmem>>[vector<16xi32>, vector<16xi32>], vector<16xi32>,
      %add3A_164 = arith.constant 32 : i32
      %add3A_165 = arith.addi %mul3A_141, %add3A_164 : i32
      %multiple_of3A_166 = tpu.assume_multiple %add3A_165, 16 : i32
      %swap3A_167 = arith.index_cast %multiple_of3A_166 : i32 to index
      %swap3A_168 = tpu.vector_load %arg15[%swap3A_167] {strides = array<i32>} : memref<16384xi32, #tpu.memory_space<vmem>>, vector<16xi32>,
      tpu.vector_store %arg15[%swap3A_167], %gather3A_163 {strides = array<i32>} : memref<16384xi32, #tpu.memory_space<vmem>>, vector<16xi32>,
      %add3A_169 = arith.constant 176 : i32
      %add3A_170 = vector.broadcast %add3A_169 : i32 to vector<16xi32>
      %add3A_171 = arith.addi %add3A_170, %iota3A : vector<16xi32>
      %gather3A_172 = tpu.vector_load_idx %arg13[%add3A_171, %broadcast_in_dim3A] : memref<512x4xi32, #tpu.memory_space<vmem>>[vector<16xi32>, vector<16xi32>], vector<16xi32>,
      %add3A_173 = arith.constant 48 : i32
      %add3A_174 = arith.addi %mul3A_141, %add3A_173 : i32
      %multiple_of3A_175 = tpu.assume_multiple %add3A_174, 16 : i32
      %swap3A_176 = arith.index_cast %multiple_of3A_175 : i32 to index
      %swap3A_177 = tpu.vector_load %arg15[%swap3A_176] {strides = array<i32>} : memref<16384xi32, #tpu.memory_space<vmem>>, vector<16xi32>,
      tpu.vector_store %arg15[%swap3A_176], %gather3A_172 {strides = array<i32>} : memref<16384xi32, #tpu.memory_space<vmem>>, vector<16xi32>,
      %add3A_178 = arith.constant 192 : i32
      %add3A_179 = vector.broadcast %add3A_178 : i32 to vector<16xi32>
      %add3A_180 = arith.addi %add3A_179, %iota3A : vector<16xi32>
      %gather3A_181 = tpu.vector_load_idx %arg13[%add3A_180, %broadcast_in_dim3A] : memref<512x4xi32, #tpu.memory_space<vmem>>[vector<16xi32>, vector<16xi32>], vector<16xi32>,
      %add3A_182 = arith.constant 64 : i32
      %add3A_183 = arith.addi %mul3A_141, %add3A_182 : i32
      %multiple_of3A_184 = tpu.assume_multiple %add3A_183, 16 : i32
      %swap3A_185 = arith.index_cast %multiple_of3A_184 : i32 to index
      %swap3A_186 = tpu.vector_load %arg15[%swap3A_185] {strides = array<i32>} : memref<16384xi32, #tpu.memory_space<vmem>>, vector<16xi32>,
      tpu.vector_store %arg15[%swap3A_185], %gather3A_181 {strides = array<i32>} : memref<16384xi32, #tpu.memory_space<vmem>>, vector<16xi32>,
      %add3A_187 = arith.constant 208 : i32
      %add3A_188 = vector.broadcast %add3A_187 : i32 to vector<16xi32>
      %add3A_189 = arith.addi %add3A_188, %iota3A : vector<16xi32>
      %gather3A_190 = tpu.vector_load_idx %arg13[%add3A_189, %broadcast_in_dim3A] : memref<512x4xi32, #tpu.memory_space<vmem>>[vector<16xi32>, vector<16xi32>], vector<16xi32>,
      %add3A_191 = arith.constant 80 : i32
      %add3A_192 = arith.addi %mul3A_141, %add3A_191 : i32
      %multiple_of3A_193 = tpu.assume_multiple %add3A_192, 16 : i32
      %swap3A_194 = arith.index_cast %multiple_of3A_193 : i32 to index
      %swap3A_195 = tpu.vector_load %arg15[%swap3A_194] {strides = array<i32>} : memref<16384xi32, #tpu.memory_space<vmem>>, vector<16xi32>,
      tpu.vector_store %arg15[%swap3A_194], %gather3A_190 {strides = array<i32>} : memref<16384xi32, #tpu.memory_space<vmem>>, vector<16xi32>,
      %add3A_196 = arith.constant 224 : i32
      %add3A_197 = vector.broadcast %add3A_196 : i32 to vector<16xi32>
      %add3A_198 = arith.addi %add3A_197, %iota3A : vector<16xi32>
      %gather3A_199 = tpu.vector_load_idx %arg13[%add3A_198, %broadcast_in_dim3A] : memref<512x4xi32, #tpu.memory_space<vmem>>[vector<16xi32>, vector<16xi32>], vector<16xi32>,
      %add3A_200 = arith.constant 96 : i32
      %add3A_201 = arith.addi %mul3A_141, %add3A_200 : i32
      %multiple_of3A_202 = tpu.assume_multiple %add3A_201, 16 : i32
      %swap3A_203 = arith.index_cast %multiple_of3A_202 : i32 to index
      %swap3A_204 = tpu.vector_load %arg15[%swap3A_203] {strides = array<i32>} : memref<16384xi32, #tpu.memory_space<vmem>>, vector<16xi32>,
      tpu.vector_store %arg15[%swap3A_203], %gather3A_199 {strides = array<i32>} : memref<16384xi32, #tpu.memory_space<vmem>>, vector<16xi32>,
      %add3A_205 = arith.constant 240 : i32
      %add3A_206 = vector.broadcast %add3A_205 : i32 to vector<16xi32>
      %add3A_207 = arith.addi %add3A_206, %iota3A : vector<16xi32>
      %gather3A_208 = tpu.vector_load_idx %arg13[%add3A_207, %broadcast_in_dim3A] : memref<512x4xi32, #tpu.memory_space<vmem>>[vector<16xi32>, vector<16xi32>], vector<16xi32>,
      %add3A_209 = arith.constant 112 : i32
      %add3A_210 = arith.addi %mul3A_141, %add3A_209 : i32
      %multiple_of3A_211 = tpu.assume_multiple %add3A_210, 16 : i32
      %swap3A_212 = arith.index_cast %multiple_of3A_211 : i32 to index
      %swap3A_213 = tpu.vector_load %arg15[%swap3A_212] {strides = array<i32>} : memref<16384xi32, #tpu.memory_space<vmem>>, vector<16xi32>,
      tpu.vector_store %arg15[%swap3A_212], %gather3A_208 {strides = array<i32>} : memref<16384xi32, #tpu.memory_space<vmem>>, vector<16xi32>,
      %multiple_of3A_214 = tpu.assume_multiple %mul3A_141, 128 : i32
      %dma_start3A_215 = arith.constant 128 : i32
      %dma_start3A_216 = arith.constant 0 : i32
      %dma_start3A_217 = tpu.memref_slice %arg17[%dma_start3A_215, %dma_start3A_216] : memref<512x32xf32, #tpu.memory_space<vmem>> -> memref<128x32xf32, #tpu.memory_space<vmem>>
      %dma_start3A_218 = tpu.memref_slice %arg15[%multiple_of3A_214] : memref<16384xi32, #tpu.memory_space<vmem>> -> memref<128xi32, #tpu.memory_space<vmem>>
      %dma_start3A_219 = arith.constant 0 : i32
      %dma_start3A_220 = arith.constant 0 : i32
      %dma_start3A_221 = tpu.memref_slice %arg3[%dma_start3A_219, %dma_start3A_220] : memref<1000x32xf32, #tpu.memory_space<hbm>> -> memref<1000x32xf32, #tpu.memory_space<hbm>>
      tpu.enqueue_indirect_dma source(%dma_start3A_221 : memref<1000x32xf32, #tpu.memory_space<hbm>>) target(%dma_start3A_217 : memref<128x32xf32, #tpu.memory_space<vmem>>) offsets(%dma_start3A_218 : memref<128xi32, #tpu.memory_space<vmem>>) semaphore(%arg21 : memref<!tpu.dma_semaphore, #tpu.memory_space<semaphore_mem>>) {add = true}
      %mul3A_222 = arith.constant 4 : i32
      %mul3A_223 = arith.muli %scan3A_48, %mul3A_222 : i32
      %add3A_224 = arith.constant 80 : i32
      %add3A_225 = arith.addi %add3A_224, %mul3A_223 : i32
      %add3A_226 = arith.constant 2 : i32
      %add3A_227 = arith.addi %add3A_225, %add3A_226 : i32
      %mul3A_228 = arith.constant 128 : i32
      %mul3A_229 = arith.muli %add3A_227, %mul3A_228 : i32
      %add3A_230 = arith.constant 256 : i32
      %add3A_231 = vector.broadcast %add3A_230 : i32 to vector<16xi32>
      %add3A_232 = arith.addi %add3A_231, %iota3A : vector<16xi32>
      %gather3A_233 = tpu.vector_load_idx %arg13[%add3A_232, %broadcast_in_dim3A] : memref<512x4xi32, #tpu.memory_space<vmem>>[vector<16xi32>, vector<16xi32>], vector<16xi32>,
      %add3A_234 = arith.constant 0 : i32
      %add3A_235 = arith.addi %mul3A_229, %add3A_234 : i32
      %multiple_of3A_236 = tpu.assume_multiple %add3A_235, 16 : i32
      %swap3A_237 = arith.index_cast %multiple_of3A_236 : i32 to index
      %swap3A_238 = tpu.vector_load %arg15[%swap3A_237] {strides = array<i32>} : memref<16384xi32, #tpu.memory_space<vmem>>, vector<16xi32>,
      tpu.vector_store %arg15[%swap3A_237], %gather3A_233 {strides = array<i32>} : memref<16384xi32, #tpu.memory_space<vmem>>, vector<16xi32>,
      %add3A_239 = arith.constant 272 : i32
      %add3A_240 = vector.broadcast %add3A_239 : i32 to vector<16xi32>
      %add3A_241 = arith.addi %add3A_240, %iota3A : vector<16xi32>
      %gather3A_242 = tpu.vector_load_idx %arg13[%add3A_241, %broadcast_in_dim3A] : memref<512x4xi32, #tpu.memory_space<vmem>>[vector<16xi32>, vector<16xi32>], vector<16xi32>,
      %add3A_243 = arith.constant 16 : i32
      %add3A_244 = arith.addi %mul3A_229, %add3A_243 : i32
      %multiple_of3A_245 = tpu.assume_multiple %add3A_244, 16 : i32
      %swap3A_246 = arith.index_cast %multiple_of3A_245 : i32 to index
      %swap3A_247 = tpu.vector_load %arg15[%swap3A_246] {strides = array<i32>} : memref<16384xi32, #tpu.memory_space<vmem>>, vector<16xi32>,
      tpu.vector_store %arg15[%swap3A_246], %gather3A_242 {strides = array<i32>} : memref<16384xi32, #tpu.memory_space<vmem>>, vector<16xi32>,
      %add3A_248 = arith.constant 288 : i32
      %add3A_249 = vector.broadcast %add3A_248 : i32 to vector<16xi32>
      %add3A_250 = arith.addi %add3A_249, %iota3A : vector<16xi32>
      %gather3A_251 = tpu.vector_load_idx %arg13[%add3A_250, %broadcast_in_dim3A] : memref<512x4xi32, #tpu.memory_space<vmem>>[vector<16xi32>, vector<16xi32>], vector<16xi32>,
      %add3A_252 = arith.constant 32 : i32
      %add3A_253 = arith.addi %mul3A_229, %add3A_252 : i32
      %multiple_of3A_254 = tpu.assume_multiple %add3A_253, 16 : i32
      %swap3A_255 = arith.index_cast %multiple_of3A_254 : i32 to index
      %swap3A_256 = tpu.vector_load %arg15[%swap3A_255] {strides = array<i32>} : memref<16384xi32, #tpu.memory_space<vmem>>, vector<16xi32>,
      tpu.vector_store %arg15[%swap3A_255], %gather3A_251 {strides = array<i32>} : memref<16384xi32, #tpu.memory_space<vmem>>, vector<16xi32>,
      %add3A_257 = arith.constant 304 : i32
      %add3A_258 = vector.broadcast %add3A_257 : i32 to vector<16xi32>
      %add3A_259 = arith.addi %add3A_258, %iota3A : vector<16xi32>
      %gather3A_260 = tpu.vector_load_idx %arg13[%add3A_259, %broadcast_in_dim3A] : memref<512x4xi32, #tpu.memory_space<vmem>>[vector<16xi32>, vector<16xi32>], vector<16xi32>,
      %add3A_261 = arith.constant 48 : i32
      %add3A_262 = arith.addi %mul3A_229, %add3A_261 : i32
      %multiple_of3A_263 = tpu.assume_multiple %add3A_262, 16 : i32
      %swap3A_264 = arith.index_cast %multiple_of3A_263 : i32 to index
      %swap3A_265 = tpu.vector_load %arg15[%swap3A_264] {strides = array<i32>} : memref<16384xi32, #tpu.memory_space<vmem>>, vector<16xi32>,
      tpu.vector_store %arg15[%swap3A_264], %gather3A_260 {strides = array<i32>} : memref<16384xi32, #tpu.memory_space<vmem>>, vector<16xi32>,
      %add3A_266 = arith.constant 320 : i32
      %add3A_267 = vector.broadcast %add3A_266 : i32 to vector<16xi32>
      %add3A_268 = arith.addi %add3A_267, %iota3A : vector<16xi32>
      %gather3A_269 = tpu.vector_load_idx %arg13[%add3A_268, %broadcast_in_dim3A] : memref<512x4xi32, #tpu.memory_space<vmem>>[vector<16xi32>, vector<16xi32>], vector<16xi32>,
      %add3A_270 = arith.constant 64 : i32
      %add3A_271 = arith.addi %mul3A_229, %add3A_270 : i32
      %multiple_of3A_272 = tpu.assume_multiple %add3A_271, 16 : i32
      %swap3A_273 = arith.index_cast %multiple_of3A_272 : i32 to index
      %swap3A_274 = tpu.vector_load %arg15[%swap3A_273] {strides = array<i32>} : memref<16384xi32, #tpu.memory_space<vmem>>, vector<16xi32>,
      tpu.vector_store %arg15[%swap3A_273], %gather3A_269 {strides = array<i32>} : memref<16384xi32, #tpu.memory_space<vmem>>, vector<16xi32>,
      %add3A_275 = arith.constant 336 : i32
      %add3A_276 = vector.broadcast %add3A_275 : i32 to vector<16xi32>
      %add3A_277 = arith.addi %add3A_276, %iota3A : vector<16xi32>
      %gather3A_278 = tpu.vector_load_idx %arg13[%add3A_277, %broadcast_in_dim3A] : memref<512x4xi32, #tpu.memory_space<vmem>>[vector<16xi32>, vector<16xi32>], vector<16xi32>,
      %add3A_279 = arith.constant 80 : i32
      %add3A_280 = arith.addi %mul3A_229, %add3A_279 : i32
      %multiple_of3A_281 = tpu.assume_multiple %add3A_280, 16 : i32
      %swap3A_282 = arith.index_cast %multiple_of3A_281 : i32 to index
      %swap3A_283 = tpu.vector_load %arg15[%swap3A_282] {strides = array<i32>} : memref<16384xi32, #tpu.memory_space<vmem>>, vector<16xi32>,
      tpu.vector_store %arg15[%swap3A_282], %gather3A_278 {strides = array<i32>} : memref<16384xi32, #tpu.memory_space<vmem>>, vector<16xi32>,
      %add3A_284 = arith.constant 352 : i32
      %add3A_285 = vector.broadcast %add3A_284 : i32 to vector<16xi32>
      %add3A_286 = arith.addi %add3A_285, %iota3A : vector<16xi32>
      %gather3A_287 = tpu.vector_load_idx %arg13[%add3A_286, %broadcast_in_dim3A] : memref<512x4xi32, #tpu.memory_space<vmem>>[vector<16xi32>, vector<16xi32>], vector<16xi32>,
      %add3A_288 = arith.constant 96 : i32
      %add3A_289 = arith.addi %mul3A_229, %add3A_288 : i32
      %multiple_of3A_290 = tpu.assume_multiple %add3A_289, 16 : i32
      %swap3A_291 = arith.index_cast %multiple_of3A_290 : i32 to index
      %swap3A_292 = tpu.vector_load %arg15[%swap3A_291] {strides = array<i32>} : memref<16384xi32, #tpu.memory_space<vmem>>, vector<16xi32>,
      tpu.vector_store %arg15[%swap3A_291], %gather3A_287 {strides = array<i32>} : memref<16384xi32, #tpu.memory_space<vmem>>, vector<16xi32>,
      %add3A_293 = arith.constant 368 : i32
      %add3A_294 = vector.broadcast %add3A_293 : i32 to vector<16xi32>
      %add3A_295 = arith.addi %add3A_294, %iota3A : vector<16xi32>
      %gather3A_296 = tpu.vector_load_idx %arg13[%add3A_295, %broadcast_in_dim3A] : memref<512x4xi32, #tpu.memory_space<vmem>>[vector<16xi32>, vector<16xi32>], vector<16xi32>,
      %add3A_297 = arith.constant 112 : i32
      %add3A_298 = arith.addi %mul3A_229, %add3A_297 : i32
      %multiple_of3A_299 = tpu.assume_multiple %add3A_298, 16 : i32
      %swap3A_300 = arith.index_cast %multiple_of3A_299 : i32 to index
      %swap3A_301 = tpu.vector_load %arg15[%swap3A_300] {strides = array<i32>} : memref<16384xi32, #tpu.memory_space<vmem>>, vector<16xi32>,
      tpu.vector_store %arg15[%swap3A_300], %gather3A_296 {strides = array<i32>} : memref<16384xi32, #tpu.memory_space<vmem>>, vector<16xi32>,
      %multiple_of3A_302 = tpu.assume_multiple %mul3A_229, 128 : i32
      %dma_start3A_303 = arith.constant 256 : i32
      %dma_start3A_304 = arith.constant 0 : i32
      %dma_start3A_305 = tpu.memref_slice %arg17[%dma_start3A_303, %dma_start3A_304] : memref<512x32xf32, #tpu.memory_space<vmem>> -> memref<128x32xf32, #tpu.memory_space<vmem>>
      %dma_start3A_306 = tpu.memref_slice %arg15[%multiple_of3A_302] : memref<16384xi32, #tpu.memory_space<vmem>> -> memref<128xi32, #tpu.memory_space<vmem>>
      %dma_start3A_307 = arith.constant 0 : i32
      %dma_start3A_308 = arith.constant 0 : i32
      %dma_start3A_309 = tpu.memref_slice %arg3[%dma_start3A_307, %dma_start3A_308] : memref<1000x32xf32, #tpu.memory_space<hbm>> -> memref<1000x32xf32, #tpu.memory_space<hbm>>
      tpu.enqueue_indirect_dma source(%dma_start3A_309 : memref<1000x32xf32, #tpu.memory_space<hbm>>) target(%dma_start3A_305 : memref<128x32xf32, #tpu.memory_space<vmem>>) offsets(%dma_start3A_306 : memref<128xi32, #tpu.memory_space<vmem>>) semaphore(%arg21 : memref<!tpu.dma_semaphore, #tpu.memory_space<semaphore_mem>>) {add = true}
      %mul3A_310 = arith.constant 4 : i32
      %mul3A_311 = arith.muli %scan3A_48, %mul3A_310 : i32
      %add3A_312 = arith.constant 80 : i32
      %add3A_313 = arith.addi %add3A_312, %mul3A_311 : i32
      %add3A_314 = arith.constant 3 : i32
      %add3A_315 = arith.addi %add3A_313, %add3A_314 : i32
      %mul3A_316 = arith.constant 128 : i32
      %mul3A_317 = arith.muli %add3A_315, %mul3A_316 : i32
      %add3A_318 = arith.constant 384 : i32
      %add3A_319 = vector.broadcast %add3A_318 : i32 to vector<16xi32>
      %add3A_320 = arith.addi %add3A_319, %iota3A : vector<16xi32>
      %gather3A_321 = tpu.vector_load_idx %arg13[%add3A_320, %broadcast_in_dim3A] : memref<512x4xi32, #tpu.memory_space<vmem>>[vector<16xi32>, vector<16xi32>], vector<16xi32>,
      %add3A_322 = arith.constant 0 : i32
      %add3A_323 = arith.addi %mul3A_317, %add3A_322 : i32
      %multiple_of3A_324 = tpu.assume_multiple %add3A_323, 16 : i32
      %swap3A_325 = arith.index_cast %multiple_of3A_324 : i32 to index
      %swap3A_326 = tpu.vector_load %arg15[%swap3A_325] {strides = array<i32>} : memref<16384xi32, #tpu.memory_space<vmem>>, vector<16xi32>,
      tpu.vector_store %arg15[%swap3A_325], %gather3A_321 {strides = array<i32>} : memref<16384xi32, #tpu.memory_space<vmem>>, vector<16xi32>,
      %add3A_327 = arith.constant 400 : i32
      %add3A_328 = vector.broadcast %add3A_327 : i32 to vector<16xi32>
      %add3A_329 = arith.addi %add3A_328, %iota3A : vector<16xi32>
      %gather3A_330 = tpu.vector_load_idx %arg13[%add3A_329, %broadcast_in_dim3A] : memref<512x4xi32, #tpu.memory_space<vmem>>[vector<16xi32>, vector<16xi32>], vector<16xi32>,
      %add3A_331 = arith.constant 16 : i32
      %add3A_332 = arith.addi %mul3A_317, %add3A_331 : i32
      %multiple_of3A_333 = tpu.assume_multiple %add3A_332, 16 : i32
      %swap3A_334 = arith.index_cast %multiple_of3A_333 : i32 to index
      %swap3A_335 = tpu.vector_load %arg15[%swap3A_334] {strides = array<i32>} : memref<16384xi32, #tpu.memory_space<vmem>>, vector<16xi32>,
      tpu.vector_store %arg15[%swap3A_334], %gather3A_330 {strides = array<i32>} : memref<16384xi32, #tpu.memory_space<vmem>>, vector<16xi32>,
      %add3A_336 = arith.constant 416 : i32
      %add3A_337 = vector.broadcast %add3A_336 : i32 to vector<16xi32>
      %add3A_338 = arith.addi %add3A_337, %iota3A : vector<16xi32>
      %gather3A_339 = tpu.vector_load_idx %arg13[%add3A_338, %broadcast_in_dim3A] : memref<512x4xi32, #tpu.memory_space<vmem>>[vector<16xi32>, vector<16xi32>], vector<16xi32>,
      %add3A_340 = arith.constant 32 : i32
      %add3A_341 = arith.addi %mul3A_317, %add3A_340 : i32
      %multiple_of3A_342 = tpu.assume_multiple %add3A_341, 16 : i32
      %swap3A_343 = arith.index_cast %multiple_of3A_342 : i32 to index
      %swap3A_344 = tpu.vector_load %arg15[%swap3A_343] {strides = array<i32>} : memref<16384xi32, #tpu.memory_space<vmem>>, vector<16xi32>,
      tpu.vector_store %arg15[%swap3A_343], %gather3A_339 {strides = array<i32>} : memref<16384xi32, #tpu.memory_space<vmem>>, vector<16xi32>,
      %add3A_345 = arith.constant 432 : i32
      %add3A_346 = vector.broadcast %add3A_345 : i32 to vector<16xi32>
      %add3A_347 = arith.addi %add3A_346, %iota3A : vector<16xi32>
      %gather3A_348 = tpu.vector_load_idx %arg13[%add3A_347, %broadcast_in_dim3A] : memref<512x4xi32, #tpu.memory_space<vmem>>[vector<16xi32>, vector<16xi32>], vector<16xi32>,
      %add3A_349 = arith.constant 48 : i32
      %add3A_350 = arith.addi %mul3A_317, %add3A_349 : i32
      %multiple_of3A_351 = tpu.assume_multiple %add3A_350, 16 : i32
      %swap3A_352 = arith.index_cast %multiple_of3A_351 : i32 to index
      %swap3A_353 = tpu.vector_load %arg15[%swap3A_352] {strides = array<i32>} : memref<16384xi32, #tpu.memory_space<vmem>>, vector<16xi32>,
      tpu.vector_store %arg15[%swap3A_352], %gather3A_348 {strides = array<i32>} : memref<16384xi32, #tpu.memory_space<vmem>>, vector<16xi32>,
      %add3A_354 = arith.constant 448 : i32
      %add3A_355 = vector.broadcast %add3A_354 : i32 to vector<16xi32>
      %add3A_356 = arith.addi %add3A_355, %iota3A : vector<16xi32>
      %gather3A_357 = tpu.vector_load_idx %arg13[%add3A_356, %broadcast_in_dim3A] : memref<512x4xi32, #tpu.memory_space<vmem>>[vector<16xi32>, vector<16xi32>], vector<16xi32>,
      %add3A_358 = arith.constant 64 : i32
      %add3A_359 = arith.addi %mul3A_317, %add3A_358 : i32
      %multiple_of3A_360 = tpu.assume_multiple %add3A_359, 16 : i32
      %swap3A_361 = arith.index_cast %multiple_of3A_360 : i32 to index
      %swap3A_362 = tpu.vector_load %arg15[%swap3A_361] {strides = array<i32>} : memref<16384xi32, #tpu.memory_space<vmem>>, vector<16xi32>,
      tpu.vector_store %arg15[%swap3A_361], %gather3A_357 {strides = array<i32>} : memref<16384xi32, #tpu.memory_space<vmem>>, vector<16xi32>,
      %add3A_363 = arith.constant 464 : i32
      %add3A_364 = vector.broadcast %add3A_363 : i32 to vector<16xi32>
      %add3A_365 = arith.addi %add3A_364, %iota3A : vector<16xi32>
      %gather3A_366 = tpu.vector_load_idx %arg13[%add3A_365, %broadcast_in_dim3A] : memref<512x4xi32, #tpu.memory_space<vmem>>[vector<16xi32>, vector<16xi32>], vector<16xi32>,
      %add3A_367 = arith.constant 80 : i32
      %add3A_368 = arith.addi %mul3A_317, %add3A_367 : i32
      %multiple_of3A_369 = tpu.assume_multiple %add3A_368, 16 : i32
      %swap3A_370 = arith.index_cast %multiple_of3A_369 : i32 to index
      %swap3A_371 = tpu.vector_load %arg15[%swap3A_370] {strides = array<i32>} : memref<16384xi32, #tpu.memory_space<vmem>>, vector<16xi32>,
      tpu.vector_store %arg15[%swap3A_370], %gather3A_366 {strides = array<i32>} : memref<16384xi32, #tpu.memory_space<vmem>>, vector<16xi32>,
      %add3A_372 = arith.constant 480 : i32
      %add3A_373 = vector.broadcast %add3A_372 : i32 to vector<16xi32>
      %add3A_374 = arith.addi %add3A_373, %iota3A : vector<16xi32>
      %gather3A_375 = tpu.vector_load_idx %arg13[%add3A_374, %broadcast_in_dim3A] : memref<512x4xi32, #tpu.memory_space<vmem>>[vector<16xi32>, vector<16xi32>], vector<16xi32>,
      %add3A_376 = arith.constant 96 : i32
      %add3A_377 = arith.addi %mul3A_317, %add3A_376 : i32
      %multiple_of3A_378 = tpu.assume_multiple %add3A_377, 16 : i32
      %swap3A_379 = arith.index_cast %multiple_of3A_378 : i32 to index
      %swap3A_380 = tpu.vector_load %arg15[%swap3A_379] {strides = array<i32>} : memref<16384xi32, #tpu.memory_space<vmem>>, vector<16xi32>,
      tpu.vector_store %arg15[%swap3A_379], %gather3A_375 {strides = array<i32>} : memref<16384xi32, #tpu.memory_space<vmem>>, vector<16xi32>,
      %add3A_381 = arith.constant 496 : i32
      %add3A_382 = vector.broadcast %add3A_381 : i32 to vector<16xi32>
      %add3A_383 = arith.addi %add3A_382, %iota3A : vector<16xi32>
      %gather3A_384 = tpu.vector_load_idx %arg13[%add3A_383, %broadcast_in_dim3A] : memref<512x4xi32, #tpu.memory_space<vmem>>[vector<16xi32>, vector<16xi32>], vector<16xi32>,
      %add3A_385 = arith.constant 112 : i32
      %add3A_386 = arith.addi %mul3A_317, %add3A_385 : i32
      %multiple_of3A_387 = tpu.assume_multiple %add3A_386, 16 : i32
      %swap3A_388 = arith.index_cast %multiple_of3A_387 : i32 to index
      %swap3A_389 = tpu.vector_load %arg15[%swap3A_388] {strides = array<i32>} : memref<16384xi32, #tpu.memory_space<vmem>>, vector<16xi32>,
      tpu.vector_store %arg15[%swap3A_388], %gather3A_384 {strides = array<i32>} : memref<16384xi32, #tpu.memory_space<vmem>>, vector<16xi32>,
      %multiple_of3A_390 = tpu.assume_multiple %mul3A_317, 128 : i32
      %dma_start3A_391 = arith.constant 384 : i32
      %dma_start3A_392 = arith.constant 0 : i32
      %dma_start3A_393 = tpu.memref_slice %arg17[%dma_start3A_391, %dma_start3A_392] : memref<512x32xf32, #tpu.memory_space<vmem>> -> memref<128x32xf32, #tpu.memory_space<vmem>>
      %dma_start3A_394 = tpu.memref_slice %arg15[%multiple_of3A_390] : memref<16384xi32, #tpu.memory_space<vmem>> -> memref<128xi32, #tpu.memory_space<vmem>>
      %dma_start3A_395 = arith.constant 0 : i32
      %dma_start3A_396 = arith.constant 0 : i32
      %dma_start3A_397 = tpu.memref_slice %arg3[%dma_start3A_395, %dma_start3A_396] : memref<1000x32xf32, #tpu.memory_space<hbm>> -> memref<1000x32xf32, #tpu.memory_space<hbm>>
      tpu.enqueue_indirect_dma source(%dma_start3A_397 : memref<1000x32xf32, #tpu.memory_space<hbm>>) target(%dma_start3A_393 : memref<128x32xf32, #tpu.memory_space<vmem>>) offsets(%dma_start3A_394 : memref<128xi32, #tpu.memory_space<vmem>>) semaphore(%arg21 : memref<!tpu.dma_semaphore, #tpu.memory_space<semaphore_mem>>) {add = true}
    }
    %scan3A_35 = arith.constant 4 : i32
    %scan3A_36 = arith.constant 0 : i32
    %scan3A_37 = arith.constant 0 : i32
    %scan3A_38 = arith.constant 8 : i32
    %scan3A_39 = arith.addi %scan3A_37, %scan3A_38 : i32
    %scan3A_40 = arith.constant 1 : i32
    scf.for %scan3A_48 = %scan3A_37 to %scan3A_39 step %scan3A_40  : i32 {
      %broadcast_in_dim3A = vector.broadcast %scan3A_48 : i32 to vector<16xi32>
      %mul3A_49 = arith.constant 4 : i32
      %mul3A_50 = arith.muli %scan3A_48, %mul3A_49 : i32
      %add3A_51 = arith.constant 96 : i32
      %add3A_52 = arith.addi %add3A_51, %mul3A_50 : i32
      %add3A_53 = arith.constant 0 : i32
      %add3A_54 = arith.addi %add3A_52, %add3A_53 : i32
      %mul3A_55 = arith.constant 128 : i32
      %mul3A_56 = arith.muli %add3A_54, %mul3A_55 : i32
      %add3A_57 = arith.constant 0 : i32
      %add3A_58 = vector.broadcast %add3A_57 : i32 to vector<16xi32>
      %add3A_59 = arith.addi %add3A_58, %iota3A : vector<16xi32>
      %gather3A = tpu.vector_load_idx %arg14[%add3A_59, %broadcast_in_dim3A] : memref<512x8xi32, #tpu.memory_space<vmem>>[vector<16xi32>, vector<16xi32>], vector<16xi32>,
      %add3A_60 = arith.constant 0 : i32
      %add3A_61 = arith.addi %mul3A_56, %add3A_60 : i32
      %multiple_of3A = tpu.assume_multiple %add3A_61, 16 : i32
      %swap3A = arith.index_cast %multiple_of3A : i32 to index
      %swap3A_62 = tpu.vector_load %arg15[%swap3A] {strides = array<i32>} : memref<16384xi32, #tpu.memory_space<vmem>>, vector<16xi32>,
      tpu.vector_store %arg15[%swap3A], %gather3A {strides = array<i32>} : memref<16384xi32, #tpu.memory_space<vmem>>, vector<16xi32>,
      %add3A_63 = arith.constant 16 : i32
      %add3A_64 = vector.broadcast %add3A_63 : i32 to vector<16xi32>
      %add3A_65 = arith.addi %add3A_64, %iota3A : vector<16xi32>
      %gather3A_66 = tpu.vector_load_idx %arg14[%add3A_65, %broadcast_in_dim3A] : memref<512x8xi32, #tpu.memory_space<vmem>>[vector<16xi32>, vector<16xi32>], vector<16xi32>,
      %add3A_67 = arith.constant 16 : i32
      %add3A_68 = arith.addi %mul3A_56, %add3A_67 : i32
      %multiple_of3A_69 = tpu.assume_multiple %add3A_68, 16 : i32
      %swap3A_70 = arith.index_cast %multiple_of3A_69 : i32 to index
      %swap3A_71 = tpu.vector_load %arg15[%swap3A_70] {strides = array<i32>} : memref<16384xi32, #tpu.memory_space<vmem>>, vector<16xi32>,
      tpu.vector_store %arg15[%swap3A_70], %gather3A_66 {strides = array<i32>} : memref<16384xi32, #tpu.memory_space<vmem>>, vector<16xi32>,
      %add3A_72 = arith.constant 32 : i32
      %add3A_73 = vector.broadcast %add3A_72 : i32 to vector<16xi32>
      %add3A_74 = arith.addi %add3A_73, %iota3A : vector<16xi32>
      %gather3A_75 = tpu.vector_load_idx %arg14[%add3A_74, %broadcast_in_dim3A] : memref<512x8xi32, #tpu.memory_space<vmem>>[vector<16xi32>, vector<16xi32>], vector<16xi32>,
      %add3A_76 = arith.constant 32 : i32
      %add3A_77 = arith.addi %mul3A_56, %add3A_76 : i32
      %multiple_of3A_78 = tpu.assume_multiple %add3A_77, 16 : i32
      %swap3A_79 = arith.index_cast %multiple_of3A_78 : i32 to index
      %swap3A_80 = tpu.vector_load %arg15[%swap3A_79] {strides = array<i32>} : memref<16384xi32, #tpu.memory_space<vmem>>, vector<16xi32>,
      tpu.vector_store %arg15[%swap3A_79], %gather3A_75 {strides = array<i32>} : memref<16384xi32, #tpu.memory_space<vmem>>, vector<16xi32>,
      %add3A_81 = arith.constant 48 : i32
      %add3A_82 = vector.broadcast %add3A_81 : i32 to vector<16xi32>
      %add3A_83 = arith.addi %add3A_82, %iota3A : vector<16xi32>
      %gather3A_84 = tpu.vector_load_idx %arg14[%add3A_83, %broadcast_in_dim3A] : memref<512x8xi32, #tpu.memory_space<vmem>>[vector<16xi32>, vector<16xi32>], vector<16xi32>,
      %add3A_85 = arith.constant 48 : i32
      %add3A_86 = arith.addi %mul3A_56, %add3A_85 : i32
      %multiple_of3A_87 = tpu.assume_multiple %add3A_86, 16 : i32
      %swap3A_88 = arith.index_cast %multiple_of3A_87 : i32 to index
      %swap3A_89 = tpu.vector_load %arg15[%swap3A_88] {strides = array<i32>} : memref<16384xi32, #tpu.memory_space<vmem>>, vector<16xi32>,
      tpu.vector_store %arg15[%swap3A_88], %gather3A_84 {strides = array<i32>} : memref<16384xi32, #tpu.memory_space<vmem>>, vector<16xi32>,
      %add3A_90 = arith.constant 64 : i32
      %add3A_91 = vector.broadcast %add3A_90 : i32 to vector<16xi32>
      %add3A_92 = arith.addi %add3A_91, %iota3A : vector<16xi32>
      %gather3A_93 = tpu.vector_load_idx %arg14[%add3A_92, %broadcast_in_dim3A] : memref<512x8xi32, #tpu.memory_space<vmem>>[vector<16xi32>, vector<16xi32>], vector<16xi32>,
      %add3A_94 = arith.constant 64 : i32
      %add3A_95 = arith.addi %mul3A_56, %add3A_94 : i32
      %multiple_of3A_96 = tpu.assume_multiple %add3A_95, 16 : i32
      %swap3A_97 = arith.index_cast %multiple_of3A_96 : i32 to index
      %swap3A_98 = tpu.vector_load %arg15[%swap3A_97] {strides = array<i32>} : memref<16384xi32, #tpu.memory_space<vmem>>, vector<16xi32>,
      tpu.vector_store %arg15[%swap3A_97], %gather3A_93 {strides = array<i32>} : memref<16384xi32, #tpu.memory_space<vmem>>, vector<16xi32>,
      %add3A_99 = arith.constant 80 : i32
      %add3A_100 = vector.broadcast %add3A_99 : i32 to vector<16xi32>
      %add3A_101 = arith.addi %add3A_100, %iota3A : vector<16xi32>
      %gather3A_102 = tpu.vector_load_idx %arg14[%add3A_101, %broadcast_in_dim3A] : memref<512x8xi32, #tpu.memory_space<vmem>>[vector<16xi32>, vector<16xi32>], vector<16xi32>,
      %add3A_103 = arith.constant 80 : i32
      %add3A_104 = arith.addi %mul3A_56, %add3A_103 : i32
      %multiple_of3A_105 = tpu.assume_multiple %add3A_104, 16 : i32
      %swap3A_106 = arith.index_cast %multiple_of3A_105 : i32 to index
      %swap3A_107 = tpu.vector_load %arg15[%swap3A_106] {strides = array<i32>} : memref<16384xi32, #tpu.memory_space<vmem>>, vector<16xi32>,
      tpu.vector_store %arg15[%swap3A_106], %gather3A_102 {strides = array<i32>} : memref<16384xi32, #tpu.memory_space<vmem>>, vector<16xi32>,
      %add3A_108 = arith.constant 96 : i32
      %add3A_109 = vector.broadcast %add3A_108 : i32 to vector<16xi32>
      %add3A_110 = arith.addi %add3A_109, %iota3A : vector<16xi32>
      %gather3A_111 = tpu.vector_load_idx %arg14[%add3A_110, %broadcast_in_dim3A] : memref<512x8xi32, #tpu.memory_space<vmem>>[vector<16xi32>, vector<16xi32>], vector<16xi32>,
      %add3A_112 = arith.constant 96 : i32
      %add3A_113 = arith.addi %mul3A_56, %add3A_112 : i32
      %multiple_of3A_114 = tpu.assume_multiple %add3A_113, 16 : i32
      %swap3A_115 = arith.index_cast %multiple_of3A_114 : i32 to index
      %swap3A_116 = tpu.vector_load %arg15[%swap3A_115] {strides = array<i32>} : memref<16384xi32, #tpu.memory_space<vmem>>, vector<16xi32>,
      tpu.vector_store %arg15[%swap3A_115], %gather3A_111 {strides = array<i32>} : memref<16384xi32, #tpu.memory_space<vmem>>, vector<16xi32>,
      %add3A_117 = arith.constant 112 : i32
      %add3A_118 = vector.broadcast %add3A_117 : i32 to vector<16xi32>
      %add3A_119 = arith.addi %add3A_118, %iota3A : vector<16xi32>
      %gather3A_120 = tpu.vector_load_idx %arg14[%add3A_119, %broadcast_in_dim3A] : memref<512x8xi32, #tpu.memory_space<vmem>>[vector<16xi32>, vector<16xi32>], vector<16xi32>,
      %add3A_121 = arith.constant 112 : i32
      %add3A_122 = arith.addi %mul3A_56, %add3A_121 : i32
      %multiple_of3A_123 = tpu.assume_multiple %add3A_122, 16 : i32
      %swap3A_124 = arith.index_cast %multiple_of3A_123 : i32 to index
      %swap3A_125 = tpu.vector_load %arg15[%swap3A_124] {strides = array<i32>} : memref<16384xi32, #tpu.memory_space<vmem>>, vector<16xi32>,
      tpu.vector_store %arg15[%swap3A_124], %gather3A_120 {strides = array<i32>} : memref<16384xi32, #tpu.memory_space<vmem>>, vector<16xi32>,
      %multiple_of3A_126 = tpu.assume_multiple %mul3A_56, 128 : i32
      %dma_start3A_127 = arith.constant 0 : i32
      %dma_start3A_128 = arith.constant 0 : i32
      %dma_start3A_129 = tpu.memref_slice %arg18[%dma_start3A_127, %dma_start3A_128] : memref<512x32xf32, #tpu.memory_space<vmem>> -> memref<128x32xf32, #tpu.memory_space<vmem>>
      %dma_start3A_130 = tpu.memref_slice %arg15[%multiple_of3A_126] : memref<16384xi32, #tpu.memory_space<vmem>> -> memref<128xi32, #tpu.memory_space<vmem>>
      %dma_start3A_131 = arith.constant 0 : i32
      %dma_start3A_132 = arith.constant 0 : i32
      %dma_start3A_133 = tpu.memref_slice %arg4[%dma_start3A_131, %dma_start3A_132] : memref<1000x32xf32, #tpu.memory_space<hbm>> -> memref<1000x32xf32, #tpu.memory_space<hbm>>
      tpu.enqueue_indirect_dma source(%dma_start3A_133 : memref<1000x32xf32, #tpu.memory_space<hbm>>) target(%dma_start3A_129 : memref<128x32xf32, #tpu.memory_space<vmem>>) offsets(%dma_start3A_130 : memref<128xi32, #tpu.memory_space<vmem>>) semaphore(%arg21 : memref<!tpu.dma_semaphore, #tpu.memory_space<semaphore_mem>>) {add = true}
      %mul3A_134 = arith.constant 4 : i32
      %mul3A_135 = arith.muli %scan3A_48, %mul3A_134 : i32
      %add3A_136 = arith.constant 96 : i32
      %add3A_137 = arith.addi %add3A_136, %mul3A_135 : i32
      %add3A_138 = arith.constant 1 : i32
      %add3A_139 = arith.addi %add3A_137, %add3A_138 : i32
      %mul3A_140 = arith.constant 128 : i32
      %mul3A_141 = arith.muli %add3A_139, %mul3A_140 : i32
      %add3A_142 = arith.constant 128 : i32
      %add3A_143 = vector.broadcast %add3A_142 : i32 to vector<16xi32>
      %add3A_144 = arith.addi %add3A_143, %iota3A : vector<16xi32>
      %gather3A_145 = tpu.vector_load_idx %arg14[%add3A_144, %broadcast_in_dim3A] : memref<512x8xi32, #tpu.memory_space<vmem>>[vector<16xi32>, vector<16xi32>], vector<16xi32>,
      %add3A_146 = arith.constant 0 : i32
      %add3A_147 = arith.addi %mul3A_141, %add3A_146 : i32
      %multiple_of3A_148 = tpu.assume_multiple %add3A_147, 16 : i32
      %swap3A_149 = arith.index_cast %multiple_of3A_148 : i32 to index
      %swap3A_150 = tpu.vector_load %arg15[%swap3A_149] {strides = array<i32>} : memref<16384xi32, #tpu.memory_space<vmem>>, vector<16xi32>,
      tpu.vector_store %arg15[%swap3A_149], %gather3A_145 {strides = array<i32>} : memref<16384xi32, #tpu.memory_space<vmem>>, vector<16xi32>,
      %add3A_151 = arith.constant 144 : i32
      %add3A_152 = vector.broadcast %add3A_151 : i32 to vector<16xi32>
      %add3A_153 = arith.addi %add3A_152, %iota3A : vector<16xi32>
      %gather3A_154 = tpu.vector_load_idx %arg14[%add3A_153, %broadcast_in_dim3A] : memref<512x8xi32, #tpu.memory_space<vmem>>[vector<16xi32>, vector<16xi32>], vector<16xi32>,
      %add3A_155 = arith.constant 16 : i32
      %add3A_156 = arith.addi %mul3A_141, %add3A_155 : i32
      %multiple_of3A_157 = tpu.assume_multiple %add3A_156, 16 : i32
      %swap3A_158 = arith.index_cast %multiple_of3A_157 : i32 to index
      %swap3A_159 = tpu.vector_load %arg15[%swap3A_158] {strides = array<i32>} : memref<16384xi32, #tpu.memory_space<vmem>>, vector<16xi32>,
      tpu.vector_store %arg15[%swap3A_158], %gather3A_154 {strides = array<i32>} : memref<16384xi32, #tpu.memory_space<vmem>>, vector<16xi32>,
      %add3A_160 = arith.constant 160 : i32
      %add3A_161 = vector.broadcast %add3A_160 : i32 to vector<16xi32>
      %add3A_162 = arith.addi %add3A_161, %iota3A : vector<16xi32>
      %gather3A_163 = tpu.vector_load_idx %arg14[%add3A_162, %broadcast_in_dim3A] : memref<512x8xi32, #tpu.memory_space<vmem>>[vector<16xi32>, vector<16xi32>], vector<16xi32>,
      %add3A_164 = arith.constant 32 : i32
      %add3A_165 = arith.addi %mul3A_141, %add3A_164 : i32
      %multiple_of3A_166 = tpu.assume_multiple %add3A_165, 16 : i32
      %swap3A_167 = arith.index_cast %multiple_of3A_166 : i32 to index
      %swap3A_168 = tpu.vector_load %arg15[%swap3A_167] {strides = array<i32>} : memref<16384xi32, #tpu.memory_space<vmem>>, vector<16xi32>,
      tpu.vector_store %arg15[%swap3A_167], %gather3A_163 {strides = array<i32>} : memref<16384xi32, #tpu.memory_space<vmem>>, vector<16xi32>,
      %add3A_169 = arith.constant 176 : i32
      %add3A_170 = vector.broadcast %add3A_169 : i32 to vector<16xi32>
      %add3A_171 = arith.addi %add3A_170, %iota3A : vector<16xi32>
      %gather3A_172 = tpu.vector_load_idx %arg14[%add3A_171, %broadcast_in_dim3A] : memref<512x8xi32, #tpu.memory_space<vmem>>[vector<16xi32>, vector<16xi32>], vector<16xi32>,
      %add3A_173 = arith.constant 48 : i32
      %add3A_174 = arith.addi %mul3A_141, %add3A_173 : i32
      %multiple_of3A_175 = tpu.assume_multiple %add3A_174, 16 : i32
      %swap3A_176 = arith.index_cast %multiple_of3A_175 : i32 to index
      %swap3A_177 = tpu.vector_load %arg15[%swap3A_176] {strides = array<i32>} : memref<16384xi32, #tpu.memory_space<vmem>>, vector<16xi32>,
      tpu.vector_store %arg15[%swap3A_176], %gather3A_172 {strides = array<i32>} : memref<16384xi32, #tpu.memory_space<vmem>>, vector<16xi32>,
      %add3A_178 = arith.constant 192 : i32
      %add3A_179 = vector.broadcast %add3A_178 : i32 to vector<16xi32>
      %add3A_180 = arith.addi %add3A_179, %iota3A : vector<16xi32>
      %gather3A_181 = tpu.vector_load_idx %arg14[%add3A_180, %broadcast_in_dim3A] : memref<512x8xi32, #tpu.memory_space<vmem>>[vector<16xi32>, vector<16xi32>], vector<16xi32>,
      %add3A_182 = arith.constant 64 : i32
      %add3A_183 = arith.addi %mul3A_141, %add3A_182 : i32
      %multiple_of3A_184 = tpu.assume_multiple %add3A_183, 16 : i32
      %swap3A_185 = arith.index_cast %multiple_of3A_184 : i32 to index
      %swap3A_186 = tpu.vector_load %arg15[%swap3A_185] {strides = array<i32>} : memref<16384xi32, #tpu.memory_space<vmem>>, vector<16xi32>,
      tpu.vector_store %arg15[%swap3A_185], %gather3A_181 {strides = array<i32>} : memref<16384xi32, #tpu.memory_space<vmem>>, vector<16xi32>,
      %add3A_187 = arith.constant 208 : i32
      %add3A_188 = vector.broadcast %add3A_187 : i32 to vector<16xi32>
      %add3A_189 = arith.addi %add3A_188, %iota3A : vector<16xi32>
      %gather3A_190 = tpu.vector_load_idx %arg14[%add3A_189, %broadcast_in_dim3A] : memref<512x8xi32, #tpu.memory_space<vmem>>[vector<16xi32>, vector<16xi32>], vector<16xi32>,
      %add3A_191 = arith.constant 80 : i32
      %add3A_192 = arith.addi %mul3A_141, %add3A_191 : i32
      %multiple_of3A_193 = tpu.assume_multiple %add3A_192, 16 : i32
      %swap3A_194 = arith.index_cast %multiple_of3A_193 : i32 to index
      %swap3A_195 = tpu.vector_load %arg15[%swap3A_194] {strides = array<i32>} : memref<16384xi32, #tpu.memory_space<vmem>>, vector<16xi32>,
      tpu.vector_store %arg15[%swap3A_194], %gather3A_190 {strides = array<i32>} : memref<16384xi32, #tpu.memory_space<vmem>>, vector<16xi32>,
      %add3A_196 = arith.constant 224 : i32
      %add3A_197 = vector.broadcast %add3A_196 : i32 to vector<16xi32>
      %add3A_198 = arith.addi %add3A_197, %iota3A : vector<16xi32>
      %gather3A_199 = tpu.vector_load_idx %arg14[%add3A_198, %broadcast_in_dim3A] : memref<512x8xi32, #tpu.memory_space<vmem>>[vector<16xi32>, vector<16xi32>], vector<16xi32>,
      %add3A_200 = arith.constant 96 : i32
      %add3A_201 = arith.addi %mul3A_141, %add3A_200 : i32
      %multiple_of3A_202 = tpu.assume_multiple %add3A_201, 16 : i32
      %swap3A_203 = arith.index_cast %multiple_of3A_202 : i32 to index
      %swap3A_204 = tpu.vector_load %arg15[%swap3A_203] {strides = array<i32>} : memref<16384xi32, #tpu.memory_space<vmem>>, vector<16xi32>,
      tpu.vector_store %arg15[%swap3A_203], %gather3A_199 {strides = array<i32>} : memref<16384xi32, #tpu.memory_space<vmem>>, vector<16xi32>,
      %add3A_205 = arith.constant 240 : i32
      %add3A_206 = vector.broadcast %add3A_205 : i32 to vector<16xi32>
      %add3A_207 = arith.addi %add3A_206, %iota3A : vector<16xi32>
      %gather3A_208 = tpu.vector_load_idx %arg14[%add3A_207, %broadcast_in_dim3A] : memref<512x8xi32, #tpu.memory_space<vmem>>[vector<16xi32>, vector<16xi32>], vector<16xi32>,
      %add3A_209 = arith.constant 112 : i32
      %add3A_210 = arith.addi %mul3A_141, %add3A_209 : i32
      %multiple_of3A_211 = tpu.assume_multiple %add3A_210, 16 : i32
      %swap3A_212 = arith.index_cast %multiple_of3A_211 : i32 to index
      %swap3A_213 = tpu.vector_load %arg15[%swap3A_212] {strides = array<i32>} : memref<16384xi32, #tpu.memory_space<vmem>>, vector<16xi32>,
      tpu.vector_store %arg15[%swap3A_212], %gather3A_208 {strides = array<i32>} : memref<16384xi32, #tpu.memory_space<vmem>>, vector<16xi32>,
      %multiple_of3A_214 = tpu.assume_multiple %mul3A_141, 128 : i32
      %dma_start3A_215 = arith.constant 128 : i32
      %dma_start3A_216 = arith.constant 0 : i32
      %dma_start3A_217 = tpu.memref_slice %arg18[%dma_start3A_215, %dma_start3A_216] : memref<512x32xf32, #tpu.memory_space<vmem>> -> memref<128x32xf32, #tpu.memory_space<vmem>>
      %dma_start3A_218 = tpu.memref_slice %arg15[%multiple_of3A_214] : memref<16384xi32, #tpu.memory_space<vmem>> -> memref<128xi32, #tpu.memory_space<vmem>>
      %dma_start3A_219 = arith.constant 0 : i32
      %dma_start3A_220 = arith.constant 0 : i32
      %dma_start3A_221 = tpu.memref_slice %arg4[%dma_start3A_219, %dma_start3A_220] : memref<1000x32xf32, #tpu.memory_space<hbm>> -> memref<1000x32xf32, #tpu.memory_space<hbm>>
      tpu.enqueue_indirect_dma source(%dma_start3A_221 : memref<1000x32xf32, #tpu.memory_space<hbm>>) target(%dma_start3A_217 : memref<128x32xf32, #tpu.memory_space<vmem>>) offsets(%dma_start3A_218 : memref<128xi32, #tpu.memory_space<vmem>>) semaphore(%arg21 : memref<!tpu.dma_semaphore, #tpu.memory_space<semaphore_mem>>) {add = true}
      %mul3A_222 = arith.constant 4 : i32
      %mul3A_223 = arith.muli %scan3A_48, %mul3A_222 : i32
      %add3A_224 = arith.constant 96 : i32
      %add3A_225 = arith.addi %add3A_224, %mul3A_223 : i32
      %add3A_226 = arith.constant 2 : i32
      %add3A_227 = arith.addi %add3A_225, %add3A_226 : i32
      %mul3A_228 = arith.constant 128 : i32
      %mul3A_229 = arith.muli %add3A_227, %mul3A_228 : i32
      %add3A_230 = arith.constant 256 : i32
      %add3A_231 = vector.broadcast %add3A_230 : i32 to vector<16xi32>
      %add3A_232 = arith.addi %add3A_231, %iota3A : vector<16xi32>
      %gather3A_233 = tpu.vector_load_idx %arg14[%add3A_232, %broadcast_in_dim3A] : memref<512x8xi32, #tpu.memory_space<vmem>>[vector<16xi32>, vector<16xi32>], vector<16xi32>,
      %add3A_234 = arith.constant 0 : i32
      %add3A_235 = arith.addi %mul3A_229, %add3A_234 : i32
      %multiple_of3A_236 = tpu.assume_multiple %add3A_235, 16 : i32
      %swap3A_237 = arith.index_cast %multiple_of3A_236 : i32 to index
      %swap3A_238 = tpu.vector_load %arg15[%swap3A_237] {strides = array<i32>} : memref<16384xi32, #tpu.memory_space<vmem>>, vector<16xi32>,
      tpu.vector_store %arg15[%swap3A_237], %gather3A_233 {strides = array<i32>} : memref<16384xi32, #tpu.memory_space<vmem>>, vector<16xi32>,
      %add3A_239 = arith.constant 272 : i32
      %add3A_240 = vector.broadcast %add3A_239 : i32 to vector<16xi32>
      %add3A_241 = arith.addi %add3A_240, %iota3A : vector<16xi32>
      %gather3A_242 = tpu.vector_load_idx %arg14[%add3A_241, %broadcast_in_dim3A] : memref<512x8xi32, #tpu.memory_space<vmem>>[vector<16xi32>, vector<16xi32>], vector<16xi32>,
      %add3A_243 = arith.constant 16 : i32
      %add3A_244 = arith.addi %mul3A_229, %add3A_243 : i32
      %multiple_of3A_245 = tpu.assume_multiple %add3A_244, 16 : i32
      %swap3A_246 = arith.index_cast %multiple_of3A_245 : i32 to index
      %swap3A_247 = tpu.vector_load %arg15[%swap3A_246] {strides = array<i32>} : memref<16384xi32, #tpu.memory_space<vmem>>, vector<16xi32>,
      tpu.vector_store %arg15[%swap3A_246], %gather3A_242 {strides = array<i32>} : memref<16384xi32, #tpu.memory_space<vmem>>, vector<16xi32>,
      %add3A_248 = arith.constant 288 : i32
      %add3A_249 = vector.broadcast %add3A_248 : i32 to vector<16xi32>
      %add3A_250 = arith.addi %add3A_249, %iota3A : vector<16xi32>
      %gather3A_251 = tpu.vector_load_idx %arg14[%add3A_250, %broadcast_in_dim3A] : memref<512x8xi32, #tpu.memory_space<vmem>>[vector<16xi32>, vector<16xi32>], vector<16xi32>,
      %add3A_252 = arith.constant 32 : i32
      %add3A_253 = arith.addi %mul3A_229, %add3A_252 : i32
      %multiple_of3A_254 = tpu.assume_multiple %add3A_253, 16 : i32
      %swap3A_255 = arith.index_cast %multiple_of3A_254 : i32 to index
      %swap3A_256 = tpu.vector_load %arg15[%swap3A_255] {strides = array<i32>} : memref<16384xi32, #tpu.memory_space<vmem>>, vector<16xi32>,
      tpu.vector_store %arg15[%swap3A_255], %gather3A_251 {strides = array<i32>} : memref<16384xi32, #tpu.memory_space<vmem>>, vector<16xi32>,
      %add3A_257 = arith.constant 304 : i32
      %add3A_258 = vector.broadcast %add3A_257 : i32 to vector<16xi32>
      %add3A_259 = arith.addi %add3A_258, %iota3A : vector<16xi32>
      %gather3A_260 = tpu.vector_load_idx %arg14[%add3A_259, %broadcast_in_dim3A] : memref<512x8xi32, #tpu.memory_space<vmem>>[vector<16xi32>, vector<16xi32>], vector<16xi32>,
      %add3A_261 = arith.constant 48 : i32
      %add3A_262 = arith.addi %mul3A_229, %add3A_261 : i32
      %multiple_of3A_263 = tpu.assume_multiple %add3A_262, 16 : i32
      %swap3A_264 = arith.index_cast %multiple_of3A_263 : i32 to index
      %swap3A_265 = tpu.vector_load %arg15[%swap3A_264] {strides = array<i32>} : memref<16384xi32, #tpu.memory_space<vmem>>, vector<16xi32>,
      tpu.vector_store %arg15[%swap3A_264], %gather3A_260 {strides = array<i32>} : memref<16384xi32, #tpu.memory_space<vmem>>, vector<16xi32>,
      %add3A_266 = arith.constant 320 : i32
      %add3A_267 = vector.broadcast %add3A_266 : i32 to vector<16xi32>
      %add3A_268 = arith.addi %add3A_267, %iota3A : vector<16xi32>
      %gather3A_269 = tpu.vector_load_idx %arg14[%add3A_268, %broadcast_in_dim3A] : memref<512x8xi32, #tpu.memory_space<vmem>>[vector<16xi32>, vector<16xi32>], vector<16xi32>,
      %add3A_270 = arith.constant 64 : i32
      %add3A_271 = arith.addi %mul3A_229, %add3A_270 : i32
      %multiple_of3A_272 = tpu.assume_multiple %add3A_271, 16 : i32
      %swap3A_273 = arith.index_cast %multiple_of3A_272 : i32 to index
      %swap3A_274 = tpu.vector_load %arg15[%swap3A_273] {strides = array<i32>} : memref<16384xi32, #tpu.memory_space<vmem>>, vector<16xi32>,
      tpu.vector_store %arg15[%swap3A_273], %gather3A_269 {strides = array<i32>} : memref<16384xi32, #tpu.memory_space<vmem>>, vector<16xi32>,
      %add3A_275 = arith.constant 336 : i32
      %add3A_276 = vector.broadcast %add3A_275 : i32 to vector<16xi32>
      %add3A_277 = arith.addi %add3A_276, %iota3A : vector<16xi32>
      %gather3A_278 = tpu.vector_load_idx %arg14[%add3A_277, %broadcast_in_dim3A] : memref<512x8xi32, #tpu.memory_space<vmem>>[vector<16xi32>, vector<16xi32>], vector<16xi32>,
      %add3A_279 = arith.constant 80 : i32
      %add3A_280 = arith.addi %mul3A_229, %add3A_279 : i32
      %multiple_of3A_281 = tpu.assume_multiple %add3A_280, 16 : i32
      %swap3A_282 = arith.index_cast %multiple_of3A_281 : i32 to index
      %swap3A_283 = tpu.vector_load %arg15[%swap3A_282] {strides = array<i32>} : memref<16384xi32, #tpu.memory_space<vmem>>, vector<16xi32>,
      tpu.vector_store %arg15[%swap3A_282], %gather3A_278 {strides = array<i32>} : memref<16384xi32, #tpu.memory_space<vmem>>, vector<16xi32>,
      %add3A_284 = arith.constant 352 : i32
      %add3A_285 = vector.broadcast %add3A_284 : i32 to vector<16xi32>
      %add3A_286 = arith.addi %add3A_285, %iota3A : vector<16xi32>
      %gather3A_287 = tpu.vector_load_idx %arg14[%add3A_286, %broadcast_in_dim3A] : memref<512x8xi32, #tpu.memory_space<vmem>>[vector<16xi32>, vector<16xi32>], vector<16xi32>,
      %add3A_288 = arith.constant 96 : i32
      %add3A_289 = arith.addi %mul3A_229, %add3A_288 : i32
      %multiple_of3A_290 = tpu.assume_multiple %add3A_289, 16 : i32
      %swap3A_291 = arith.index_cast %multiple_of3A_290 : i32 to index
      %swap3A_292 = tpu.vector_load %arg15[%swap3A_291] {strides = array<i32>} : memref<16384xi32, #tpu.memory_space<vmem>>, vector<16xi32>,
      tpu.vector_store %arg15[%swap3A_291], %gather3A_287 {strides = array<i32>} : memref<16384xi32, #tpu.memory_space<vmem>>, vector<16xi32>,
      %add3A_293 = arith.constant 368 : i32
      %add3A_294 = vector.broadcast %add3A_293 : i32 to vector<16xi32>
      %add3A_295 = arith.addi %add3A_294, %iota3A : vector<16xi32>
      %gather3A_296 = tpu.vector_load_idx %arg14[%add3A_295, %broadcast_in_dim3A] : memref<512x8xi32, #tpu.memory_space<vmem>>[vector<16xi32>, vector<16xi32>], vector<16xi32>,
      %add3A_297 = arith.constant 112 : i32
      %add3A_298 = arith.addi %mul3A_229, %add3A_297 : i32
      %multiple_of3A_299 = tpu.assume_multiple %add3A_298, 16 : i32
      %swap3A_300 = arith.index_cast %multiple_of3A_299 : i32 to index
      %swap3A_301 = tpu.vector_load %arg15[%swap3A_300] {strides = array<i32>} : memref<16384xi32, #tpu.memory_space<vmem>>, vector<16xi32>,
      tpu.vector_store %arg15[%swap3A_300], %gather3A_296 {strides = array<i32>} : memref<16384xi32, #tpu.memory_space<vmem>>, vector<16xi32>,
      %multiple_of3A_302 = tpu.assume_multiple %mul3A_229, 128 : i32
      %dma_start3A_303 = arith.constant 256 : i32
      %dma_start3A_304 = arith.constant 0 : i32
      %dma_start3A_305 = tpu.memref_slice %arg18[%dma_start3A_303, %dma_start3A_304] : memref<512x32xf32, #tpu.memory_space<vmem>> -> memref<128x32xf32, #tpu.memory_space<vmem>>
      %dma_start3A_306 = tpu.memref_slice %arg15[%multiple_of3A_302] : memref<16384xi32, #tpu.memory_space<vmem>> -> memref<128xi32, #tpu.memory_space<vmem>>
      %dma_start3A_307 = arith.constant 0 : i32
      %dma_start3A_308 = arith.constant 0 : i32
      %dma_start3A_309 = tpu.memref_slice %arg4[%dma_start3A_307, %dma_start3A_308] : memref<1000x32xf32, #tpu.memory_space<hbm>> -> memref<1000x32xf32, #tpu.memory_space<hbm>>
      tpu.enqueue_indirect_dma source(%dma_start3A_309 : memref<1000x32xf32, #tpu.memory_space<hbm>>) target(%dma_start3A_305 : memref<128x32xf32, #tpu.memory_space<vmem>>) offsets(%dma_start3A_306 : memref<128xi32, #tpu.memory_space<vmem>>) semaphore(%arg21 : memref<!tpu.dma_semaphore, #tpu.memory_space<semaphore_mem>>) {add = true}
      %mul3A_310 = arith.constant 4 : i32
      %mul3A_311 = arith.muli %scan3A_48, %mul3A_310 : i32
      %add3A_312 = arith.constant 96 : i32
      %add3A_313 = arith.addi %add3A_312, %mul3A_311 : i32
      %add3A_314 = arith.constant 3 : i32
      %add3A_315 = arith.addi %add3A_313, %add3A_314 : i32
      %mul3A_316 = arith.constant 128 : i32
      %mul3A_317 = arith.muli %add3A_315, %mul3A_316 : i32
      %add3A_318 = arith.constant 384 : i32
      %add3A_319 = vector.broadcast %add3A_318 : i32 to vector<16xi32>
      %add3A_320 = arith.addi %add3A_319, %iota3A : vector<16xi32>
      %gather3A_321 = tpu.vector_load_idx %arg14[%add3A_320, %broadcast_in_dim3A] : memref<512x8xi32, #tpu.memory_space<vmem>>[vector<16xi32>, vector<16xi32>], vector<16xi32>,
      %add3A_322 = arith.constant 0 : i32
      %add3A_323 = arith.addi %mul3A_317, %add3A_322 : i32
      %multiple_of3A_324 = tpu.assume_multiple %add3A_323, 16 : i32
      %swap3A_325 = arith.index_cast %multiple_of3A_324 : i32 to index
      %swap3A_326 = tpu.vector_load %arg15[%swap3A_325] {strides = array<i32>} : memref<16384xi32, #tpu.memory_space<vmem>>, vector<16xi32>,
      tpu.vector_store %arg15[%swap3A_325], %gather3A_321 {strides = array<i32>} : memref<16384xi32, #tpu.memory_space<vmem>>, vector<16xi32>,
      %add3A_327 = arith.constant 400 : i32
      %add3A_328 = vector.broadcast %add3A_327 : i32 to vector<16xi32>
      %add3A_329 = arith.addi %add3A_328, %iota3A : vector<16xi32>
      %gather3A_330 = tpu.vector_load_idx %arg14[%add3A_329, %broadcast_in_dim3A] : memref<512x8xi32, #tpu.memory_space<vmem>>[vector<16xi32>, vector<16xi32>], vector<16xi32>,
      %add3A_331 = arith.constant 16 : i32
      %add3A_332 = arith.addi %mul3A_317, %add3A_331 : i32
      %multiple_of3A_333 = tpu.assume_multiple %add3A_332, 16 : i32
      %swap3A_334 = arith.index_cast %multiple_of3A_333 : i32 to index
      %swap3A_335 = tpu.vector_load %arg15[%swap3A_334] {strides = array<i32>} : memref<16384xi32, #tpu.memory_space<vmem>>, vector<16xi32>,
      tpu.vector_store %arg15[%swap3A_334], %gather3A_330 {strides = array<i32>} : memref<16384xi32, #tpu.memory_space<vmem>>, vector<16xi32>,
      %add3A_336 = arith.constant 416 : i32
      %add3A_337 = vector.broadcast %add3A_336 : i32 to vector<16xi32>
      %add3A_338 = arith.addi %add3A_337, %iota3A : vector<16xi32>
      %gather3A_339 = tpu.vector_load_idx %arg14[%add3A_338, %broadcast_in_dim3A] : memref<512x8xi32, #tpu.memory_space<vmem>>[vector<16xi32>, vector<16xi32>], vector<16xi32>,
      %add3A_340 = arith.constant 32 : i32
      %add3A_341 = arith.addi %mul3A_317, %add3A_340 : i32
      %multiple_of3A_342 = tpu.assume_multiple %add3A_341, 16 : i32
      %swap3A_343 = arith.index_cast %multiple_of3A_342 : i32 to index
      %swap3A_344 = tpu.vector_load %arg15[%swap3A_343] {strides = array<i32>} : memref<16384xi32, #tpu.memory_space<vmem>>, vector<16xi32>,
      tpu.vector_store %arg15[%swap3A_343], %gather3A_339 {strides = array<i32>} : memref<16384xi32, #tpu.memory_space<vmem>>, vector<16xi32>,
      %add3A_345 = arith.constant 432 : i32
      %add3A_346 = vector.broadcast %add3A_345 : i32 to vector<16xi32>
      %add3A_347 = arith.addi %add3A_346, %iota3A : vector<16xi32>
      %gather3A_348 = tpu.vector_load_idx %arg14[%add3A_347, %broadcast_in_dim3A] : memref<512x8xi32, #tpu.memory_space<vmem>>[vector<16xi32>, vector<16xi32>], vector<16xi32>,
      %add3A_349 = arith.constant 48 : i32
      %add3A_350 = arith.addi %mul3A_317, %add3A_349 : i32
      %multiple_of3A_351 = tpu.assume_multiple %add3A_350, 16 : i32
      %swap3A_352 = arith.index_cast %multiple_of3A_351 : i32 to index
      %swap3A_353 = tpu.vector_load %arg15[%swap3A_352] {strides = array<i32>} : memref<16384xi32, #tpu.memory_space<vmem>>, vector<16xi32>,
      tpu.vector_store %arg15[%swap3A_352], %gather3A_348 {strides = array<i32>} : memref<16384xi32, #tpu.memory_space<vmem>>, vector<16xi32>,
      %add3A_354 = arith.constant 448 : i32
      %add3A_355 = vector.broadcast %add3A_354 : i32 to vector<16xi32>
      %add3A_356 = arith.addi %add3A_355, %iota3A : vector<16xi32>
      %gather3A_357 = tpu.vector_load_idx %arg14[%add3A_356, %broadcast_in_dim3A] : memref<512x8xi32, #tpu.memory_space<vmem>>[vector<16xi32>, vector<16xi32>], vector<16xi32>,
      %add3A_358 = arith.constant 64 : i32
      %add3A_359 = arith.addi %mul3A_317, %add3A_358 : i32
      %multiple_of3A_360 = tpu.assume_multiple %add3A_359, 16 : i32
      %swap3A_361 = arith.index_cast %multiple_of3A_360 : i32 to index
      %swap3A_362 = tpu.vector_load %arg15[%swap3A_361] {strides = array<i32>} : memref<16384xi32, #tpu.memory_space<vmem>>, vector<16xi32>,
      tpu.vector_store %arg15[%swap3A_361], %gather3A_357 {strides = array<i32>} : memref<16384xi32, #tpu.memory_space<vmem>>, vector<16xi32>,
      %add3A_363 = arith.constant 464 : i32
      %add3A_364 = vector.broadcast %add3A_363 : i32 to vector<16xi32>
      %add3A_365 = arith.addi %add3A_364, %iota3A : vector<16xi32>
      %gather3A_366 = tpu.vector_load_idx %arg14[%add3A_365, %broadcast_in_dim3A] : memref<512x8xi32, #tpu.memory_space<vmem>>[vector<16xi32>, vector<16xi32>], vector<16xi32>,
      %add3A_367 = arith.constant 80 : i32
      %add3A_368 = arith.addi %mul3A_317, %add3A_367 : i32
      %multiple_of3A_369 = tpu.assume_multiple %add3A_368, 16 : i32
      %swap3A_370 = arith.index_cast %multiple_of3A_369 : i32 to index
      %swap3A_371 = tpu.vector_load %arg15[%swap3A_370] {strides = array<i32>} : memref<16384xi32, #tpu.memory_space<vmem>>, vector<16xi32>,
      tpu.vector_store %arg15[%swap3A_370], %gather3A_366 {strides = array<i32>} : memref<16384xi32, #tpu.memory_space<vmem>>, vector<16xi32>,
      %add3A_372 = arith.constant 480 : i32
      %add3A_373 = vector.broadcast %add3A_372 : i32 to vector<16xi32>
      %add3A_374 = arith.addi %add3A_373, %iota3A : vector<16xi32>
      %gather3A_375 = tpu.vector_load_idx %arg14[%add3A_374, %broadcast_in_dim3A] : memref<512x8xi32, #tpu.memory_space<vmem>>[vector<16xi32>, vector<16xi32>], vector<16xi32>,
      %add3A_376 = arith.constant 96 : i32
      %add3A_377 = arith.addi %mul3A_317, %add3A_376 : i32
      %multiple_of3A_378 = tpu.assume_multiple %add3A_377, 16 : i32
      %swap3A_379 = arith.index_cast %multiple_of3A_378 : i32 to index
      %swap3A_380 = tpu.vector_load %arg15[%swap3A_379] {strides = array<i32>} : memref<16384xi32, #tpu.memory_space<vmem>>, vector<16xi32>,
      tpu.vector_store %arg15[%swap3A_379], %gather3A_375 {strides = array<i32>} : memref<16384xi32, #tpu.memory_space<vmem>>, vector<16xi32>,
      %add3A_381 = arith.constant 496 : i32
      %add3A_382 = vector.broadcast %add3A_381 : i32 to vector<16xi32>
      %add3A_383 = arith.addi %add3A_382, %iota3A : vector<16xi32>
      %gather3A_384 = tpu.vector_load_idx %arg14[%add3A_383, %broadcast_in_dim3A] : memref<512x8xi32, #tpu.memory_space<vmem>>[vector<16xi32>, vector<16xi32>], vector<16xi32>,
      %add3A_385 = arith.constant 112 : i32
      %add3A_386 = arith.addi %mul3A_317, %add3A_385 : i32
      %multiple_of3A_387 = tpu.assume_multiple %add3A_386, 16 : i32
      %swap3A_388 = arith.index_cast %multiple_of3A_387 : i32 to index
      %swap3A_389 = tpu.vector_load %arg15[%swap3A_388] {strides = array<i32>} : memref<16384xi32, #tpu.memory_space<vmem>>, vector<16xi32>,
      tpu.vector_store %arg15[%swap3A_388], %gather3A_384 {strides = array<i32>} : memref<16384xi32, #tpu.memory_space<vmem>>, vector<16xi32>,
      %multiple_of3A_390 = tpu.assume_multiple %mul3A_317, 128 : i32
      %dma_start3A_391 = arith.constant 384 : i32
      %dma_start3A_392 = arith.constant 0 : i32
      %dma_start3A_393 = tpu.memref_slice %arg18[%dma_start3A_391, %dma_start3A_392] : memref<512x32xf32, #tpu.memory_space<vmem>> -> memref<128x32xf32, #tpu.memory_space<vmem>>
      %dma_start3A_394 = tpu.memref_slice %arg15[%multiple_of3A_390] : memref<16384xi32, #tpu.memory_space<vmem>> -> memref<128xi32, #tpu.memory_space<vmem>>
      %dma_start3A_395 = arith.constant 0 : i32
      %dma_start3A_396 = arith.constant 0 : i32
      %dma_start3A_397 = tpu.memref_slice %arg4[%dma_start3A_395, %dma_start3A_396] : memref<1000x32xf32, #tpu.memory_space<hbm>> -> memref<1000x32xf32, #tpu.memory_space<hbm>>
      tpu.enqueue_indirect_dma source(%dma_start3A_397 : memref<1000x32xf32, #tpu.memory_space<hbm>>) target(%dma_start3A_393 : memref<128x32xf32, #tpu.memory_space<vmem>>) offsets(%dma_start3A_394 : memref<128xi32, #tpu.memory_space<vmem>>) semaphore(%arg21 : memref<!tpu.dma_semaphore, #tpu.memory_space<semaphore_mem>>) {add = true}
    }
    %scan3A_41 = arith.constant 8 : i32
    %scan3A_42 = arith.constant 0 : i32
    %scan3A_43 = arith.constant 0 : i32
    %scan3A_44 = arith.constant 32 : i32
    %scan3A_45 = arith.addi %scan3A_43, %scan3A_44 : i32
    %scan3A_46 = arith.constant 1 : i32
    scf.for %scan3A_48 = %scan3A_43 to %scan3A_45 step %scan3A_46  : i32 {
      %dma_wait3A_49 = arith.constant 0 : i32
      %dma_wait3A_50 = arith.constant 0 : i32
      %dma_wait3A_51 = tpu.memref_slice %arg2[%dma_wait3A_49, %dma_wait3A_50] : memref<100000x32xf32, #tpu.memory_space<hbm>> -> memref<512x32xf32, #tpu.memory_space<hbm>>
      %dma_wait3A_52 = arith.constant 0 : i32
      %dma_wait3A_53 = arith.constant 0 : i32
      %dma_wait3A_54 = tpu.memref_slice %arg2[%dma_wait3A_52, %dma_wait3A_53] : memref<100000x32xf32, #tpu.memory_space<hbm>> -> memref<512x32xf32, #tpu.memory_space<hbm>>
      tpu.wait_dma2 semaphore(%arg21 : memref<!tpu.dma_semaphore, #tpu.memory_space<semaphore_mem>>) src(%dma_wait3A_54 : memref<512x32xf32, #tpu.memory_space<hbm>>) dst(%arg16 : memref<512x32xf32, #tpu.memory_space<vmem>>)
    }
    %scan3A_47 = arith.constant 32 : i32
    "tpu.region"() ({
      %run_scoped3A = tpu.sem_alloc : memref<!tpu.dma_semaphore, #tpu.memory_space<semaphore_mem>>
      %dma_start3A_48 = arith.constant 0 : i32
      %dma_start3A_49 = tpu.memref_slice %arg9[%mul3A_2, %dma_start3A_48] : memref<16384x32xf32, #tpu.memory_space<hbm>> -> memref<512x32xf32, #tpu.memory_space<hbm>>
      %dma_start3A_50 = arith.constant 0 : i32
      %dma_start3A_51 = tpu.memref_slice %arg9[%mul3A_2, %dma_start3A_50] : memref<16384x32xf32, #tpu.memory_space<hbm>> -> memref<512x32xf32, #tpu.memory_space<hbm>>
      tpu.enqueue_dma source(%arg16 : memref<512x32xf32, #tpu.memory_space<vmem>>) target(%dma_start3A_51 : memref<512x32xf32, #tpu.memory_space<hbm>>) target_semaphore(%run_scoped3A : memref<!tpu.dma_semaphore, #tpu.memory_space<semaphore_mem>>)
      %dma_wait3A_52 = arith.constant 0 : i32
      %dma_wait3A_53 = tpu.memref_slice %arg9[%mul3A_2, %dma_wait3A_52] : memref<16384x32xf32, #tpu.memory_space<hbm>> -> memref<512x32xf32, #tpu.memory_space<hbm>>
      %dma_wait3A_54 = arith.constant 0 : i32
      %dma_wait3A_55 = tpu.memref_slice %arg9[%mul3A_2, %dma_wait3A_54] : memref<16384x32xf32, #tpu.memory_space<hbm>> -> memref<512x32xf32, #tpu.memory_space<hbm>>
      tpu.wait_dma2 semaphore(%run_scoped3A : memref<!tpu.dma_semaphore, #tpu.memory_space<semaphore_mem>>) src(%arg16 : memref<512x32xf32, #tpu.memory_space<vmem>>) dst(%dma_wait3A_55 : memref<512x32xf32, #tpu.memory_space<hbm>>)
      tpu.yield
    }) : () -> ()
    "tpu.region"() ({
      %run_scoped3A = tpu.sem_alloc : memref<!tpu.dma_semaphore, #tpu.memory_space<semaphore_mem>>
      %dma_start3A_48 = arith.constant 0 : i32
      %dma_start3A_49 = tpu.memref_slice %arg10[%mul3A_2, %dma_start3A_48] : memref<16384x32xf32, #tpu.memory_space<hbm>> -> memref<512x32xf32, #tpu.memory_space<hbm>>
      %dma_start3A_50 = arith.constant 0 : i32
      %dma_start3A_51 = tpu.memref_slice %arg10[%mul3A_2, %dma_start3A_50] : memref<16384x32xf32, #tpu.memory_space<hbm>> -> memref<512x32xf32, #tpu.memory_space<hbm>>
      tpu.enqueue_dma source(%arg17 : memref<512x32xf32, #tpu.memory_space<vmem>>) target(%dma_start3A_51 : memref<512x32xf32, #tpu.memory_space<hbm>>) target_semaphore(%run_scoped3A : memref<!tpu.dma_semaphore, #tpu.memory_space<semaphore_mem>>)
      %dma_wait3A_52 = arith.constant 0 : i32
      %dma_wait3A_53 = tpu.memref_slice %arg10[%mul3A_2, %dma_wait3A_52] : memref<16384x32xf32, #tpu.memory_space<hbm>> -> memref<512x32xf32, #tpu.memory_space<hbm>>
      %dma_wait3A_54 = arith.constant 0 : i32
      %dma_wait3A_55 = tpu.memref_slice %arg10[%mul3A_2, %dma_wait3A_54] : memref<16384x32xf32, #tpu.memory_space<hbm>> -> memref<512x32xf32, #tpu.memory_space<hbm>>
      tpu.wait_dma2 semaphore(%run_scoped3A : memref<!tpu.dma_semaphore, #tpu.memory_space<semaphore_mem>>) src(%arg17 : memref<512x32xf32, #tpu.memory_space<vmem>>) dst(%dma_wait3A_55 : memref<512x32xf32, #tpu.memory_space<hbm>>)
      tpu.yield
    }) : () -> ()
    "tpu.region"() ({
      %run_scoped3A = tpu.sem_alloc : memref<!tpu.dma_semaphore, #tpu.memory_space<semaphore_mem>>
      %dma_start3A_48 = arith.constant 0 : i32
      %dma_start3A_49 = tpu.memref_slice %arg11[%mul3A_2, %dma_start3A_48] : memref<16384x32xf32, #tpu.memory_space<hbm>> -> memref<512x32xf32, #tpu.memory_space<hbm>>
      %dma_start3A_50 = arith.constant 0 : i32
      %dma_start3A_51 = tpu.memref_slice %arg11[%mul3A_2, %dma_start3A_50] : memref<16384x32xf32, #tpu.memory_space<hbm>> -> memref<512x32xf32, #tpu.memory_space<hbm>>
      tpu.enqueue_dma source(%arg18 : memref<512x32xf32, #tpu.memory_space<vmem>>) target(%dma_start3A_51 : memref<512x32xf32, #tpu.memory_space<hbm>>) target_semaphore(%run_scoped3A : memref<!tpu.dma_semaphore, #tpu.memory_space<semaphore_mem>>)
      %dma_wait3A_52 = arith.constant 0 : i32
      %dma_wait3A_53 = tpu.memref_slice %arg11[%mul3A_2, %dma_wait3A_52] : memref<16384x32xf32, #tpu.memory_space<hbm>> -> memref<512x32xf32, #tpu.memory_space<hbm>>
      %dma_wait3A_54 = arith.constant 0 : i32
      %dma_wait3A_55 = tpu.memref_slice %arg11[%mul3A_2, %dma_wait3A_54] : memref<16384x32xf32, #tpu.memory_space<hbm>> -> memref<512x32xf32, #tpu.memory_space<hbm>>
      tpu.wait_dma2 semaphore(%run_scoped3A : memref<!tpu.dma_semaphore, #tpu.memory_space<semaphore_mem>>) src(%arg18 : memref<512x32xf32, #tpu.memory_space<vmem>>) dst(%dma_wait3A_55 : memref<512x32xf32, #tpu.memory_space<hbm>>)
      tpu.yield
    }) : () -> ()
    return
  }
}

#map = affine_map<(d0, d1) -> (0, 0)>
#map1 = affine_map<(d0, d1) -> (0)>
module attributes {stable_mosaic.version = 14 : i64} {
  func.func @_user_movie_body(%arg0: i32, %arg1: i32, %arg2: memref<1000000x128xf32, #tpu.memory_space<hbm>>, %arg3: memref<100000x128xf32, #tpu.memory_space<hbm>>, %arg4: memref<16384xi32, #tpu.memory_space<hbm>>, %arg5: memref<16384xi32, #tpu.memory_space<hbm>>, %arg6: memref<16384x128xf32, #tpu.memory_space<hbm>>, %arg7: memref<16384x128xf32, #tpu.memory_space<hbm>>, %arg8: memref<512xi32, #tpu.memory_space<vmem>>, %arg9: memref<512xi32, #tpu.memory_space<vmem>>, %arg10: memref<128x128xf32, #tpu.memory_space<vmem>>, %arg11: memref<128x128xf32, #tpu.memory_space<vmem>>, %arg12: memref<!tpu.dma_semaphore, #tpu.memory_space<semaphore_mem>>) attributes {dimension_semantics = [#tpu.dimension_semantics<core_parallel>, #tpu.dimension_semantics<subcore_parallel>], iteration_bounds = array<i64: 2, 16>, scalar_prefetch = 0 : i64, scratch_operands = 5 : i64, tpu.core_type = #tpu.core_type<sc_vector_subcore>, window_params = [{transform_indices = #map}, {transform_indices = #map}, {transform_indices = #map1}, {transform_indices = #map1}, {transform_indices = #map}, {transform_indices = #map}]} {
    %mul3A = arith.constant 2 : i32
    %mul3A_0 = arith.muli %arg1, %mul3A : i32
    %add3A = arith.addi %mul3A_0, %arg0 : i32
    %mul3A_1 = arith.constant 512 : i32
    %mul3A_2 = arith.muli %add3A, %mul3A_1 : i32
    "tpu.region"() ({
      %run_scoped3A = tpu.sem_alloc : memref<!tpu.dma_semaphore, #tpu.memory_space<semaphore_mem>>
      %dma_start3A_97 = tpu.memref_slice %arg4[%mul3A_2] : memref<16384xi32, #tpu.memory_space<hbm>> -> memref<512xi32, #tpu.memory_space<hbm>>
      %dma_start3A_98 = tpu.memref_slice %arg4[%mul3A_2] : memref<16384xi32, #tpu.memory_space<hbm>> -> memref<512xi32, #tpu.memory_space<hbm>>
      tpu.enqueue_dma source(%dma_start3A_98 : memref<512xi32, #tpu.memory_space<hbm>>) target(%arg8 : memref<512xi32, #tpu.memory_space<vmem>>) target_semaphore(%run_scoped3A : memref<!tpu.dma_semaphore, #tpu.memory_space<semaphore_mem>>)
      %dma_wait3A_99 = tpu.memref_slice %arg4[%mul3A_2] : memref<16384xi32, #tpu.memory_space<hbm>> -> memref<512xi32, #tpu.memory_space<hbm>>
      %dma_wait3A_100 = tpu.memref_slice %arg4[%mul3A_2] : memref<16384xi32, #tpu.memory_space<hbm>> -> memref<512xi32, #tpu.memory_space<hbm>>
      tpu.wait_dma2 semaphore(%run_scoped3A : memref<!tpu.dma_semaphore, #tpu.memory_space<semaphore_mem>>) src(%dma_wait3A_100 : memref<512xi32, #tpu.memory_space<hbm>>) dst(%arg8 : memref<512xi32, #tpu.memory_space<vmem>>)
      tpu.yield
    }) : () -> ()
    "tpu.region"() ({
      %run_scoped3A = tpu.sem_alloc : memref<!tpu.dma_semaphore, #tpu.memory_space<semaphore_mem>>
      %dma_start3A_97 = tpu.memref_slice %arg5[%mul3A_2] : memref<16384xi32, #tpu.memory_space<hbm>> -> memref<512xi32, #tpu.memory_space<hbm>>
      %dma_start3A_98 = tpu.memref_slice %arg5[%mul3A_2] : memref<16384xi32, #tpu.memory_space<hbm>> -> memref<512xi32, #tpu.memory_space<hbm>>
      tpu.enqueue_dma source(%dma_start3A_98 : memref<512xi32, #tpu.memory_space<hbm>>) target(%arg9 : memref<512xi32, #tpu.memory_space<vmem>>) target_semaphore(%run_scoped3A : memref<!tpu.dma_semaphore, #tpu.memory_space<semaphore_mem>>)
      %dma_wait3A_99 = tpu.memref_slice %arg5[%mul3A_2] : memref<16384xi32, #tpu.memory_space<hbm>> -> memref<512xi32, #tpu.memory_space<hbm>>
      %dma_wait3A_100 = tpu.memref_slice %arg5[%mul3A_2] : memref<16384xi32, #tpu.memory_space<hbm>> -> memref<512xi32, #tpu.memory_space<hbm>>
      tpu.wait_dma2 semaphore(%run_scoped3A : memref<!tpu.dma_semaphore, #tpu.memory_space<semaphore_mem>>) src(%dma_wait3A_100 : memref<512xi32, #tpu.memory_space<hbm>>) dst(%arg9 : memref<512xi32, #tpu.memory_space<vmem>>)
      tpu.yield
    }) : () -> ()
    %dma_start3A = arith.constant 0 : i32
    %dma_start3A_3 = tpu.memref_slice %arg8[%dma_start3A] : memref<512xi32, #tpu.memory_space<vmem>> -> memref<128xi32, #tpu.memory_space<vmem>>
    %dma_start3A_4 = arith.constant 0 : i32
    %dma_start3A_5 = arith.constant 0 : i32
    %dma_start3A_6 = tpu.memref_slice %arg2[%dma_start3A_4, %dma_start3A_5] : memref<1000000x128xf32, #tpu.memory_space<hbm>> -> memref<1000000x128xf32, #tpu.memory_space<hbm>>
    tpu.enqueue_indirect_dma source(%dma_start3A_6 : memref<1000000x128xf32, #tpu.memory_space<hbm>>) target(%arg10 : memref<128x128xf32, #tpu.memory_space<vmem>>) offsets(%dma_start3A_3 : memref<128xi32, #tpu.memory_space<vmem>>) semaphore(%arg12 : memref<!tpu.dma_semaphore, #tpu.memory_space<semaphore_mem>>)
    %dma_start3A_7 = arith.constant 0 : i32
    %dma_start3A_8 = tpu.memref_slice %arg9[%dma_start3A_7] : memref<512xi32, #tpu.memory_space<vmem>> -> memref<128xi32, #tpu.memory_space<vmem>>
    %dma_start3A_9 = arith.constant 0 : i32
    %dma_start3A_10 = arith.constant 0 : i32
    %dma_start3A_11 = tpu.memref_slice %arg3[%dma_start3A_9, %dma_start3A_10] : memref<100000x128xf32, #tpu.memory_space<hbm>> -> memref<100000x128xf32, #tpu.memory_space<hbm>>
    tpu.enqueue_indirect_dma source(%dma_start3A_11 : memref<100000x128xf32, #tpu.memory_space<hbm>>) target(%arg11 : memref<128x128xf32, #tpu.memory_space<vmem>>) offsets(%dma_start3A_8 : memref<128xi32, #tpu.memory_space<vmem>>) semaphore(%arg12 : memref<!tpu.dma_semaphore, #tpu.memory_space<semaphore_mem>>)
    %dma_wait3A = arith.constant 0 : i32
    %dma_wait3A_12 = tpu.memref_slice %arg8[%dma_wait3A] : memref<512xi32, #tpu.memory_space<vmem>> -> memref<128xi32, #tpu.memory_space<vmem>>
    %dma_wait3A_13 = arith.constant 0 : i32
    %dma_wait3A_14 = arith.constant 0 : i32
    %dma_wait3A_15 = tpu.memref_slice %arg2[%dma_wait3A_13, %dma_wait3A_14] : memref<1000000x128xf32, #tpu.memory_space<hbm>> -> memref<1000000x128xf32, #tpu.memory_space<hbm>>
    tpu.wait_indirect_dma semaphore(%arg12 : memref<!tpu.dma_semaphore, #tpu.memory_space<semaphore_mem>>) src(%dma_wait3A_15 : memref<1000000x128xf32, #tpu.memory_space<hbm>>) dst(%arg10 : memref<128x128xf32, #tpu.memory_space<vmem>>)
    %dma_wait3A_16 = arith.constant 0 : i32
    %dma_wait3A_17 = tpu.memref_slice %arg9[%dma_wait3A_16] : memref<512xi32, #tpu.memory_space<vmem>> -> memref<128xi32, #tpu.memory_space<vmem>>
    %dma_wait3A_18 = arith.constant 0 : i32
    %dma_wait3A_19 = arith.constant 0 : i32
    %dma_wait3A_20 = tpu.memref_slice %arg3[%dma_wait3A_18, %dma_wait3A_19] : memref<100000x128xf32, #tpu.memory_space<hbm>> -> memref<100000x128xf32, #tpu.memory_space<hbm>>
    tpu.wait_indirect_dma semaphore(%arg12 : memref<!tpu.dma_semaphore, #tpu.memory_space<semaphore_mem>>) src(%dma_wait3A_20 : memref<100000x128xf32, #tpu.memory_space<hbm>>) dst(%arg11 : memref<128x128xf32, #tpu.memory_space<vmem>>)
    %add3A_21 = arith.constant 0 : i32
    %add3A_22 = arith.addi %mul3A_2, %add3A_21 : i32
    "tpu.region"() ({
      %run_scoped3A = tpu.sem_alloc : memref<!tpu.dma_semaphore, #tpu.memory_space<semaphore_mem>>
      %dma_start3A_97 = arith.constant 0 : i32
      %dma_start3A_98 = tpu.memref_slice %arg6[%add3A_22, %dma_start3A_97] : memref<16384x128xf32, #tpu.memory_space<hbm>> -> memref<128x128xf32, #tpu.memory_space<hbm>>
      %dma_start3A_99 = arith.constant 0 : i32
      %dma_start3A_100 = tpu.memref_slice %arg6[%add3A_22, %dma_start3A_99] : memref<16384x128xf32, #tpu.memory_space<hbm>> -> memref<128x128xf32, #tpu.memory_space<hbm>>
      tpu.enqueue_dma source(%arg10 : memref<128x128xf32, #tpu.memory_space<vmem>>) target(%dma_start3A_100 : memref<128x128xf32, #tpu.memory_space<hbm>>) target_semaphore(%run_scoped3A : memref<!tpu.dma_semaphore, #tpu.memory_space<semaphore_mem>>)
      %dma_wait3A_101 = arith.constant 0 : i32
      %dma_wait3A_102 = tpu.memref_slice %arg6[%add3A_22, %dma_wait3A_101] : memref<16384x128xf32, #tpu.memory_space<hbm>> -> memref<128x128xf32, #tpu.memory_space<hbm>>
      %dma_wait3A_103 = arith.constant 0 : i32
      %dma_wait3A_104 = tpu.memref_slice %arg6[%add3A_22, %dma_wait3A_103] : memref<16384x128xf32, #tpu.memory_space<hbm>> -> memref<128x128xf32, #tpu.memory_space<hbm>>
      tpu.wait_dma2 semaphore(%run_scoped3A : memref<!tpu.dma_semaphore, #tpu.memory_space<semaphore_mem>>) src(%arg10 : memref<128x128xf32, #tpu.memory_space<vmem>>) dst(%dma_wait3A_104 : memref<128x128xf32, #tpu.memory_space<hbm>>)
      tpu.yield
    }) : () -> ()
    %add3A_23 = arith.constant 0 : i32
    %add3A_24 = arith.addi %mul3A_2, %add3A_23 : i32
    "tpu.region"() ({
      %run_scoped3A = tpu.sem_alloc : memref<!tpu.dma_semaphore, #tpu.memory_space<semaphore_mem>>
      %dma_start3A_97 = arith.constant 0 : i32
      %dma_start3A_98 = tpu.memref_slice %arg7[%add3A_24, %dma_start3A_97] : memref<16384x128xf32, #tpu.memory_space<hbm>> -> memref<128x128xf32, #tpu.memory_space<hbm>>
      %dma_start3A_99 = arith.constant 0 : i32
      %dma_start3A_100 = tpu.memref_slice %arg7[%add3A_24, %dma_start3A_99] : memref<16384x128xf32, #tpu.memory_space<hbm>> -> memref<128x128xf32, #tpu.memory_space<hbm>>
      tpu.enqueue_dma source(%arg11 : memref<128x128xf32, #tpu.memory_space<vmem>>) target(%dma_start3A_100 : memref<128x128xf32, #tpu.memory_space<hbm>>) target_semaphore(%run_scoped3A : memref<!tpu.dma_semaphore, #tpu.memory_space<semaphore_mem>>)
      %dma_wait3A_101 = arith.constant 0 : i32
      %dma_wait3A_102 = tpu.memref_slice %arg7[%add3A_24, %dma_wait3A_101] : memref<16384x128xf32, #tpu.memory_space<hbm>> -> memref<128x128xf32, #tpu.memory_space<hbm>>
      %dma_wait3A_103 = arith.constant 0 : i32
      %dma_wait3A_104 = tpu.memref_slice %arg7[%add3A_24, %dma_wait3A_103] : memref<16384x128xf32, #tpu.memory_space<hbm>> -> memref<128x128xf32, #tpu.memory_space<hbm>>
      tpu.wait_dma2 semaphore(%run_scoped3A : memref<!tpu.dma_semaphore, #tpu.memory_space<semaphore_mem>>) src(%arg11 : memref<128x128xf32, #tpu.memory_space<vmem>>) dst(%dma_wait3A_104 : memref<128x128xf32, #tpu.memory_space<hbm>>)
      tpu.yield
    }) : () -> ()
    %dma_start3A_25 = arith.constant 128 : i32
    %dma_start3A_26 = tpu.memref_slice %arg8[%dma_start3A_25] : memref<512xi32, #tpu.memory_space<vmem>> -> memref<128xi32, #tpu.memory_space<vmem>>
    %dma_start3A_27 = arith.constant 0 : i32
    %dma_start3A_28 = arith.constant 0 : i32
    %dma_start3A_29 = tpu.memref_slice %arg2[%dma_start3A_27, %dma_start3A_28] : memref<1000000x128xf32, #tpu.memory_space<hbm>> -> memref<1000000x128xf32, #tpu.memory_space<hbm>>
    tpu.enqueue_indirect_dma source(%dma_start3A_29 : memref<1000000x128xf32, #tpu.memory_space<hbm>>) target(%arg10 : memref<128x128xf32, #tpu.memory_space<vmem>>) offsets(%dma_start3A_26 : memref<128xi32, #tpu.memory_space<vmem>>) semaphore(%arg12 : memref<!tpu.dma_semaphore, #tpu.memory_space<semaphore_mem>>)
    %dma_start3A_30 = arith.constant 128 : i32
    %dma_start3A_31 = tpu.memref_slice %arg9[%dma_start3A_30] : memref<512xi32, #tpu.memory_space<vmem>> -> memref<128xi32, #tpu.memory_space<vmem>>
    %dma_start3A_32 = arith.constant 0 : i32
    %dma_start3A_33 = arith.constant 0 : i32
    %dma_start3A_34 = tpu.memref_slice %arg3[%dma_start3A_32, %dma_start3A_33] : memref<100000x128xf32, #tpu.memory_space<hbm>> -> memref<100000x128xf32, #tpu.memory_space<hbm>>
    tpu.enqueue_indirect_dma source(%dma_start3A_34 : memref<100000x128xf32, #tpu.memory_space<hbm>>) target(%arg11 : memref<128x128xf32, #tpu.memory_space<vmem>>) offsets(%dma_start3A_31 : memref<128xi32, #tpu.memory_space<vmem>>) semaphore(%arg12 : memref<!tpu.dma_semaphore, #tpu.memory_space<semaphore_mem>>)
    %dma_wait3A_35 = arith.constant 128 : i32
    %dma_wait3A_36 = tpu.memref_slice %arg8[%dma_wait3A_35] : memref<512xi32, #tpu.memory_space<vmem>> -> memref<128xi32, #tpu.memory_space<vmem>>
    %dma_wait3A_37 = arith.constant 0 : i32
    %dma_wait3A_38 = arith.constant 0 : i32
    %dma_wait3A_39 = tpu.memref_slice %arg2[%dma_wait3A_37, %dma_wait3A_38] : memref<1000000x128xf32, #tpu.memory_space<hbm>> -> memref<1000000x128xf32, #tpu.memory_space<hbm>>
    tpu.wait_indirect_dma semaphore(%arg12 : memref<!tpu.dma_semaphore, #tpu.memory_space<semaphore_mem>>) src(%dma_wait3A_39 : memref<1000000x128xf32, #tpu.memory_space<hbm>>) dst(%arg10 : memref<128x128xf32, #tpu.memory_space<vmem>>)
    %dma_wait3A_40 = arith.constant 128 : i32
    %dma_wait3A_41 = tpu.memref_slice %arg9[%dma_wait3A_40] : memref<512xi32, #tpu.memory_space<vmem>> -> memref<128xi32, #tpu.memory_space<vmem>>
    %dma_wait3A_42 = arith.constant 0 : i32
    %dma_wait3A_43 = arith.constant 0 : i32
    %dma_wait3A_44 = tpu.memref_slice %arg3[%dma_wait3A_42, %dma_wait3A_43] : memref<100000x128xf32, #tpu.memory_space<hbm>> -> memref<100000x128xf32, #tpu.memory_space<hbm>>
    tpu.wait_indirect_dma semaphore(%arg12 : memref<!tpu.dma_semaphore, #tpu.memory_space<semaphore_mem>>) src(%dma_wait3A_44 : memref<100000x128xf32, #tpu.memory_space<hbm>>) dst(%arg11 : memref<128x128xf32, #tpu.memory_space<vmem>>)
    %add3A_45 = arith.constant 128 : i32
    %add3A_46 = arith.addi %mul3A_2, %add3A_45 : i32
    "tpu.region"() ({
      %run_scoped3A = tpu.sem_alloc : memref<!tpu.dma_semaphore, #tpu.memory_space<semaphore_mem>>
      %dma_start3A_97 = arith.constant 0 : i32
      %dma_start3A_98 = tpu.memref_slice %arg6[%add3A_46, %dma_start3A_97] : memref<16384x128xf32, #tpu.memory_space<hbm>> -> memref<128x128xf32, #tpu.memory_space<hbm>>
      %dma_start3A_99 = arith.constant 0 : i32
      %dma_start3A_100 = tpu.memref_slice %arg6[%add3A_46, %dma_start3A_99] : memref<16384x128xf32, #tpu.memory_space<hbm>> -> memref<128x128xf32, #tpu.memory_space<hbm>>
      tpu.enqueue_dma source(%arg10 : memref<128x128xf32, #tpu.memory_space<vmem>>) target(%dma_start3A_100 : memref<128x128xf32, #tpu.memory_space<hbm>>) target_semaphore(%run_scoped3A : memref<!tpu.dma_semaphore, #tpu.memory_space<semaphore_mem>>)
      %dma_wait3A_101 = arith.constant 0 : i32
      %dma_wait3A_102 = tpu.memref_slice %arg6[%add3A_46, %dma_wait3A_101] : memref<16384x128xf32, #tpu.memory_space<hbm>> -> memref<128x128xf32, #tpu.memory_space<hbm>>
      %dma_wait3A_103 = arith.constant 0 : i32
      %dma_wait3A_104 = tpu.memref_slice %arg6[%add3A_46, %dma_wait3A_103] : memref<16384x128xf32, #tpu.memory_space<hbm>> -> memref<128x128xf32, #tpu.memory_space<hbm>>
      tpu.wait_dma2 semaphore(%run_scoped3A : memref<!tpu.dma_semaphore, #tpu.memory_space<semaphore_mem>>) src(%arg10 : memref<128x128xf32, #tpu.memory_space<vmem>>) dst(%dma_wait3A_104 : memref<128x128xf32, #tpu.memory_space<hbm>>)
      tpu.yield
    }) : () -> ()
    %add3A_47 = arith.constant 128 : i32
    %add3A_48 = arith.addi %mul3A_2, %add3A_47 : i32
    "tpu.region"() ({
      %run_scoped3A = tpu.sem_alloc : memref<!tpu.dma_semaphore, #tpu.memory_space<semaphore_mem>>
      %dma_start3A_97 = arith.constant 0 : i32
      %dma_start3A_98 = tpu.memref_slice %arg7[%add3A_48, %dma_start3A_97] : memref<16384x128xf32, #tpu.memory_space<hbm>> -> memref<128x128xf32, #tpu.memory_space<hbm>>
      %dma_start3A_99 = arith.constant 0 : i32
      %dma_start3A_100 = tpu.memref_slice %arg7[%add3A_48, %dma_start3A_99] : memref<16384x128xf32, #tpu.memory_space<hbm>> -> memref<128x128xf32, #tpu.memory_space<hbm>>
      tpu.enqueue_dma source(%arg11 : memref<128x128xf32, #tpu.memory_space<vmem>>) target(%dma_start3A_100 : memref<128x128xf32, #tpu.memory_space<hbm>>) target_semaphore(%run_scoped3A : memref<!tpu.dma_semaphore, #tpu.memory_space<semaphore_mem>>)
      %dma_wait3A_101 = arith.constant 0 : i32
      %dma_wait3A_102 = tpu.memref_slice %arg7[%add3A_48, %dma_wait3A_101] : memref<16384x128xf32, #tpu.memory_space<hbm>> -> memref<128x128xf32, #tpu.memory_space<hbm>>
      %dma_wait3A_103 = arith.constant 0 : i32
      %dma_wait3A_104 = tpu.memref_slice %arg7[%add3A_48, %dma_wait3A_103] : memref<16384x128xf32, #tpu.memory_space<hbm>> -> memref<128x128xf32, #tpu.memory_space<hbm>>
      tpu.wait_dma2 semaphore(%run_scoped3A : memref<!tpu.dma_semaphore, #tpu.memory_space<semaphore_mem>>) src(%arg11 : memref<128x128xf32, #tpu.memory_space<vmem>>) dst(%dma_wait3A_104 : memref<128x128xf32, #tpu.memory_space<hbm>>)
      tpu.yield
    }) : () -> ()
    %dma_start3A_49 = arith.constant 256 : i32
    %dma_start3A_50 = tpu.memref_slice %arg8[%dma_start3A_49] : memref<512xi32, #tpu.memory_space<vmem>> -> memref<128xi32, #tpu.memory_space<vmem>>
    %dma_start3A_51 = arith.constant 0 : i32
    %dma_start3A_52 = arith.constant 0 : i32
    %dma_start3A_53 = tpu.memref_slice %arg2[%dma_start3A_51, %dma_start3A_52] : memref<1000000x128xf32, #tpu.memory_space<hbm>> -> memref<1000000x128xf32, #tpu.memory_space<hbm>>
    tpu.enqueue_indirect_dma source(%dma_start3A_53 : memref<1000000x128xf32, #tpu.memory_space<hbm>>) target(%arg10 : memref<128x128xf32, #tpu.memory_space<vmem>>) offsets(%dma_start3A_50 : memref<128xi32, #tpu.memory_space<vmem>>) semaphore(%arg12 : memref<!tpu.dma_semaphore, #tpu.memory_space<semaphore_mem>>)
    %dma_start3A_54 = arith.constant 256 : i32
    %dma_start3A_55 = tpu.memref_slice %arg9[%dma_start3A_54] : memref<512xi32, #tpu.memory_space<vmem>> -> memref<128xi32, #tpu.memory_space<vmem>>
    %dma_start3A_56 = arith.constant 0 : i32
    %dma_start3A_57 = arith.constant 0 : i32
    %dma_start3A_58 = tpu.memref_slice %arg3[%dma_start3A_56, %dma_start3A_57] : memref<100000x128xf32, #tpu.memory_space<hbm>> -> memref<100000x128xf32, #tpu.memory_space<hbm>>
    tpu.enqueue_indirect_dma source(%dma_start3A_58 : memref<100000x128xf32, #tpu.memory_space<hbm>>) target(%arg11 : memref<128x128xf32, #tpu.memory_space<vmem>>) offsets(%dma_start3A_55 : memref<128xi32, #tpu.memory_space<vmem>>) semaphore(%arg12 : memref<!tpu.dma_semaphore, #tpu.memory_space<semaphore_mem>>)
    %dma_wait3A_59 = arith.constant 256 : i32
    %dma_wait3A_60 = tpu.memref_slice %arg8[%dma_wait3A_59] : memref<512xi32, #tpu.memory_space<vmem>> -> memref<128xi32, #tpu.memory_space<vmem>>
    %dma_wait3A_61 = arith.constant 0 : i32
    %dma_wait3A_62 = arith.constant 0 : i32
    %dma_wait3A_63 = tpu.memref_slice %arg2[%dma_wait3A_61, %dma_wait3A_62] : memref<1000000x128xf32, #tpu.memory_space<hbm>> -> memref<1000000x128xf32, #tpu.memory_space<hbm>>
    tpu.wait_indirect_dma semaphore(%arg12 : memref<!tpu.dma_semaphore, #tpu.memory_space<semaphore_mem>>) src(%dma_wait3A_63 : memref<1000000x128xf32, #tpu.memory_space<hbm>>) dst(%arg10 : memref<128x128xf32, #tpu.memory_space<vmem>>)
    %dma_wait3A_64 = arith.constant 256 : i32
    %dma_wait3A_65 = tpu.memref_slice %arg9[%dma_wait3A_64] : memref<512xi32, #tpu.memory_space<vmem>> -> memref<128xi32, #tpu.memory_space<vmem>>
    %dma_wait3A_66 = arith.constant 0 : i32
    %dma_wait3A_67 = arith.constant 0 : i32
    %dma_wait3A_68 = tpu.memref_slice %arg3[%dma_wait3A_66, %dma_wait3A_67] : memref<100000x128xf32, #tpu.memory_space<hbm>> -> memref<100000x128xf32, #tpu.memory_space<hbm>>
    tpu.wait_indirect_dma semaphore(%arg12 : memref<!tpu.dma_semaphore, #tpu.memory_space<semaphore_mem>>) src(%dma_wait3A_68 : memref<100000x128xf32, #tpu.memory_space<hbm>>) dst(%arg11 : memref<128x128xf32, #tpu.memory_space<vmem>>)
    %add3A_69 = arith.constant 256 : i32
    %add3A_70 = arith.addi %mul3A_2, %add3A_69 : i32
    "tpu.region"() ({
      %run_scoped3A = tpu.sem_alloc : memref<!tpu.dma_semaphore, #tpu.memory_space<semaphore_mem>>
      %dma_start3A_97 = arith.constant 0 : i32
      %dma_start3A_98 = tpu.memref_slice %arg6[%add3A_70, %dma_start3A_97] : memref<16384x128xf32, #tpu.memory_space<hbm>> -> memref<128x128xf32, #tpu.memory_space<hbm>>
      %dma_start3A_99 = arith.constant 0 : i32
      %dma_start3A_100 = tpu.memref_slice %arg6[%add3A_70, %dma_start3A_99] : memref<16384x128xf32, #tpu.memory_space<hbm>> -> memref<128x128xf32, #tpu.memory_space<hbm>>
      tpu.enqueue_dma source(%arg10 : memref<128x128xf32, #tpu.memory_space<vmem>>) target(%dma_start3A_100 : memref<128x128xf32, #tpu.memory_space<hbm>>) target_semaphore(%run_scoped3A : memref<!tpu.dma_semaphore, #tpu.memory_space<semaphore_mem>>)
      %dma_wait3A_101 = arith.constant 0 : i32
      %dma_wait3A_102 = tpu.memref_slice %arg6[%add3A_70, %dma_wait3A_101] : memref<16384x128xf32, #tpu.memory_space<hbm>> -> memref<128x128xf32, #tpu.memory_space<hbm>>
      %dma_wait3A_103 = arith.constant 0 : i32
      %dma_wait3A_104 = tpu.memref_slice %arg6[%add3A_70, %dma_wait3A_103] : memref<16384x128xf32, #tpu.memory_space<hbm>> -> memref<128x128xf32, #tpu.memory_space<hbm>>
      tpu.wait_dma2 semaphore(%run_scoped3A : memref<!tpu.dma_semaphore, #tpu.memory_space<semaphore_mem>>) src(%arg10 : memref<128x128xf32, #tpu.memory_space<vmem>>) dst(%dma_wait3A_104 : memref<128x128xf32, #tpu.memory_space<hbm>>)
      tpu.yield
    }) : () -> ()
    %add3A_71 = arith.constant 256 : i32
    %add3A_72 = arith.addi %mul3A_2, %add3A_71 : i32
    "tpu.region"() ({
      %run_scoped3A = tpu.sem_alloc : memref<!tpu.dma_semaphore, #tpu.memory_space<semaphore_mem>>
      %dma_start3A_97 = arith.constant 0 : i32
      %dma_start3A_98 = tpu.memref_slice %arg7[%add3A_72, %dma_start3A_97] : memref<16384x128xf32, #tpu.memory_space<hbm>> -> memref<128x128xf32, #tpu.memory_space<hbm>>
      %dma_start3A_99 = arith.constant 0 : i32
      %dma_start3A_100 = tpu.memref_slice %arg7[%add3A_72, %dma_start3A_99] : memref<16384x128xf32, #tpu.memory_space<hbm>> -> memref<128x128xf32, #tpu.memory_space<hbm>>
      tpu.enqueue_dma source(%arg11 : memref<128x128xf32, #tpu.memory_space<vmem>>) target(%dma_start3A_100 : memref<128x128xf32, #tpu.memory_space<hbm>>) target_semaphore(%run_scoped3A : memref<!tpu.dma_semaphore, #tpu.memory_space<semaphore_mem>>)
      %dma_wait3A_101 = arith.constant 0 : i32
      %dma_wait3A_102 = tpu.memref_slice %arg7[%add3A_72, %dma_wait3A_101] : memref<16384x128xf32, #tpu.memory_space<hbm>> -> memref<128x128xf32, #tpu.memory_space<hbm>>
      %dma_wait3A_103 = arith.constant 0 : i32
      %dma_wait3A_104 = tpu.memref_slice %arg7[%add3A_72, %dma_wait3A_103] : memref<16384x128xf32, #tpu.memory_space<hbm>> -> memref<128x128xf32, #tpu.memory_space<hbm>>
      tpu.wait_dma2 semaphore(%run_scoped3A : memref<!tpu.dma_semaphore, #tpu.memory_space<semaphore_mem>>) src(%arg11 : memref<128x128xf32, #tpu.memory_space<vmem>>) dst(%dma_wait3A_104 : memref<128x128xf32, #tpu.memory_space<hbm>>)
      tpu.yield
    }) : () -> ()
    %dma_start3A_73 = arith.constant 384 : i32
    %dma_start3A_74 = tpu.memref_slice %arg8[%dma_start3A_73] : memref<512xi32, #tpu.memory_space<vmem>> -> memref<128xi32, #tpu.memory_space<vmem>>
    %dma_start3A_75 = arith.constant 0 : i32
    %dma_start3A_76 = arith.constant 0 : i32
    %dma_start3A_77 = tpu.memref_slice %arg2[%dma_start3A_75, %dma_start3A_76] : memref<1000000x128xf32, #tpu.memory_space<hbm>> -> memref<1000000x128xf32, #tpu.memory_space<hbm>>
    tpu.enqueue_indirect_dma source(%dma_start3A_77 : memref<1000000x128xf32, #tpu.memory_space<hbm>>) target(%arg10 : memref<128x128xf32, #tpu.memory_space<vmem>>) offsets(%dma_start3A_74 : memref<128xi32, #tpu.memory_space<vmem>>) semaphore(%arg12 : memref<!tpu.dma_semaphore, #tpu.memory_space<semaphore_mem>>)
    %dma_start3A_78 = arith.constant 384 : i32
    %dma_start3A_79 = tpu.memref_slice %arg9[%dma_start3A_78] : memref<512xi32, #tpu.memory_space<vmem>> -> memref<128xi32, #tpu.memory_space<vmem>>
    %dma_start3A_80 = arith.constant 0 : i32
    %dma_start3A_81 = arith.constant 0 : i32
    %dma_start3A_82 = tpu.memref_slice %arg3[%dma_start3A_80, %dma_start3A_81] : memref<100000x128xf32, #tpu.memory_space<hbm>> -> memref<100000x128xf32, #tpu.memory_space<hbm>>
    tpu.enqueue_indirect_dma source(%dma_start3A_82 : memref<100000x128xf32, #tpu.memory_space<hbm>>) target(%arg11 : memref<128x128xf32, #tpu.memory_space<vmem>>) offsets(%dma_start3A_79 : memref<128xi32, #tpu.memory_space<vmem>>) semaphore(%arg12 : memref<!tpu.dma_semaphore, #tpu.memory_space<semaphore_mem>>)
    %dma_wait3A_83 = arith.constant 384 : i32
    %dma_wait3A_84 = tpu.memref_slice %arg8[%dma_wait3A_83] : memref<512xi32, #tpu.memory_space<vmem>> -> memref<128xi32, #tpu.memory_space<vmem>>
    %dma_wait3A_85 = arith.constant 0 : i32
    %dma_wait3A_86 = arith.constant 0 : i32
    %dma_wait3A_87 = tpu.memref_slice %arg2[%dma_wait3A_85, %dma_wait3A_86] : memref<1000000x128xf32, #tpu.memory_space<hbm>> -> memref<1000000x128xf32, #tpu.memory_space<hbm>>
    tpu.wait_indirect_dma semaphore(%arg12 : memref<!tpu.dma_semaphore, #tpu.memory_space<semaphore_mem>>) src(%dma_wait3A_87 : memref<1000000x128xf32, #tpu.memory_space<hbm>>) dst(%arg10 : memref<128x128xf32, #tpu.memory_space<vmem>>)
    %dma_wait3A_88 = arith.constant 384 : i32
    %dma_wait3A_89 = tpu.memref_slice %arg9[%dma_wait3A_88] : memref<512xi32, #tpu.memory_space<vmem>> -> memref<128xi32, #tpu.memory_space<vmem>>
    %dma_wait3A_90 = arith.constant 0 : i32
    %dma_wait3A_91 = arith.constant 0 : i32
    %dma_wait3A_92 = tpu.memref_slice %arg3[%dma_wait3A_90, %dma_wait3A_91] : memref<100000x128xf32, #tpu.memory_space<hbm>> -> memref<100000x128xf32, #tpu.memory_space<hbm>>
    tpu.wait_indirect_dma semaphore(%arg12 : memref<!tpu.dma_semaphore, #tpu.memory_space<semaphore_mem>>) src(%dma_wait3A_92 : memref<100000x128xf32, #tpu.memory_space<hbm>>) dst(%arg11 : memref<128x128xf32, #tpu.memory_space<vmem>>)
    %add3A_93 = arith.constant 384 : i32
    %add3A_94 = arith.addi %mul3A_2, %add3A_93 : i32
    "tpu.region"() ({
      %run_scoped3A = tpu.sem_alloc : memref<!tpu.dma_semaphore, #tpu.memory_space<semaphore_mem>>
      %dma_start3A_97 = arith.constant 0 : i32
      %dma_start3A_98 = tpu.memref_slice %arg6[%add3A_94, %dma_start3A_97] : memref<16384x128xf32, #tpu.memory_space<hbm>> -> memref<128x128xf32, #tpu.memory_space<hbm>>
      %dma_start3A_99 = arith.constant 0 : i32
      %dma_start3A_100 = tpu.memref_slice %arg6[%add3A_94, %dma_start3A_99] : memref<16384x128xf32, #tpu.memory_space<hbm>> -> memref<128x128xf32, #tpu.memory_space<hbm>>
      tpu.enqueue_dma source(%arg10 : memref<128x128xf32, #tpu.memory_space<vmem>>) target(%dma_start3A_100 : memref<128x128xf32, #tpu.memory_space<hbm>>) target_semaphore(%run_scoped3A : memref<!tpu.dma_semaphore, #tpu.memory_space<semaphore_mem>>)
      %dma_wait3A_101 = arith.constant 0 : i32
      %dma_wait3A_102 = tpu.memref_slice %arg6[%add3A_94, %dma_wait3A_101] : memref<16384x128xf32, #tpu.memory_space<hbm>> -> memref<128x128xf32, #tpu.memory_space<hbm>>
      %dma_wait3A_103 = arith.constant 0 : i32
      %dma_wait3A_104 = tpu.memref_slice %arg6[%add3A_94, %dma_wait3A_103] : memref<16384x128xf32, #tpu.memory_space<hbm>> -> memref<128x128xf32, #tpu.memory_space<hbm>>
      tpu.wait_dma2 semaphore(%run_scoped3A : memref<!tpu.dma_semaphore, #tpu.memory_space<semaphore_mem>>) src(%arg10 : memref<128x128xf32, #tpu.memory_space<vmem>>) dst(%dma_wait3A_104 : memref<128x128xf32, #tpu.memory_space<hbm>>)
      tpu.yield
    }) : () -> ()
    %add3A_95 = arith.constant 384 : i32
    %add3A_96 = arith.addi %mul3A_2, %add3A_95 : i32
    "tpu.region"() ({
      %run_scoped3A = tpu.sem_alloc : memref<!tpu.dma_semaphore, #tpu.memory_space<semaphore_mem>>
      %dma_start3A_97 = arith.constant 0 : i32
      %dma_start3A_98 = tpu.memref_slice %arg7[%add3A_96, %dma_start3A_97] : memref<16384x128xf32, #tpu.memory_space<hbm>> -> memref<128x128xf32, #tpu.memory_space<hbm>>
      %dma_start3A_99 = arith.constant 0 : i32
      %dma_start3A_100 = tpu.memref_slice %arg7[%add3A_96, %dma_start3A_99] : memref<16384x128xf32, #tpu.memory_space<hbm>> -> memref<128x128xf32, #tpu.memory_space<hbm>>
      tpu.enqueue_dma source(%arg11 : memref<128x128xf32, #tpu.memory_space<vmem>>) target(%dma_start3A_100 : memref<128x128xf32, #tpu.memory_space<hbm>>) target_semaphore(%run_scoped3A : memref<!tpu.dma_semaphore, #tpu.memory_space<semaphore_mem>>)
      %dma_wait3A_101 = arith.constant 0 : i32
      %dma_wait3A_102 = tpu.memref_slice %arg7[%add3A_96, %dma_wait3A_101] : memref<16384x128xf32, #tpu.memory_space<hbm>> -> memref<128x128xf32, #tpu.memory_space<hbm>>
      %dma_wait3A_103 = arith.constant 0 : i32
      %dma_wait3A_104 = tpu.memref_slice %arg7[%add3A_96, %dma_wait3A_103] : memref<16384x128xf32, #tpu.memory_space<hbm>> -> memref<128x128xf32, #tpu.memory_space<hbm>>
      tpu.wait_dma2 semaphore(%run_scoped3A : memref<!tpu.dma_semaphore, #tpu.memory_space<semaphore_mem>>) src(%arg11 : memref<128x128xf32, #tpu.memory_space<vmem>>) dst(%dma_wait3A_104 : memref<128x128xf32, #tpu.memory_space<hbm>>)
      tpu.yield
    }) : () -> ()
    return
  }
}

module attributes {stable_mosaic.version = 14 : i64} {
  func.func @_mlp_body(%arg0: i32, %arg1: memref<2048x128xf32, #tpu.memory_space<vmem>>, %arg2: memref<2048x128xf32, #tpu.memory_space<vmem>>, %arg3: memref<2048x32xf32, #tpu.memory_space<vmem>>, %arg4: memref<2048x32xf32, #tpu.memory_space<vmem>>, %arg5: memref<2048x32xf32, #tpu.memory_space<vmem>>, %arg6: memref<128x64xf32, #tpu.memory_space<vmem>>, %arg7: memref<128x64xf32, #tpu.memory_space<vmem>>, %arg8: memref<96x64xf32, #tpu.memory_space<vmem>>, %arg9: memref<1x64xf32, #tpu.memory_space<vmem>>, %arg10: memref<64x32xf32, #tpu.memory_space<vmem>>, %arg11: memref<1x32xf32, #tpu.memory_space<vmem>>, %arg12: memref<1x32xf32, #tpu.memory_space<vmem>>, %arg13: memref<1x1xf32, #tpu.memory_space<vmem>>, %arg14: memref<2048xf32, #tpu.memory_space<vmem>>) attributes {dimension_semantics = [#tpu.dimension_semantics<arbitrary>], iteration_bounds = array<i64: 8>, scalar_prefetch = 0 : i64, scratch_operands = 0 : i64, tpu.core_type = #tpu.core_type<tc>, window_params = [{transform_indices = @transform_0, window_bounds = array<i64: 2048, 128>}, {transform_indices = @transform_1, window_bounds = array<i64: 2048, 128>}, {transform_indices = @transform_2, window_bounds = array<i64: 2048, 32>}, {transform_indices = @transform_3, window_bounds = array<i64: 2048, 32>}, {transform_indices = @transform_4, window_bounds = array<i64: 2048, 32>}, {pipeline_mode = #tpu.pipeline_mode<synchronous>, transform_indices = @transform_5, window_bounds = array<i64: 128, 64>}, {pipeline_mode = #tpu.pipeline_mode<synchronous>, transform_indices = @transform_6, window_bounds = array<i64: 128, 64>}, {pipeline_mode = #tpu.pipeline_mode<synchronous>, transform_indices = @transform_7, window_bounds = array<i64: 96, 64>}, {pipeline_mode = #tpu.pipeline_mode<synchronous>, transform_indices = @transform_8, window_bounds = array<i64: 1, 64>}, {pipeline_mode = #tpu.pipeline_mode<synchronous>, transform_indices = @transform_9, window_bounds = array<i64: 64, 32>}, {pipeline_mode = #tpu.pipeline_mode<synchronous>, transform_indices = @transform_10, window_bounds = array<i64: 1, 32>}, {pipeline_mode = #tpu.pipeline_mode<synchronous>, transform_indices = @transform_11, window_bounds = array<i64: 1, 32>}, {pipeline_mode = #tpu.pipeline_mode<synchronous>, transform_indices = @transform_12, window_bounds = array<i64: 1, 1>}, {transform_indices = @transform_13, window_bounds = array<i64: 2048>}]} {
    %get3A = arith.constant 0 : index
    %get3A_0 = arith.constant 0 : index
    %get3A_1 = vector.load %arg1[%get3A, %get3A_0] : memref<2048x128xf32, #tpu.memory_space<vmem>>, vector<2048x128xf32>
    %get3A_2 = arith.constant 0 : index
    %get3A_3 = arith.constant 0 : index
    %get3A_4 = vector.load %arg6[%get3A_2, %get3A_3] : memref<128x64xf32, #tpu.memory_space<vmem>>, vector<128x64xf32>
    %dot_general3A = arith.constant dense<0.000000e+00> : vector<2048x64xf32>
    %dot_general3A_5 = tpu.matmul %get3A_1, %get3A_4, %dot_general3A {dimension_numbers = #tpu.dot_dimension_numbers<[1], [0], [0], [1], [0, 0, 1, 1], [], []>, transpose_lhs_hint = false} : vector<2048x128xf32>, vector<128x64xf32>, vector<2048x64xf32> -> vector<2048x64xf32>
    %get3A_6 = arith.constant 0 : index
    %get3A_7 = arith.constant 0 : index
    %get3A_8 = vector.load %arg2[%get3A_6, %get3A_7] : memref<2048x128xf32, #tpu.memory_space<vmem>>, vector<2048x128xf32>
    %get3A_9 = arith.constant 0 : index
    %get3A_10 = arith.constant 0 : index
    %get3A_11 = vector.load %arg7[%get3A_9, %get3A_10] : memref<128x64xf32, #tpu.memory_space<vmem>>, vector<128x64xf32>
    %dot_general3A_12 = arith.constant dense<0.000000e+00> : vector<2048x64xf32>
    %dot_general3A_13 = tpu.matmul %get3A_8, %get3A_11, %dot_general3A_12 {dimension_numbers = #tpu.dot_dimension_numbers<[1], [0], [0], [1], [0, 0, 1, 1], [], []>, transpose_lhs_hint = false} : vector<2048x128xf32>, vector<128x64xf32>, vector<2048x64xf32> -> vector<2048x64xf32>
    %add3A = arith.addf %dot_general3A_5, %dot_general3A_13 : vector<2048x64xf32>
    %get3A_14 = arith.constant 0 : index
    %get3A_15 = arith.constant 0 : index
    %get3A_16 = vector.load %arg3[%get3A_14, %get3A_15] : memref<2048x32xf32, #tpu.memory_space<vmem>>, vector<2048x32xf32>
    %get3A_17 = arith.constant 0 : index
    %get3A_18 = arith.constant 0 : index
    %get3A_19 = vector.load %arg8[%get3A_17, %get3A_18] : memref<96x64xf32, #tpu.memory_space<vmem>>, vector<32x64xf32>
    %dot_general3A_20 = arith.constant dense<0.000000e+00> : vector<2048x64xf32>
    %dot_general3A_21 = tpu.matmul %get3A_16, %get3A_19, %dot_general3A_20 {dimension_numbers = #tpu.dot_dimension_numbers<[1], [0], [0], [1], [0, 0, 1, 1], [], []>, transpose_lhs_hint = false} : vector<2048x32xf32>, vector<32x64xf32>, vector<2048x64xf32> -> vector<2048x64xf32>
    %add3A_22 = arith.addf %add3A, %dot_general3A_21 : vector<2048x64xf32>
    %get3A_23 = arith.constant 0 : index
    %get3A_24 = arith.constant 0 : index
    %get3A_25 = vector.load %arg4[%get3A_23, %get3A_24] : memref<2048x32xf32, #tpu.memory_space<vmem>>, vector<2048x32xf32>
    %get3A_26 = arith.constant 32 : index
    %get3A_27 = arith.constant 0 : index
    %get3A_28 = vector.load %arg8[%get3A_26, %get3A_27] : memref<96x64xf32, #tpu.memory_space<vmem>>, vector<32x64xf32>
    %dot_general3A_29 = arith.constant dense<0.000000e+00> : vector<2048x64xf32>
    %dot_general3A_30 = tpu.matmul %get3A_25, %get3A_28, %dot_general3A_29 {dimension_numbers = #tpu.dot_dimension_numbers<[1], [0], [0], [1], [0, 0, 1, 1], [], []>, transpose_lhs_hint = false} : vector<2048x32xf32>, vector<32x64xf32>, vector<2048x64xf32> -> vector<2048x64xf32>
    %add3A_31 = arith.addf %add3A_22, %dot_general3A_30 : vector<2048x64xf32>
    %get3A_32 = arith.constant 0 : index
    %get3A_33 = arith.constant 0 : index
    %get3A_34 = vector.load %arg5[%get3A_32, %get3A_33] : memref<2048x32xf32, #tpu.memory_space<vmem>>, vector<2048x32xf32>
    %get3A_35 = arith.constant 64 : index
    %get3A_36 = arith.constant 0 : index
    %get3A_37 = vector.load %arg8[%get3A_35, %get3A_36] : memref<96x64xf32, #tpu.memory_space<vmem>>, vector<32x64xf32>
    %dot_general3A_38 = arith.constant dense<0.000000e+00> : vector<2048x64xf32>
    %dot_general3A_39 = tpu.matmul %get3A_34, %get3A_37, %dot_general3A_38 {dimension_numbers = #tpu.dot_dimension_numbers<[1], [0], [0], [1], [0, 0, 1, 1], [], []>, transpose_lhs_hint = false} : vector<2048x32xf32>, vector<32x64xf32>, vector<2048x64xf32> -> vector<2048x64xf32>
    %add3A_40 = arith.addf %add3A_31, %dot_general3A_39 : vector<2048x64xf32>
    %get3A_41 = arith.constant 0 : index
    %get3A_42 = arith.constant 0 : index
    %get3A_43 = vector.load %arg9[%get3A_41, %get3A_42] : memref<1x64xf32, #tpu.memory_space<vmem>>, vector<1x64xf32>
    %add3A_44 = vector.broadcast %get3A_43 : vector<1x64xf32> to vector<2048x64xf32>
    %add3A_45 = arith.addf %add3A_40, %add3A_44 : vector<2048x64xf32>
    %max3A = arith.constant 0.000000e+00 : f32
    %max3A_46 = vector.broadcast %max3A : f32 to vector<2048x64xf32>
    %max3A_47 = arith.maximumf %add3A_45, %max3A_46 : vector<2048x64xf32>
    %get3A_48 = arith.constant 0 : index
    %get3A_49 = arith.constant 0 : index
    %get3A_50 = vector.load %arg10[%get3A_48, %get3A_49] : memref<64x32xf32, #tpu.memory_space<vmem>>, vector<64x32xf32>
    %dot_general3A_51 = arith.constant dense<0.000000e+00> : vector<2048x32xf32>
    %dot_general3A_52 = tpu.matmul %max3A_47, %get3A_50, %dot_general3A_51 {dimension_numbers = #tpu.dot_dimension_numbers<[1], [0], [0], [1], [0, 0, 1, 1], [], []>, transpose_lhs_hint = false} : vector<2048x64xf32>, vector<64x32xf32>, vector<2048x32xf32> -> vector<2048x32xf32>
    %get3A_53 = arith.constant 0 : index
    %get3A_54 = arith.constant 0 : index
    %get3A_55 = vector.load %arg11[%get3A_53, %get3A_54] : memref<1x32xf32, #tpu.memory_space<vmem>>, vector<1x32xf32>
    %add3A_56 = vector.broadcast %get3A_55 : vector<1x32xf32> to vector<2048x32xf32>
    %add3A_57 = arith.addf %dot_general3A_52, %add3A_56 : vector<2048x32xf32>
    %max3A_58 = arith.constant 0.000000e+00 : f32
    %max3A_59 = vector.broadcast %max3A_58 : f32 to vector<2048x32xf32>
    %max3A_60 = arith.maximumf %add3A_57, %max3A_59 : vector<2048x32xf32>
    %get3A_61 = arith.constant 0 : index
    %get3A_62 = arith.constant 0 : index
    %get3A_63 = vector.load %arg12[%get3A_61, %get3A_62] : memref<1x32xf32, #tpu.memory_space<vmem>>, vector<1x32xf32>
    %mul3A = vector.broadcast %get3A_63 : vector<1x32xf32> to vector<2048x32xf32>
    %mul3A_64 = arith.mulf %max3A_60, %mul3A : vector<2048x32xf32>
    %reduce_sum3A = arith.constant dense<0.000000e+00> : vector<2048xf32>
    %reduce_sum3A_65 = vector.multi_reduction <add>, %mul3A_64, %reduce_sum3A [1] : vector<2048x32xf32> to vector<2048xf32>
    %get3A_66 = arith.constant 0 : index
    %get3A_67 = arith.constant 0 : index
    %get3A_68 = vector.load %arg13[%get3A_66, %get3A_67] : memref<1x1xf32, #tpu.memory_space<vmem>>, vector<1x1xf32>
    %get3A_69 = vector.extract %get3A_68[0, 0] : f32 from vector<1x1xf32>
    %add3A_70 = vector.broadcast %get3A_69 : f32 to vector<2048xf32>
    %add3A_71 = arith.addf %reduce_sum3A_65, %add3A_70 : vector<2048xf32>
    %swap3A = arith.constant 0 : index
    %swap3A_72 = vector.load %arg14[%swap3A] : memref<2048xf32, #tpu.memory_space<vmem>>, vector<2048xf32>
    tpu.vector_store %arg14[%swap3A], %add3A_71 {strides = array<i32>} : memref<2048xf32, #tpu.memory_space<vmem>>, vector<2048xf32>,
    return
  }
  func.func @transform_0(%arg0: i32) -> (i32, i32) {
    %c0_i32 = arith.constant 0 : i32
    %c0_i32_0 = arith.constant 0 : i32
    return %arg0, %c0_i32 : i32, i32
  }
  func.func @transform_1(%arg0: i32) -> (i32, i32) {
    %c0_i32 = arith.constant 0 : i32
    %c0_i32_0 = arith.constant 0 : i32
    return %arg0, %c0_i32 : i32, i32
  }
  func.func @transform_2(%arg0: i32) -> (i32, i32) {
    %c0_i32 = arith.constant 0 : i32
    %c0_i32_0 = arith.constant 0 : i32
    return %arg0, %c0_i32 : i32, i32
  }
  func.func @transform_3(%arg0: i32) -> (i32, i32) {
    %c0_i32 = arith.constant 0 : i32
    %c0_i32_0 = arith.constant 0 : i32
    return %arg0, %c0_i32 : i32, i32
  }
  func.func @transform_4(%arg0: i32) -> (i32, i32) {
    %c0_i32 = arith.constant 0 : i32
    %c0_i32_0 = arith.constant 0 : i32
    return %arg0, %c0_i32 : i32, i32
  }
  func.func @transform_5(%arg0: i32) -> (i32, i32) {
    %c0_i32 = arith.constant 0 : i32
    %c0_i32_0 = arith.constant 0 : i32
    %c0_i32_1 = arith.constant 0 : i32
    return %c0_i32, %c0_i32_0 : i32, i32
  }
  func.func @transform_6(%arg0: i32) -> (i32, i32) {
    %c0_i32 = arith.constant 0 : i32
    %c0_i32_0 = arith.constant 0 : i32
    %c0_i32_1 = arith.constant 0 : i32
    return %c0_i32, %c0_i32_0 : i32, i32
  }
  func.func @transform_7(%arg0: i32) -> (i32, i32) {
    %c0_i32 = arith.constant 0 : i32
    %c0_i32_0 = arith.constant 0 : i32
    %c0_i32_1 = arith.constant 0 : i32
    return %c0_i32, %c0_i32_0 : i32, i32
  }
  func.func @transform_8(%arg0: i32) -> (i32, i32) {
    %c0_i32 = arith.constant 0 : i32
    %c0_i32_0 = arith.constant 0 : i32
    %c0_i32_1 = arith.constant 0 : i32
    return %c0_i32, %c0_i32_0 : i32, i32
  }
  func.func @transform_9(%arg0: i32) -> (i32, i32) {
    %c0_i32 = arith.constant 0 : i32
    %c0_i32_0 = arith.constant 0 : i32
    %c0_i32_1 = arith.constant 0 : i32
    return %c0_i32, %c0_i32_0 : i32, i32
  }
  func.func @transform_10(%arg0: i32) -> (i32, i32) {
    %c0_i32 = arith.constant 0 : i32
    %c0_i32_0 = arith.constant 0 : i32
    %c0_i32_1 = arith.constant 0 : i32
    return %c0_i32, %c0_i32_0 : i32, i32
  }
  func.func @transform_11(%arg0: i32) -> (i32, i32) {
    %c0_i32 = arith.constant 0 : i32
    %c0_i32_0 = arith.constant 0 : i32
    %c0_i32_1 = arith.constant 0 : i32
    return %c0_i32, %c0_i32_0 : i32, i32
  }
  func.func @transform_12(%arg0: i32) -> (i32, i32) {
    %c0_i32 = arith.constant 0 : i32
    %c0_i32_0 = arith.constant 0 : i32
    %c0_i32_1 = arith.constant 0 : i32
    return %c0_i32, %c0_i32_0 : i32, i32
  }
  func.func @transform_13(%arg0: i32) -> i32 {
    %c0_i32 = arith.constant 0 : i32
    return %arg0 : i32
  }
}

</mosaic_0001>

<sc_bundles>
// kernel: kernel.5.cloned.1.call-start
scs
__scs_entry_jumppad:
0x0: {  	(pc) =	sbr.rel $0x88, $3  }
0x1: {  	(tag) =	ssettag $0x0;
	lr =	simm.s32 $0x1  }
0x2: {  	[smem:$0x3F91] =	sst lr;
	_ =	strace $0xD0000000  }
0x3: {  	_ = 	snop  }
0x4: {  	_ = 	snop  }
0x5: {  	_ = 	snop  }
0x6: {  	_ = 	snop  }
0x7: {  	_ = 	snop  }
__scs_overlays_trampoline_lowered:
0x8: {  	[smem:$0x3FA0] =	sst s0  }
0x9: {  	[smem:$0x3FA1] =	sst s1  }
0xa: {  	[smem:$0x3FA2] =	sst s2  }
0xb: {  	[smem:$0x3FA3] =	sst s3  }
0xc: {  	[smem:$0x3FA4] =	sst s4  }
0xd: {  	[smem:$0x3FA5] =	sst s5  }
0xe: {  	[smem:$0x3FA6] =	sst s6  }
0xf: {  	[smem:$0x3FA7] =	sst s7  }
0x10: {  	[smem:$0x3FA8] =	sst s8  }
0x11: {  	[smem:$0x3FA9] =	sst s9;
	s0 =	simm.s32 @!p0 $0x0  }
0x12: {  	s1 =	sld [smem:$0x3F8F];
	s0 =	simm.s32 @p0 $0x1  }
0x13: {  	[smem:$0x3FAA] =	sst s0;
	s0 =	simm.s32 @!p1 $0x0  }
0x14: {  	s2 =	sld [smem:$0x3F8E];
	s0 =	simm.s32 @p1 $0x1  }
0x15: {  	[smem:$0x3FAB] =	sst s0;
	s0 =	simm.s32 @!p2 $0x0  }
0x16: {  	s3 =	sld [smem:$0x3FDB];
	s0 =	simm.s32 @p2 $0x1  }
0x17: {  	s4 =	simm.s32 $0x1BF5;
	[smem:$0x3FAD] =	sst s0  }
0x18: {  	s0 =	sld [smem:$0x3F90];
	_ =	swait.ge [sflag:s4], $0x0  }
0x19: {  	s7 =	sld [smem:$0x3F91]  }
0x1a: {  	s8 =	sadd.s32 $0xFFFFE003, lr  }
0x1b: {  	s9 =	sadd.s32 $0xFFFFFEF7, lr;
	s5 =	simm.s32 $0xFFFFFFFF;
	p2 =	slt.u32 s8, $0xFFFFF086  }
0x1c: {  	p1 =	slt.u32 s9, $0xF7A;
	s5 =	simm.s32 @!p2 $0x0  }
0x1d: {  	s5 =	simm.s32 @p1 $0x1;
	p0 =	seq.s32 s7, s2  }
0x1e: {  	s7 =	smul.u32 @!p0 $0xF7A, s2;
	p2 =	seq.s32 @!p0 s5, $0x0  }
0x1f: {  	s9 =	smul.u32 $0xF7A, s1;
	s8 =	simm.s32 @!p0 $0x1BF5;
	p2 =	por !p2, p0  }
0x20: {  	[sflag:s8] =	ssyncset.s32 @!p0 $0xFFFFF086;
	s6 =	sadd.s32 @!p0 s3, s7;
	s7 =	simm.s32 @!p0 $0x108  }
0x21: {  	s3 =	sadd.s32 s3, s9;
	s6 =	sadd.s32 @!p0 $0x88, s6;
	s7 =	simm.s32 @p2 $0x1082  }
0x22: {  	[simem:s7], [sflag:s8] =	dma.local @!p0 [hbm:s6], $0xF7A  }
0x23: {  	s9 =	sor.u32 $0xD0000000, s2;
	s6 =	simm.s32 $0x108;
	_ =	swait.ge @!p0 [sflag:s8], $0x0  }
0x24: {  	s3 =	sadd.s32 $0x88, s3;
	s6 =	simm.s32 @!p1 $0x1082;
	[sflag:s4] =	ssyncset.s32 $0xFFFFF086  }
0x25: {  	[simem:s6], [sflag:s4] =	dma.local [hbm:s3], $0xF7A  }
0x26: {  	[smem:$0x3F91] =	sst s1;
	(tag) =	ssettag s2;
	_ =	strace s9  }
0x27: {  	s1 =	sld [smem:$0x3FA1]  }
0x28: {  	s2 =	sld [smem:$0x3FA2]  }
0x29: {  	s4 =	sld [smem:$0x3FA4]  }
0x2a: {  	p0 =	seq.s32 s5, $0x0;
	s5 =	sld [smem:$0x3FA5]  }
0x2b: {  	s6 =	sld [smem:$0x3FA6]  }
0x2c: {  	s7 =	sld [smem:$0x3FA7]  }
0x2d: {  	s3 =	simm.s32 $0x108;
	s8 =	sld [smem:$0x3FA8]  }
0x2e: {  	s3 =	simm.s32 @!p0 $0x1082;
	s9 =	sld [smem:$0x3FA9]  }
0x2f: {  	lr =	sadd.s32 s0, s3;
	s0 =	sld [smem:$0x3FA0]  }
0x30: {  	s3 =	sld [smem:$0x3FA3]  }
0x31: {  	[smem:$0x3FAC] =	sst s10  }
0x32: {  	s10 =	sld [smem:$0x3FAA];
	_ =	sdelay $0x3  }
0x33: {  	p0 =	seq.s32 s10, $0x1;
	s10 =	sld [smem:$0x3FAC];
	_ =	sdelay $0x3  }
0x34: {  	[smem:$0x3FAC] =	sst s10  }
0x35: {  	s10 =	sld [smem:$0x3FAB];
	_ =	sdelay $0x3  }
0x36: {  	p1 =	seq.s32 s10, $0x1;
	s10 =	sld [smem:$0x3FAC];
	_ =	sdelay $0x3  }
0x37: {  	[smem:$0x3FAC] =	sst s10  }
0x38: {  	s10 =	sld [smem:$0x3FAD]  }
0x39: {  	_ = 	snop;
	(pc) =	sbr.ind lr, $3  }
0x3a: {  	_ = 	snop  }
0x3b: {  	_ = 	snop  }
0x3c: {  	p2 =	seq.s32 s10, $0x1;
	s10 =	sld [smem:$0x3FAC]  }
0x3d: {  	_ =	shalt  }
0x3e: {  	_ =	shalt  }
0x3f: {  	_ =	shalt  }
0x40: {  	_ =	shalt  }
0x41: {  	_ =	shalt  }
0x42: {  	_ =	shalt  }
0x43: {  	_ =	shalt  }
0x44: {  	_ =	shalt  }
0x45: {  	_ =	shalt  }
0x46: {  	_ =	shalt  }
0x47: {  	_ =	shalt  }
0x48: {  	_ =	shalt  }
0x49: {  	_ =	shalt  }
0x4a: {  	_ =	shalt  }
0x4b: {  	_ =	shalt  }
0x4c: {  	_ =	shalt  }
0x4d: {  	_ =	shalt  }
0x4e: {  	_ =	shalt  }
0x4f: {  	_ =	shalt  }
0x50: {  	_ =	shalt  }
0x51: {  	_ =	shalt  }
0x52: {  	_ =	shalt  }
0x53: {  	_ =	shalt  }
0x54: {  	_ =	shalt  }
0x55: {  	_ =	shalt  }
0x56: {  	_ =	shalt  }
0x57: {  	_ =	shalt  }
0x58: {  	_ =	shalt  }
0x59: {  	_ =	shalt  }
0x5a: {  	_ =	shalt  }
0x5b: {  	_ =	shalt  }
0x5c: {  	_ =	shalt  }
0x5d: {  	_ =	shalt  }
0x5e: {  	_ =	shalt  }
0x5f: {  	_ =	shalt  }
0x60: {  	_ =	shalt  }
0x61: {  	_ =	shalt  }
0x62: {  	_ =	shalt  }
0x63: {  	_ =	shalt  }
0x64: {  	_ =	shalt  }
0x65: {  	_ =	shalt  }
0x66: {  	_ =	shalt  }
0x67: {  	_ =	shalt  }
0x68: {  	_ =	shalt  }
0x69: {  	_ =	shalt  }
0x6a: {  	_ =	shalt  }
0x6b: {  	_ =	shalt  }
0x6c: {  	_ =	shalt  }
0x6d: {  	_ =	shalt  }
0x6e: {  	_ =	shalt  }
0x6f: {  	_ =	shalt  }
0x70: {  	_ =	shalt  }
0x71: {  	_ =	shalt  }
0x72: {  	_ =	shalt  }
0x73: {  	_ =	shalt  }
0x74: {  	_ =	shalt  }
0x75: {  	_ =	shalt  }
0x76: {  	_ =	shalt  }
0x77: {  	_ =	shalt  }
0x78: {  	_ =	shalt  }
0x79: {  	_ =	shalt  }
0x7a: {  	_ =	shalt  }
0x7b: {  	_ =	shalt  }
0x7c: {  	_ =	shalt  }
0x7d: {  	_ =	shalt  }
0x7e: {  	_ =	shalt  }
0x7f: {  	_ =	shalt  }
0x80: {  	_ =	shalt  }
0x81: {  	_ =	shalt  }
0x82: {  	_ =	shalt  }
0x83: {  	_ =	shalt  }
0x84: {  	_ =	shalt  }
0x85: {  	_ =	shalt  }
0x86: {  	_ =	shalt  }
0x87: {  	_ =	shalt  }
.Lfunc_end0:
.L_simem_size_0:
called_computation_lowered:
.L_overlay_start_0:
0x88: {  	s2 =	sld [smem:$0x3FD9]  }
0x89: {  	s3 =	sld [smem:$0x3FFE];
	_ =	sdelay $0x1  }
0x8a: {  	s1 =	srdreg.scid  }
0x8b: {  	s0 =	sand.u32 $0x1, s1  }
0x8c: {  	s17 =	sshll.u32 s0, $0xA;
	s2 =	sadd.s32 s3, s2  }
0x8d: {  	s2 =	sadd.s32 s2, s17  }
0x8e: {  	[smem:$0x3FB8] =	sst s2  }
0x8f: {  	_ = 	snop  }
0x90: {  	s2 =	sld [smem:$0x3FD0];
	(tm) =	ssettm $0x1  }
0x91: {  	s18 =	sld [smem:$0x3FFB];
	_ =	sdelay $0x3  }
0x92: {  	_ =	strace s18  }
0x93: {  	s3 =	sld [smem:$0x3FFC];
	_ =	sdelay $0x3  }
0x94: {  	_ =	strace s3  }
0x95: {  	s3 =	sld [smem:$0x3FFD];
	_ =	sdelay $0x3  }
0x96: {  	_ =	strace s3  }
0x97: {  	_ =	strace $0x8FFFFFFF  }
0x98: {  	s19 =	sld [smem:$0x3FDB];
	_ =	sdelay $0x1  }
0x99: {  	s4 =	simm.s32 $_scs_section_size  }
0x9a: {  	s5 =	simm.s32 $_size__tile_overlayer_lowered;
	s6 =	simm.s32 $_tile_overlayer_lowered  }
0x9b: {  	s22 =	simm.s32 $0x1BFF;
	s21 =	sshll.u32 s6, $0x1;
	s3 =	sadd.s32 s4, s19  }
0x9c: {  	s7 =	simm.s32 $0x0;
	s20 =	sshll.u32 s5, $0x1;
	s5 =	sadd.s32 s21, s3  }
0x9d: {  	[timem:s7], [sflag:s22] =	dma.local [hbm:s5], s20  }
0x9e: {  	_ =	swait.ge [sflag:s22], s20  }
0x9f: {  	s4 =	ssub.s32 $0x0, s20;
	[sflag:s22] =	ssyncset.done $0x0  }
0xa0: {  	[sflag:s22] =	ssyncadd.s32 s4;
	_ =	sdelay $0x1  }
0xa1: {  	s23 =	simm.s32 $0x1B8B  }
0xa2: {  	_ =	swait.ge [sflag:s23], $0x1  }
0xa3: {  	[sflag:s23] =	ssyncset.done $0x0  }
0xa4: {  	s25 =	simm.s32 $0x1B8E;
	s24 =	sld [smem:$0x3FFE];
	[sflag:s23] =	ssyncadd.s32 $0xFFFFFFFF  }
0xa5: {  	s26 =	simm.s32 $execute0_lowered;
	[smem:$0x3FD2] =	sst s25  }
0xa6: {  	s5 =	sshll.u32 s26, $0x1;
	_ =	strace $0x80000046;
	[dreg:$0x1] =	wrdreg $0xFFFFFFFF  }
0xa7: {  	s28 =	simm.s32 $_size_execute0_lowered;
	s3 =	sadd.s32 s3, s5;
	[dreg:$0x0] =	wrdreg $0x0  }
0xa8: {  	s5 =	sshll.u32 s28, $0x1;
	[dreg:$0x2] =	wrdreg s3  }
0xa9: {  	[dreg:$0x3] =	wrdreg s5  }
0xaa: {  	[dreg:$0x4] =	wrdreg $0xC0  }
0xab: {  	_ =	task [dreg:s7], $0x5FFFF  }
0xac: {  	[dreg:$0x1] =	wrdreg $0xFFFFFFFF  }
0xad: {  	[dreg:$0x0] =	wrdreg $0x60  }
0xae: {  	[dreg:$0x2] =	wrdreg s24  }
0xaf: {  	[dreg:$0x3] =	wrdreg s2  }
0xb0: {  	[dreg:$0x4] =	wrdreg $0x9  }
0xb1: {  	_ =	task.clear_ibuf [dreg:s7], $0x5FFFF;
	_ =	strace $0x90000046  }
0xb2: {  	s29 =	simm.s32 $0x9;
	_ =	strace $0x80000048  }
0xb3: {  	_ =	swait.ge [sflag:s29], $0x1  }
0xb4: {  	[sflag:s29] =	ssyncadd.s32 $0xFFFFFFFF  }
0xb5: {  	_ =	strace $0x90000048  }
0xb6: {  	_ =	sfence  }
0xb7: {  	s30 =	sld [smem:$0x0];
	_ =	sdelay $0x2  }
0xb8: {  	s31 =	sshll.u32 s1, $0xD;
	s1 =	sshrl.u32 s1, $0x2  }
0xb9: {  	s3 =	sand.u32 $0x4000, s31;
	s1 =	sadd.s32 s1, s30  }
0xba: {  	s0 =	sor.u32 s3, s0;
	s1 =	sshll.u32 s1, $0x11  }
0xbb: {  	s0 =	sor.u32 s1, s0  }
0xbc: {  	s0 =	sadd.s32 $0x8F2B, s0  }
0xbd: {  	[sflag:s0] =	ssyncadd.remote.s32 $0x1  }
0xbe: {  	_ =	sfence.sel $0xFFFF  }
0xbf: {  	[dreg:$0x0] =	wrdreg $0xFFFFFFFF;
	(pc) =	sbr.abs _section_cstart, $3  }
0xc0: {  	[dreg:$0x1] =	wrdreg $0xFFFFFFFF  }
0xc1: {  	_ =	task.clear_ibuf [dreg:s7], $0x2FFFF;
	_ =	strace $0x9FFFFFFF  }
0xc2: {  	(tm) =	ssettm $0x7FFFFFFF  }
0xc3: {  	_ =	shalt  }
tec
execute0_lowered:
.L_overlay_start_1:
0x0: {  	(tag) =	ssettag $0x1  }
0x1: {  	v0 =	vlaneseq.u32  }
0x2: {  	s3 =	simm.s32 $0x0;
	v3 =	vmul.u32 $0x18, v0;
	v0 =	vmul.u32 $0x8, v0  }
0x3: {  	[smem:$0x7FF] =	sst s3  }
0x4: {  	s0 =	rddreg [dreg:$0x0];
	_ =	strace $0x80000047;
	[tilespmem:$0x1FE00] =	vst v0  }
0x5: {  	v1 =	vor.u32 $0x80, v0;
	[tilespmem:$0x1FE10] =	vst v3  }
0x6: {  	v5 =	vadd.s32 $0x300, v3;
	[tilespmem:$0x1FDE0] =	vst v1  }
0x7: {  	v6 =	vadd.s32 $0x480, v3;
	[tilespmem:$0x1FE20] =	vst v5  }
0x8: {  	v7 =	vor.u32 $0x600, v3;
	[tilespmem:$0x1FE30] =	vst v6  }
0x9: {  	v8 =	vadd.s32 $0x780, v3;
	[tilespmem:$0x1FE40] =	vst v7  }
0xa: {  	v9 =	vadd.s32 $0x900, v3;
	[tilespmem:$0x1FE50] =	vst v8  }
0xb: {  	v10 =	vadd.s32 $0xA80, v3;
	[tilespmem:$0x1FE60] =	vst v9  }
0xc: {  	v11 =	vor.u32 $0xC00, v3;
	[tilespmem:$0x1FE70] =	vst v10  }
0xd: {  	v12 =	vadd.s32 $0xD80, v3;
	[tilespmem:$0x1FE80] =	vst v11  }
0xe: {  	v13 =	vadd.s32 $0xF00, v3;
	[tilespmem:$0x1FE90] =	vst v12  }
0xf: {  	v14 =	vadd.s32 $0x1080, v3;
	[tilespmem:$0x1FEA0] =	vst v13  }
0x10: {  	v15 =	vor.u32 $0x1200, v3;
	[tilespmem:$0x1FEB0] =	vst v14  }
0x11: {  	v16 =	vadd.s32 $0x1380, v3;
	[tilespmem:$0x1FEC0] =	vst v15  }
0x12: {  	v17 =	vadd.s32 $0x1500, v3;
	[tilespmem:$0x1FED0] =	vst v16  }
0x13: {  	v18 =	vadd.s32 $0x1680, v3;
	[tilespmem:$0x1FEE0] =	vst v17  }
0x14: {  	v19 =	vor.u32 $0x1800, v3;
	[tilespmem:$0x1FEF0] =	vst v18  }
0x15: {  	s1 =	srdreg.scid;
	s2 =	stileid.u32;
	s14 =	simm.s32 $0x3000;
	v20 =	vadd.s32 $0x1980, v3;
	[tilespmem:$0x1FF00] =	vst v19  }
0x16: {  	s15 =	simm.s32 $0x4000;
	s16 =	simm.s32 $0x9000;
	s17 =	simm.s32 $0xD000;
	v21 =	vadd.s32 $0x1B00, v3;
	[tilespmem:$0x1FF10] =	vst v20  }
0x17: {  	s18 =	simm.s32 $0x11000;
	s19 =	simm.s32 $0x1;
	s22 =	simm.s32 $0xA000;
	v2 =	vadd.s32 $0x180, v3;
	v22 =	vadd.s32 $0x1C80, v3;
	[tilespmem:$0x1FF20] =	vst v21  }
0x18: {  	s20 =	simm.s32 $0x2;
	s28 =	simm.s32 $0x10000;
	s29 =	simm.s32 $0x12000;
	v23 =	vor.u32 $0x1E00, v3;
	v24 =	vadd.s32 $0x1F80, v3;
	v25 =	vadd.s32 $0x2100, v3;
	[tilespmem:$0x1FF30] =	vst v22  }
0x19: {  	s30 =	simm.s32 $0x13000;
	s1 =	sand.u32 $0x1, s1;
	s2 =	sshll.u32 s2, $0xA;
	v26 =	vadd.s32 $0x2280, v3;
	v28 =	vor.u32 $0x2400, v3;
	v29 =	vadd.s32 $0x2580, v3;
	[tilespmem:$0x1FF40] =	vst v23  }
0x1a: {  	s21 =	simm.s32 $0x80;
	s5 =	sadd.s32 $0x3400, s0;
	s4 =	sshll.u32 s1, $0x9;
	v30 =	vadd.s32 $0x2700, v3;
	v31 =	vadd.s32 $0x2880, v3;
	v32 =	vor.u32 $0x2A00, v3;
	[tilespmem:$0x1FF50] =	vst v24  }
0x1b: {  	s1 =	ssub.s32 $0x2, s1;
	s2 =	sor.u32 s4, s2;
	s4 =	sadd.s32 $0x189E00, s0;
	v27 =	vadd.s32 $0x2B80, v3;
	v33 =	vadd.s32 $0x2D00, v3;
	v34 =	vadd.s32 $0x2E80, v3;
	[tilespmem:$0x1FF60] =	vst v25  }
0x1c: {  	v35 =	vor.u32 $0x180, v0;
	v36 =	vor.u32 $0x200, v0;
	v37 =	vor.u32 $0x280, v0;
	s7 =	smul.u32 $0x3, s2;
	s8 =	sshll.u32 s2, $0x2;
	s2 =	sadd.s32 s2, s0;
	[tilespmem:$0x1FF70] =	vst v26  }
0x1d: {  	s6 =	sadd.s32 $0x4400, s0;
	s9 =	sshrl.u32 s1, $0x1;
	v38 =	vor.u32 $0x300, v0;
	v39 =	vor.u32 $0x380, v0;
	v40 =	vor.u32 $0x400, v0;
	[tilespmem:$0x1FF80] =	vst v28;
	s23 =	sadd.s32 $0x11400, s2  }
0x1e: {  	v41 =	vor.u32 $0x480, v0;
	v42 =	vor.u32 $0x500, v0;
	v43 =	vor.u32 $0x580, v0;
	s1 =	ssub.s32 s1, s9;
	[tilespmem:$0x1FF90] =	vst v29;
	s2 =	sadd.s32 $0x15400, s2;
	[dreg:$0x4] =	wrdreg s23  }
0x1f: {  	v44 =	vor.u32 $0x600, v0;
	v45 =	vor.u32 $0x680, v0;
	v46 =	vor.u32 $0x700, v0;
	[tilespmem:$0x1FFA0] =	vst v30;
	s26 =	smax.u32 s1, $0x1;
	s7 =	sadd.s32 s7, s0;
	[dreg:$0x5] =	wrdreg s2  }
0x20: {  	v47 =	vor.u32 $0x780, v0;
	v48 =	vor.u32 $0x800, v0;
	v49 =	vor.u32 $0x880, v0;
	[tilespmem:$0x1FFB0] =	vst v31;
	s0 =	sadd.s32 s8, s0;
	[dreg:$0x9] =	wrdreg s26;
	s7 =	sadd.s32 $0x5400, s7  }
0x21: {  	s31 =	simm.s32 $0x14000;
	v50 =	vor.u32 $0x900, v0;
	v51 =	vor.u32 $0x980, v0;
	v52 =	vor.u32 $0xA00, v0;
	[tilespmem:$0x1FFC0] =	vst v32;
	s24 =	sadd.s32 $0x19400, s0;
	[dreg:$0x3] =	wrdreg s7  }
0x22: {  	v53 =	vor.u32 $0xA80, v0;
	v54 =	vor.u32 $0xB00, v0;
	v55 =	vor.u32 $0xB80, v0;
	[tilespmem:$0x1FFD0] =	vst v27;
	s23 =	simm.s32 $0xB000;
	s25 =	sadd.s32 $0x29400, s0;
	[dreg:$0x6] =	wrdreg s24  }
0x23: {  	v56 =	vor.u32 $0xC00, v0;
	v57 =	vor.u32 $0xC80, v0;
	v58 =	vor.u32 $0xD00, v0;
	[tilespmem:$0x1FFE0] =	vst v33;
	s26 =	simm.s32 $0xF000;
	s0 =	sadd.s32 $0x39400, s0;
	[dreg:$0x7] =	wrdreg s25  }
0x24: {  	v59 =	vor.u32 $0xD80, v0;
	v60 =	vor.u32 $0xE00, v0;
	v1 =	vor.u32 $0x100, v0;
	[tilespmem:$0x1FFF0] =	vst v34;
	s2 =	simm.s32 $0x4;
	[dreg:$0x8] =	wrdreg s0;
	s24 =	simm.s32 $0xC000  }
0x25: {  	v61 =	vor.u32 $0xE80, v0;
	v62 =	vor.u32 $0xF00, v0;
	v63 =	vor.u32 $0xF80, v0;
	[tilespmem:$0x1FDF0] =	vst v1;
	s25 =	simm.s32 $0xE000;
	s0 =	simm.s32 $0x3;
	s7 =	simm.s32 $0x0  }
.LBB2_1:
0x26: {  	s1 =	rddreg [dreg:$0x3]  }
0x27: {  	[tilespmem:s3], [sflag:$0x1] =	stream.linear.gather [hbm4b:s1+s3], $0x3000, $0x38;
	[tilespmem:$0x15000] =	vst v63  }
0x28: {  	s8 =	rddreg [dreg:$0x4]  }
0x29: {  	[tilespmem:s14], [sflag:$0x1] =	stream.linear.gather [hbm4b:s8+s3], $0x1000, $0x38;
	[tilespmem:$0x15000] =	vst v63  }
0x2a: {  	s9 =	rddreg [dreg:$0x5]  }
0x2b: {  	[tilespmem:s15], [sflag:$0x1] =	stream.linear.gather [hbm4b:s9+s3], $0x1000, $0x38;
	[tilespmem:$0x15000] =	vst v63  }
0x2c: {  	s10 =	rddreg [dreg:$0x1]  }
0x2d: {  	[tilespmem:s16], [sflag:$0x2] =	stream.linear.gather [hbm4b:s10+s3], $0x4000, $0x38;
	[tilespmem:$0x15000] =	vst v63  }
0x2e: {  	_ = 	snop  }
0x2f: {  	[tilespmem:s17], [sflag:$0x2] =	stream.linear.gather [hbm4b:s10+s3], $0x4000, $0x38;
	[tilespmem:$0x15000] =	vst v63  }
0x30: {  	_ = 	snop  }
0x31: {  	[tilespmem:s18], [sflag:$0x2] =	stream.linear.gather [hbm4b:s10+s3], $0x4000, $0x38;
	[tilespmem:$0x15000] =	vst v63  }
0x32: {  	_ =	swait.ge [sflag:s19], $0x3000  }
0x33: {  	[sflag:s19] =	ssyncset.done $0x0  }
0x34: {  	[sflag:s19] =	ssyncadd.s32 $0xFFFFD000  }
0x35: {  	_ =	swait.ge [sflag:s19], $0x1000  }
0x36: {  	[sflag:s19] =	ssyncset.done $0x0  }
0x37: {  	[sflag:s19] =	ssyncadd.s32 $0xFFFFF000  }
0x38: {  	_ =	swait.ge [sflag:s19], $0x1000  }
0x39: {  	[sflag:s19] =	ssyncset.done $0x0  }
0x3a: {  	[sflag:s19] =	ssyncadd.s32 $0xFFFFF000  }
0x3b: {  	_ =	swait.ge [sflag:s20], $0x4000  }
0x3c: {  	[sflag:s20] =	ssyncset.done $0x0  }
0x3d: {  	v0 =	vmov s3;
	[sflag:s20] =	ssyncadd.s32 $0xFFFFC000  }
0x3e: {  	v0 =	vand.u32 $0x1F, v0;
	_ =	swait.ge [sflag:s20], $0x4000  }
0x3f: {  	v1 =	vadd.s32 v3, v0;
	[sflag:s20] =	ssyncset.done $0x0  }
0x40: {  	[sflag:s20] =	ssyncadd.s32 $0xFFFFC000  }
0x41: {  	_ =	swait.ge [sflag:s20], $0x4000  }
0x42: {  	[sflag:s20] =	ssyncset.done $0x0  }
0x43: {  	[sflag:s20] =	ssyncadd.s32 $0xFFFFC000  }
0x44: {  	v1 =	vld.idx.msk [tilespmem:v1+s3+$0x0], $0xffff  }
0x45: {  	v4 =	vadd.s32 v2, v0;
	_ =	sdelay $0x2  }
0x46: {  	s8 =	simm.s32 $0x0  }
0x47: {  	[tilespmem:s8+$0x5000] =	vst v1  }
0x48: {  	v1 =	vld.idx.msk [tilespmem:v4+s3+$0x0], $0xffff  }
0x49: {  	v4 =	vadd.s32 v5, v0;
	_ =	sdelay $0x3  }
0x4a: {  	[tilespmem:s8+$0x5010] =	vst v1  }
0x4b: {  	v1 =	vld.idx.msk [tilespmem:v4+s3+$0x0], $0xffff  }
0x4c: {  	v4 =	vadd.s32 v6, v0;
	_ =	sdelay $0x3  }
0x4d: {  	[tilespmem:s8+$0x5020] =	vst v1  }
0x4e: {  	v1 =	vld.idx.msk [tilespmem:v4+s3+$0x0], $0xffff  }
0x4f: {  	v4 =	vadd.s32 v7, v0;
	_ =	sdelay $0x3  }
0x50: {  	[tilespmem:s8+$0x5030] =	vst v1  }
0x51: {  	v1 =	vld.idx.msk [tilespmem:v4+s3+$0x0], $0xffff  }
0x52: {  	v4 =	vadd.s32 v8, v0;
	_ =	sdelay $0x3  }
0x53: {  	[tilespmem:s8+$0x5040] =	vst v1  }
0x54: {  	v1 =	vld.idx.msk [tilespmem:v4+s3+$0x0], $0xffff  }
0x55: {  	v4 =	vadd.s32 v9, v0;
	_ =	sdelay $0x3  }
0x56: {  	[tilespmem:s8+$0x5050] =	vst v1  }
0x57: {  	v1 =	vld.idx.msk [tilespmem:v4+s3+$0x0], $0xffff  }
0x58: {  	v4 =	vadd.s32 v10, v0;
	_ =	sdelay $0x3  }
0x59: {  	[tilespmem:s8+$0x5060] =	vst v1  }
0x5a: {  	v1 =	vld.idx.msk [tilespmem:v4+s3+$0x0], $0xffff;
	_ =	sdelay $0x1  }
0x5b: {  	v4 =	vadd.s32 v11, v0;
	_ =	sdelay $0x2  }
0x5c: {  	s11 =	simm.s32 $0x5000;
	[tilespmem:s8+$0x5070] =	vst v1  }
0x5d: {  	[tilespmem:s16], [sflag:$0x3] =	stream.indirect.gather.add.f32 [hbm:s4], $0x20, s11, s21, $0xb8;
	[tilespmem:$0x15000] =	vst v63  }
0x5e: {  	v1 =	vld.idx.msk [tilespmem:v4+s3+$0x0], $0xffff  }
0x5f: {  	v4 =	vadd.s32 v12, v0;
	_ =	sdelay $0x3  }
0x60: {  	[tilespmem:s8+$0x5080] =	vst v1  }
0x61: {  	v1 =	vld.idx.msk [tilespmem:v4+s3+$0x0], $0xffff  }
0x62: {  	v4 =	vadd.s32 v13, v0;
	_ =	sdelay $0x3  }
0x63: {  	[tilespmem:s8+$0x5090] =	vst v1  }
0x64: {  	v1 =	vld.idx.msk [tilespmem:v4+s3+$0x0], $0xffff  }
0x65: {  	v4 =	vadd.s32 v14, v0;
	_ =	sdelay $0x3  }
0x66: {  	[tilespmem:s8+$0x50A0] =	vst v1  }
0x67: {  	v1 =	vld.idx.msk [tilespmem:v4+s3+$0x0], $0xffff  }
0x68: {  	v4 =	vadd.s32 v15, v0;
	_ =	sdelay $0x3  }
0x69: {  	[tilespmem:s8+$0x50B0] =	vst v1  }
0x6a: {  	v1 =	vld.idx.msk [tilespmem:v4+s3+$0x0], $0xffff  }
0x6b: {  	v4 =	vadd.s32 v16, v0;
	_ =	sdelay $0x3  }
0x6c: {  	[tilespmem:s8+$0x50C0] =	vst v1  }
0x6d: {  	v1 =	vld.idx.msk [tilespmem:v4+s3+$0x0], $0xffff  }
0x6e: {  	v4 =	vadd.s32 v17, v0;
	_ =	sdelay $0x3  }
0x6f: {  	[tilespmem:s8+$0x50D0] =	vst v1  }
0x70: {  	v1 =	vld.idx.msk [tilespmem:v4+s3+$0x0], $0xffff  }
0x71: {  	v4 =	vadd.s32 v18, v0;
	_ =	sdelay $0x3  }
0x72: {  	[tilespmem:s8+$0x50E0] =	vst v1  }
0x73: {  	v1 =	vld.idx.msk [tilespmem:v4+s3+$0x0], $0xffff;
	_ =	sdelay $0x1  }
0x74: {  	v4 =	vadd.s32 v19, v0;
	_ =	sdelay $0x2  }
0x75: {  	s12 =	simm.s32 $0x5080;
	[tilespmem:s8+$0x50F0] =	vst v1  }
0x76: {  	[tilespmem:s22], [sflag:$0x3] =	stream.indirect.gather.add.f32 [hbm:s4], $0x20, s12, s21, $0xb8;
	[tilespmem:$0x15000] =	vst v63  }
0x77: {  	v1 =	vld.idx.msk [tilespmem:v4+s3+$0x0], $0xffff  }
0x78: {  	v4 =	vadd.s32 v20, v0;
	_ =	sdelay $0x3  }
0x79: {  	[tilespmem:s8+$0x5100] =	vst v1  }
0x7a: {  	v1 =	vld.idx.msk [tilespmem:v4+s3+$0x0], $0xffff  }
0x7b: {  	v4 =	vadd.s32 v21, v0;
	_ =	sdelay $0x3  }
0x7c: {  	[tilespmem:s8+$0x5110] =	vst v1  }
0x7d: {  	v1 =	vld.idx.msk [tilespmem:v4+s3+$0x0], $0xffff  }
0x7e: {  	v4 =	vadd.s32 v22, v0;
	_ =	sdelay $0x3  }
0x7f: {  	[tilespmem:s8+$0x5120] =	vst v1  }
0x80: {  	v1 =	vld.idx.msk [tilespmem:v4+s3+$0x0], $0xffff  }
0x81: {  	v4 =	vadd.s32 v23, v0;
	_ =	sdelay $0x3  }
0x82: {  	[tilespmem:s8+$0x5130] =	vst v1  }
0x83: {  	v1 =	vld.idx.msk [tilespmem:v4+s3+$0x0], $0xffff  }
0x84: {  	v4 =	vadd.s32 v24, v0;
	_ =	sdelay $0x3  }
0x85: {  	[tilespmem:s8+$0x5140] =	vst v1  }
0x86: {  	v1 =	vld.idx.msk [tilespmem:v4+s3+$0x0], $0xffff  }
0x87: {  	v4 =	vadd.s32 v25, v0;
	_ =	sdelay $0x3  }
0x88: {  	[tilespmem:s8+$0x5150] =	vst v1  }
0x89: {  	v1 =	vld.idx.msk [tilespmem:v4+s3+$0x0], $0xffff  }
0x8a: {  	v4 =	vadd.s32 v26, v0;
	_ =	sdelay $0x3  }
0x8b: {  	[tilespmem:s8+$0x5160] =	vst v1  }
0x8c: {  	v1 =	vld.idx.msk [tilespmem:v4+s3+$0x0], $0xffff;
	_ =	sdelay $0x1  }
0x8d: {  	v4 =	vadd.s32 v28, v0;
	_ =	sdelay $0x2  }
0x8e: {  	s13 =	simm.s32 $0x5100;
	[tilespmem:s8+$0x5170] =	vst v1  }
0x8f: {  	[tilespmem:s23], [sflag:$0x3] =	stream.indirect.gather.add.f32 [hbm:s4], $0x20, s13, s21, $0xb8;
	[tilespmem:$0x15000] =	vst v63  }
0x90: {  	v1 =	vld.idx.msk [tilespmem:v4+s3+$0x0], $0xffff  }
0x91: {  	v4 =	vadd.s32 v29, v0;
	_ =	sdelay $0x3  }
0x92: {  	[tilespmem:s8+$0x5180] =	vst v1  }
0x93: {  	v1 =	vld.idx.msk [tilespmem:v4+s3+$0x0], $0xffff  }
0x94: {  	v4 =	vadd.s32 v30, v0;
	_ =	sdelay $0x3  }
0x95: {  	[tilespmem:s8+$0x5190] =	vst v1  }
0x96: {  	v1 =	vld.idx.msk [tilespmem:v4+s3+$0x0], $0xffff  }
0x97: {  	v4 =	vadd.s32 v31, v0;
	_ =	sdelay $0x3  }
0x98: {  	[tilespmem:s8+$0x51A0] =	vst v1  }
0x99: {  	v1 =	vld.idx.msk [tilespmem:v4+s3+$0x0], $0xffff  }
0x9a: {  	v4 =	vadd.s32 v32, v0;
	_ =	sdelay $0x3  }
0x9b: {  	[tilespmem:s8+$0x51B0] =	vst v1  }
0x9c: {  	v1 =	vld.idx.msk [tilespmem:v4+s3+$0x0], $0xffff  }
0x9d: {  	v4 =	vadd.s32 v27, v0;
	_ =	sdelay $0x3  }
0x9e: {  	[tilespmem:s8+$0x51C0] =	vst v1  }
0x9f: {  	v1 =	vld.idx.msk [tilespmem:v4+s3+$0x0], $0xffff  }
0xa0: {  	v4 =	vadd.s32 v33, v0;
	_ =	sdelay $0x3  }
0xa1: {  	[tilespmem:s8+$0x51D0] =	vst v1  }
0xa2: {  	v1 =	vld.idx.msk [tilespmem:v4+s3+$0x0], $0xffff  }
0xa3: {  	v0 =	vadd.s32 v34, v0;
	_ =	sdelay $0x3  }
0xa4: {  	[tilespmem:s8+$0x51E0] =	vst v1  }
0xa5: {  	s11 =	simm.s32 $0x1;
	v4 =	vld.idx.msk [tilespmem:v0+s3+$0x0], $0xffff  }
0xa6: {  	v0 =	vmov s11  }
0xa7: {  	v1 =	vand.u32 $0x1F, v0  }
0xa8: {  	v0 =	vadd.s32 v3, v1  }
0xa9: {  	s1 =	simm.s32 $0x5180  }
0xaa: {  	s10 =	simm.s32 $0x800;
	s12 =	simm.s32 $0x1000;
	[tilespmem:s8+$0x51F0] =	vst v4;
	s8 =	simm.s32 $0x0  }
.LBB2_2:
0xab: {  	[tilespmem:s24], [sflag:$0x3] =	stream.indirect.gather.add.f32 [hbm:s4], $0x20, s1, s21, $0xb8;
	[tilespmem:$0x15000] =	vst v63  }
0xac: {  	s1 =	smov.u32 s12  }
0xad: {  	s9 =	simm.s32 $0x0;
	p0 =	sne.s32 s12, $0x9800;
	s12 =	sadd.s32 $0x800, s12;
	v0 =	vld.idx.msk [tilespmem:v0+s8+$0x0], $0xffff  }
0xae: {  	_ = 	snop  }
0xaf: {  	v4 =	vmov v2;
	v2 =	vadd.s32 v2, v1;
	_ =	sdelay $0x2  }
0xb0: {  	s13 =	sshra.s32 s10, $0x2;
	s10 =	smov.u32 s1  }
0xb1: {  	[tilespmem:s13+$0x5000] =	vst v0  }
0xb2: {  	v0 =	vld.idx.msk [tilespmem:v2+s8+$0x0], $0xffff;
	_ =	sdelay $0x1  }
0xb3: {  	v2 =	vadd.s32 v5, v1;
	_ =	sdelay $0x3  }
0xb4: {  	[tilespmem:s13+$0x5010] =	vst v0  }
0xb5: {  	v0 =	vld.idx.msk [tilespmem:v2+s8+$0x0], $0xffff;
	_ =	sdelay $0x1  }
0xb6: {  	v2 =	vadd.s32 v6, v1;
	_ =	sdelay $0x3  }
0xb7: {  	[tilespmem:s13+$0x5020] =	vst v0  }
0xb8: {  	v0 =	vld.idx.msk [tilespmem:v2+s8+$0x0], $0xffff;
	_ =	sdelay $0x1  }
0xb9: {  	v2 =	vadd.s32 v7, v1;
	_ =	sdelay $0x3  }
0xba: {  	[tilespmem:s13+$0x5030] =	vst v0  }
0xbb: {  	v0 =	vld.idx.msk [tilespmem:v2+s8+$0x0], $0xffff;
	_ =	sdelay $0x1  }
0xbc: {  	v2 =	vadd.s32 v8, v1;
	_ =	sdelay $0x3  }
0xbd: {  	[tilespmem:s13+$0x5040] =	vst v0  }
0xbe: {  	v0 =	vld.idx.msk [tilespmem:v2+s8+$0x0], $0xffff;
	_ =	sdelay $0x1  }
0xbf: {  	v2 =	vadd.s32 v9, v1;
	_ =	sdelay $0x3  }
0xc0: {  	[tilespmem:s13+$0x5050] =	vst v0  }
0xc1: {  	v0 =	vld.idx.msk [tilespmem:v2+s8+$0x0], $0xffff;
	_ =	sdelay $0x1  }
0xc2: {  	v2 =	vadd.s32 v10, v1;
	_ =	sdelay $0x3  }
0xc3: {  	[tilespmem:s13+$0x5060] =	vst v0  }
0xc4: {  	v0 =	vld.idx.msk [tilespmem:v2+s8+$0x0], $0xffff;
	_ =	sdelay $0x2  }
0xc5: {  	v2 =	vadd.s32 v11, v1;
	_ =	sdelay $0x2  }
0xc6: {  	s1 =	sadd.s32 $0x5000, s13;
	[tilespmem:s13+$0x5070] =	vst v0  }
0xc7: {  	[tilespmem:s16], [sflag:$0x3] =	stream.indirect.gather.add.f32 [hbm:s4], $0x20, s1, s21, $0xb8;
	[tilespmem:$0x15000] =	vst v63  }
0xc8: {  	v0 =	vld.idx.msk [tilespmem:v2+s8+$0x0], $0xffff;
	_ =	sdelay $0x1  }
0xc9: {  	v2 =	vadd.s32 v12, v1;
	_ =	sdelay $0x3  }
0xca: {  	[tilespmem:s13+$0x5080] =	vst v0  }
0xcb: {  	v0 =	vld.idx.msk [tilespmem:v2+s8+$0x0], $0xffff;
	_ =	sdelay $0x1  }
0xcc: {  	v2 =	vadd.s32 v13, v1;
	_ =	sdelay $0x3  }
0xcd: {  	[tilespmem:s13+$0x5090] =	vst v0  }
0xce: {  	v0 =	vld.idx.msk [tilespmem:v2+s8+$0x0], $0xffff;
	_ =	sdelay $0x1  }
0xcf: {  	v2 =	vadd.s32 v14, v1;
	_ =	sdelay $0x3  }
0xd0: {  	[tilespmem:s13+$0x50A0] =	vst v0  }
0xd1: {  	v0 =	vld.idx.msk [tilespmem:v2+s8+$0x0], $0xffff;
	_ =	sdelay $0x1  }
0xd2: {  	v2 =	vadd.s32 v15, v1;
	_ =	sdelay $0x3  }
0xd3: {  	[tilespmem:s13+$0x50B0] =	vst v0  }
0xd4: {  	v0 =	vld.idx.msk [tilespmem:v2+s8+$0x0], $0xffff;
	_ =	sdelay $0x1  }
0xd5: {  	v2 =	vadd.s32 v16, v1;
	_ =	sdelay $0x3  }
0xd6: {  	[tilespmem:s13+$0x50C0] =	vst v0  }
0xd7: {  	v0 =	vld.idx.msk [tilespmem:v2+s8+$0x0], $0xffff;
	_ =	sdelay $0x1  }
0xd8: {  	v2 =	vadd.s32 v17, v1;
	_ =	sdelay $0x3  }
0xd9: {  	[tilespmem:s13+$0x50D0] =	vst v0  }
0xda: {  	v0 =	vld.idx.msk [tilespmem:v2+s8+$0x0], $0xffff;
	_ =	sdelay $0x1  }
0xdb: {  	v2 =	vadd.s32 v18, v1;
	_ =	sdelay $0x3  }
0xdc: {  	[tilespmem:s13+$0x50E0] =	vst v0  }
0xdd: {  	v0 =	vld.idx.msk [tilespmem:v2+s8+$0x0], $0xffff;
	_ =	sdelay $0x2  }
0xde: {  	v2 =	vadd.s32 v19, v1;
	_ =	sdelay $0x2  }
0xdf: {  	s1 =	sadd.s32 $0x5080, s13;
	[tilespmem:s13+$0x50F0] =	vst v0  }
0xe0: {  	[tilespmem:s22], [sflag:$0x3] =	stream.indirect.gather.add.f32 [hbm:s4], $0x20, s1, s21, $0xb8;
	[tilespmem:$0x15000] =	vst v63  }
0xe1: {  	v0 =	vld.idx.msk [tilespmem:v2+s8+$0x0], $0xffff;
	_ =	sdelay $0x1  }
0xe2: {  	v2 =	vadd.s32 v20, v1;
	_ =	sdelay $0x3  }
0xe3: {  	[tilespmem:s13+$0x5100] =	vst v0  }
0xe4: {  	v0 =	vld.idx.msk [tilespmem:v2+s8+$0x0], $0xffff;
	_ =	sdelay $0x1  }
0xe5: {  	v2 =	vadd.s32 v21, v1;
	_ =	sdelay $0x3  }
0xe6: {  	[tilespmem:s13+$0x5110] =	vst v0  }
0xe7: {  	v0 =	vld.idx.msk [tilespmem:v2+s8+$0x0], $0xffff;
	_ =	sdelay $0x1  }
0xe8: {  	v2 =	vadd.s32 v22, v1;
	_ =	sdelay $0x3  }
0xe9: {  	[tilespmem:s13+$0x5120] =	vst v0  }
0xea: {  	v0 =	vld.idx.msk [tilespmem:v2+s8+$0x0], $0xffff;
	_ =	sdelay $0x1  }
0xeb: {  	v2 =	vadd.s32 v23, v1;
	_ =	sdelay $0x3  }
0xec: {  	[tilespmem:s13+$0x5130] =	vst v0  }
0xed: {  	v0 =	vld.idx.msk [tilespmem:v2+s8+$0x0], $0xffff;
	_ =	sdelay $0x1  }
0xee: {  	v2 =	vadd.s32 v24, v1;
	_ =	sdelay $0x3  }
0xef: {  	[tilespmem:s13+$0x5140] =	vst v0  }
0xf0: {  	v0 =	vld.idx.msk [tilespmem:v2+s8+$0x0], $0xffff;
	_ =	sdelay $0x1  }
0xf1: {  	v2 =	vadd.s32 v25, v1;
	_ =	sdelay $0x3  }
0xf2: {  	[tilespmem:s13+$0x5150] =	vst v0  }
0xf3: {  	v0 =	vld.idx.msk [tilespmem:v2+s8+$0x0], $0xffff;
	_ =	sdelay $0x1  }
0xf4: {  	v2 =	vadd.s32 v26, v1;
	_ =	sdelay $0x3  }
0xf5: {  	[tilespmem:s13+$0x5160] =	vst v0  }
0xf6: {  	v0 =	vld.idx.msk [tilespmem:v2+s8+$0x0], $0xffff;
	_ =	sdelay $0x2  }
0xf7: {  	v2 =	vadd.s32 v28, v1;
	_ =	sdelay $0x2  }
0xf8: {  	s1 =	sadd.s32 $0x5100, s13;
	[tilespmem:s13+$0x5170] =	vst v0  }
0xf9: {  	[tilespmem:s23], [sflag:$0x3] =	stream.indirect.gather.add.f32 [hbm:s4], $0x20, s1, s21, $0xb8;
	[tilespmem:$0x15000] =	vst v63  }
0xfa: {  	v0 =	vld.idx.msk [tilespmem:v2+s8+$0x0], $0xffff;
	_ =	sdelay $0x1  }
0xfb: {  	v2 =	vadd.s32 v29, v1;
	_ =	sdelay $0x3  }
0xfc: {  	[tilespmem:s13+$0x5180] =	vst v0  }
0xfd: {  	v0 =	vld.idx.msk [tilespmem:v2+s8+$0x0], $0xffff;
	_ =	sdelay $0x1  }
0xfe: {  	v2 =	vadd.s32 v30, v1;
	_ =	sdelay $0x3  }
0xff: {  	[tilespmem:s13+$0x5190] =	vst v0  }
0x100: {  	v0 =	vld.idx.msk [tilespmem:v2+s8+$0x0], $0xffff;
	_ =	sdelay $0x1  }
0x101: {  	v2 =	vadd.s32 v31, v1;
	_ =	sdelay $0x3  }
0x102: {  	[tilespmem:s13+$0x51A0] =	vst v0  }
0x103: {  	v0 =	vld.idx.msk [tilespmem:v2+s8+$0x0], $0xffff;
	_ =	sdelay $0x1  }
0x104: {  	v2 =	vadd.s32 v32, v1;
	_ =	sdelay $0x3  }
0x105: {  	[tilespmem:s13+$0x51B0] =	vst v0  }
0x106: {  	v0 =	vld.idx.msk [tilespmem:v2+s8+$0x0], $0xffff;
	_ =	sdelay $0x1  }
0x107: {  	v2 =	vadd.s32 v27, v1;
	_ =	sdelay $0x3  }
0x108: {  	[tilespmem:s13+$0x51C0] =	vst v0  }
0x109: {  	v0 =	vld.idx.msk [tilespmem:v2+s8+$0x0], $0xffff;
	_ =	sdelay $0x1  }
0x10a: {  	v2 =	vadd.s32 v33, v1;
	_ =	sdelay $0x3  }
0x10b: {  	[tilespmem:s13+$0x51D0] =	vst v0  }
0x10c: {  	v0 =	vld.idx.msk [tilespmem:v2+s8+$0x0], $0xffff;
	_ =	sdelay $0x1  }
0x10d: {  	v1 =	vadd.s32 v34, v1;
	_ =	sdelay $0x3  }
0x10e: {  	[tilespmem:s13+$0x51E0] =	vst v0  }
0x10f: {  	s11 =	sadd.s32 $0x1, s11;
	v2 =	vld.idx.msk [tilespmem:v1+s8+$0x0], $0xffff;
	s8 =	smov.u32 s9  }
0x110: {  	v0 =	vmov s11  }
.Ltmp0:
0x111: {  	v1 =	vand.u32 $0x1F, v0;
	(pc) =	sbr.rel @p0 .LBB2_2-.Ltmp0, $2  }
0x112: {  	v0 =	vadd.s32 v3, v1;
	_ =	sdelay $0x2  }
0x113: {  	s1 =	sadd.s32 $0x5180, s13;
	[tilespmem:s13+$0x51F0] =	vst v2;
	v2 =	vmov v4  }
0x114: {  	_ =	sdelay $0x2  }
0x115: {  	[tilespmem:s24], [sflag:$0x3] =	stream.indirect.gather.add.f32 [hbm:s4], $0x20, s1, s21, $0xb8;
	[tilespmem:$0x15000] =	vst v63  }
0x116: {  	v0 =	vld.idx.msk [tilespmem:v0+s8+$0x0], $0xffff  }
0x117: {  	v2 =	vadd.s32 v2, v1;
	_ =	sdelay $0x2  }
0x118: {  	s10 =	sshra.s32 s10, $0x2  }
0x119: {  	[tilespmem:s10+$0x5000] =	vst v0  }
0x11a: {  	v0 =	vld.idx.msk [tilespmem:v2+s8+$0x0], $0xffff  }
0x11b: {  	v2 =	vadd.s32 v5, v1;
	_ =	sdelay $0x3  }
0x11c: {  	[tilespmem:s10+$0x5010] =	vst v0  }
0x11d: {  	v0 =	vld.idx.msk [tilespmem:v2+s8+$0x0], $0xffff  }
0x11e: {  	v2 =	vadd.s32 v6, v1;
	_ =	sdelay $0x3  }
0x11f: {  	[tilespmem:s10+$0x5020] =	vst v0  }
0x120: {  	v0 =	vld.idx.msk [tilespmem:v2+s8+$0x0], $0xffff  }
0x121: {  	v2 =	vadd.s32 v7, v1;
	_ =	sdelay $0x3  }
0x122: {  	[tilespmem:s10+$0x5030] =	vst v0  }
0x123: {  	v0 =	vld.idx.msk [tilespmem:v2+s8+$0x0], $0xffff  }
0x124: {  	v2 =	vadd.s32 v8, v1;
	_ =	sdelay $0x3  }
0x125: {  	[tilespmem:s10+$0x5040] =	vst v0  }
0x126: {  	v0 =	vld.idx.msk [tilespmem:v2+s8+$0x0], $0xffff  }
0x127: {  	v2 =	vadd.s32 v9, v1;
	_ =	sdelay $0x3  }
0x128: {  	[tilespmem:s10+$0x5050] =	vst v0  }
0x129: {  	v0 =	vld.idx.msk [tilespmem:v2+s8+$0x0], $0xffff  }
0x12a: {  	v2 =	vadd.s32 v10, v1;
	_ =	sdelay $0x3  }
0x12b: {  	[tilespmem:s10+$0x5060] =	vst v0  }
0x12c: {  	v0 =	vld.idx.msk [tilespmem:v2+s8+$0x0], $0xffff;
	_ =	sdelay $0x1  }
0x12d: {  	v2 =	vadd.s32 v11, v1;
	_ =	sdelay $0x2  }
0x12e: {  	s11 =	sadd.s32 $0x5000, s10;
	[tilespmem:s10+$0x5070] =	vst v0  }
0x12f: {  	[tilespmem:s16], [sflag:$0x3] =	stream.indirect.gather.add.f32 [hbm:s4], $0x20, s11, s21, $0xb8;
	[tilespmem:$0x15000] =	vst v63  }
0x130: {  	v0 =	vld.idx.msk [tilespmem:v2+s8+$0x0], $0xffff  }
0x131: {  	v2 =	vadd.s32 v12, v1;
	_ =	sdelay $0x3  }
0x132: {  	[tilespmem:s10+$0x5080] =	vst v0  }
0x133: {  	v0 =	vld.idx.msk [tilespmem:v2+s8+$0x0], $0xffff  }
0x134: {  	v2 =	vadd.s32 v13, v1;
	_ =	sdelay $0x3  }
0x135: {  	[tilespmem:s10+$0x5090] =	vst v0  }
0x136: {  	v0 =	vld.idx.msk [tilespmem:v2+s8+$0x0], $0xffff  }
0x137: {  	v2 =	vadd.s32 v14, v1;
	_ =	sdelay $0x3  }
0x138: {  	[tilespmem:s10+$0x50A0] =	vst v0  }
0x139: {  	v0 =	vld.idx.msk [tilespmem:v2+s8+$0x0], $0xffff  }
0x13a: {  	v2 =	vadd.s32 v15, v1;
	_ =	sdelay $0x3  }
0x13b: {  	[tilespmem:s10+$0x50B0] =	vst v0  }
0x13c: {  	v0 =	vld.idx.msk [tilespmem:v2+s8+$0x0], $0xffff  }
0x13d: {  	v2 =	vadd.s32 v16, v1;
	_ =	sdelay $0x3  }
0x13e: {  	[tilespmem:s10+$0x50C0] =	vst v0  }
0x13f: {  	v0 =	vld.idx.msk [tilespmem:v2+s8+$0x0], $0xffff  }
0x140: {  	v2 =	vadd.s32 v17, v1;
	_ =	sdelay $0x3  }
0x141: {  	[tilespmem:s10+$0x50D0] =	vst v0  }
0x142: {  	v0 =	vld.idx.msk [tilespmem:v2+s8+$0x0], $0xffff  }
0x143: {  	v2 =	vadd.s32 v18, v1;
	_ =	sdelay $0x3  }
0x144: {  	[tilespmem:s10+$0x50E0] =	vst v0  }
0x145: {  	v0 =	vld.idx.msk [tilespmem:v2+s8+$0x0], $0xffff;
	_ =	sdelay $0x1  }
0x146: {  	v2 =	vadd.s32 v19, v1;
	_ =	sdelay $0x2  }
0x147: {  	s12 =	sadd.s32 $0x5080, s10;
	[tilespmem:s10+$0x50F0] =	vst v0  }
0x148: {  	[tilespmem:s22], [sflag:$0x3] =	stream.indirect.gather.add.f32 [hbm:s4], $0x20, s12, s21, $0xb8;
	[tilespmem:$0x15000] =	vst v63  }
0x149: {  	v0 =	vld.idx.msk [tilespmem:v2+s8+$0x0], $0xffff  }
0x14a: {  	v2 =	vadd.s32 v20, v1;
	_ =	sdelay $0x3  }
0x14b: {  	[tilespmem:s10+$0x5100] =	vst v0  }
0x14c: {  	v0 =	vld.idx.msk [tilespmem:v2+s8+$0x0], $0xffff  }
0x14d: {  	v2 =	vadd.s32 v21, v1;
	_ =	sdelay $0x3  }
0x14e: {  	[tilespmem:s10+$0x5110] =	vst v0  }
0x14f: {  	v0 =	vld.idx.msk [tilespmem:v2+s8+$0x0], $0xffff  }
0x150: {  	v2 =	vadd.s32 v22, v1;
	_ =	sdelay $0x3  }
0x151: {  	[tilespmem:s10+$0x5120] =	vst v0  }
0x152: {  	v0 =	vld.idx.msk [tilespmem:v2+s8+$0x0], $0xffff  }
0x153: {  	v2 =	vadd.s32 v23, v1;
	_ =	sdelay $0x3  }
0x154: {  	[tilespmem:s10+$0x5130] =	vst v0  }
0x155: {  	v0 =	vld.idx.msk [tilespmem:v2+s8+$0x0], $0xffff  }
0x156: {  	v2 =	vadd.s32 v24, v1;
	_ =	sdelay $0x3  }
0x157: {  	[tilespmem:s10+$0x5140] =	vst v0  }
0x158: {  	v0 =	vld.idx.msk [tilespmem:v2+s8+$0x0], $0xffff  }
0x159: {  	v2 =	vadd.s32 v25, v1;
	_ =	sdelay $0x3  }
0x15a: {  	[tilespmem:s10+$0x5150] =	vst v0  }
0x15b: {  	v0 =	vld.idx.msk [tilespmem:v2+s8+$0x0], $0xffff  }
0x15c: {  	v2 =	vadd.s32 v26, v1;
	_ =	sdelay $0x3  }
0x15d: {  	[tilespmem:s10+$0x5160] =	vst v0  }
0x15e: {  	v0 =	vld.idx.msk [tilespmem:v2+s8+$0x0], $0xffff;
	_ =	sdelay $0x1  }
0x15f: {  	v2 =	vadd.s32 v28, v1;
	_ =	sdelay $0x2  }
0x160: {  	s13 =	sadd.s32 $0x5100, s10;
	[tilespmem:s10+$0x5170] =	vst v0  }
0x161: {  	[tilespmem:s23], [sflag:$0x3] =	stream.indirect.gather.add.f32 [hbm:s4], $0x20, s13, s21, $0xb8;
	[tilespmem:$0x15000] =	vst v63  }
0x162: {  	v0 =	vld.idx.msk [tilespmem:v2+s8+$0x0], $0xffff  }
0x163: {  	v2 =	vadd.s32 v29, v1;
	_ =	sdelay $0x3  }
0x164: {  	[tilespmem:s10+$0x5180] =	vst v0  }
0x165: {  	v0 =	vld.idx.msk [tilespmem:v2+s8+$0x0], $0xffff  }
0x166: {  	v2 =	vadd.s32 v30, v1;
	_ =	sdelay $0x3  }
0x167: {  	[tilespmem:s10+$0x5190] =	vst v0  }
0x168: {  	v0 =	vld.idx.msk [tilespmem:v2+s8+$0x0], $0xffff  }
0x169: {  	v2 =	vadd.s32 v31, v1;
	_ =	sdelay $0x3  }
0x16a: {  	[tilespmem:s10+$0x51A0] =	vst v0  }
0x16b: {  	v0 =	vld.idx.msk [tilespmem:v2+s8+$0x0], $0xffff  }
0x16c: {  	v2 =	vadd.s32 v32, v1;
	_ =	sdelay $0x3  }
0x16d: {  	[tilespmem:s10+$0x51B0] =	vst v0  }
0x16e: {  	v0 =	vld.idx.msk [tilespmem:v2+s8+$0x0], $0xffff  }
0x16f: {  	v2 =	vadd.s32 v27, v1;
	_ =	sdelay $0x3  }
0x170: {  	[tilespmem:s10+$0x51C0] =	vst v0  }
0x171: {  	v0 =	vld.idx.msk [tilespmem:v2+s8+$0x0], $0xffff  }
0x172: {  	v2 =	vadd.s32 v33, v1;
	_ =	sdelay $0x3  }
0x173: {  	[tilespmem:s10+$0x51D0] =	vst v0  }
0x174: {  	v0 =	vld.idx.msk [tilespmem:v2+s8+$0x0], $0xffff  }
0x175: {  	v1 =	vadd.s32 v34, v1;
	_ =	sdelay $0x1  }
0x176: {  	v3 =	vld [tilespmem:$0x1FE00]  }
0x177: {  	v2 =	vmov s9  }
0x178: {  	[tilespmem:s10+$0x51E0] =	vst v0;
	v0 =	vand.u32 $0x7, v2  }
0x179: {  	v1 =	vld.idx.msk [tilespmem:v1+s8+$0x0], $0xffff;
	v0 =	vbroadcast v0, $0x0;
	_ =	sdelay $0x1  }
0x17a: {  	v7 =	vor.u32 v3, v0  }
0x17b: {  	v5 =	vld [tilespmem:$0x1FDE0];
	_ =	sdelay $0x1  }
0x17c: {  	s9 =	sadd.s32 $0x5180, s10;
	[tilespmem:s10+$0x51F0] =	vst v1  }
0x17d: {  	[tilespmem:s24], [sflag:$0x3] =	stream.indirect.gather.add.f32 [hbm:s4], $0x20, s9, s21, $0xb8;
	[tilespmem:$0x15000] =	vst v63  }
0x17e: {  	v1 =	vld.idx.msk [tilespmem:v7+s14+$0x0], $0xffff  }
0x17f: {  	v8 =	vor.u32 v5, v0  }
0x180: {  	v6 =	vld [tilespmem:$0x1FDF0];
	_ =	sdelay $0x1  }
0x181: {  	s9 =	simm.s32 $0x0  }
0x182: {  	[tilespmem:s9+$0x7800] =	vst v1  }
0x183: {  	v1 =	vld.idx.msk [tilespmem:v8+s14+$0x0], $0xffff  }
0x184: {  	v9 =	vor.u32 v6, v0;
	_ =	sdelay $0x3  }
0x185: {  	[tilespmem:s9+$0x7810] =	vst v1  }
0x186: {  	v1 =	vld.idx.msk [tilespmem:v9+s14+$0x0], $0xffff  }
0x187: {  	v10 =	vor.u32 v35, v0;
	_ =	sdelay $0x3  }
0x188: {  	[tilespmem:s9+$0x7820] =	vst v1  }
0x189: {  	v1 =	vld.idx.msk [tilespmem:v10+s14+$0x0], $0xffff  }
0x18a: {  	v11 =	vor.u32 v36, v0;
	_ =	sdelay $0x3  }
0x18b: {  	[tilespmem:s9+$0x7830] =	vst v1  }
0x18c: {  	v1 =	vld.idx.msk [tilespmem:v11+s14+$0x0], $0xffff  }
0x18d: {  	v12 =	vor.u32 v37, v0;
	_ =	sdelay $0x3  }
0x18e: {  	[tilespmem:s9+$0x7840] =	vst v1  }
0x18f: {  	v1 =	vld.idx.msk [tilespmem:v12+s14+$0x0], $0xffff  }
0x190: {  	v13 =	vor.u32 v38, v0;
	_ =	sdelay $0x3  }
0x191: {  	[tilespmem:s9+$0x7850] =	vst v1  }
0x192: {  	v1 =	vld.idx.msk [tilespmem:v13+s14+$0x0], $0xffff  }
0x193: {  	v15 =	vor.u32 v39, v0;
	_ =	sdelay $0x3  }
0x194: {  	[tilespmem:s9+$0x7860] =	vst v1  }
0x195: {  	v1 =	vld.idx.msk [tilespmem:v15+s14+$0x0], $0xffff;
	_ =	sdelay $0x1  }
0x196: {  	v14 =	vor.u32 v40, v0;
	_ =	sdelay $0x2  }
0x197: {  	s11 =	simm.s32 $0x7800;
	[tilespmem:s9+$0x7870] =	vst v1  }
0x198: {  	[tilespmem:s17], [sflag:$0x3] =	stream.indirect.gather.add.f32 [hbm:s5], $0x20, s11, s21, $0xb8;
	[tilespmem:$0x15000] =	vst v63  }
0x199: {  	v1 =	vld.idx.msk [tilespmem:v14+s14+$0x0], $0xffff  }
0x19a: {  	v16 =	vor.u32 v41, v0;
	_ =	sdelay $0x3  }
0x19b: {  	[tilespmem:s9+$0x7880] =	vst v1  }
0x19c: {  	v1 =	vld.idx.msk [tilespmem:v16+s14+$0x0], $0xffff  }
0x19d: {  	v17 =	vor.u32 v42, v0;
	_ =	sdelay $0x3  }
0x19e: {  	[tilespmem:s9+$0x7890] =	vst v1  }
0x19f: {  	v1 =	vld.idx.msk [tilespmem:v17+s14+$0x0], $0xffff  }
0x1a0: {  	v18 =	vor.u32 v43, v0;
	_ =	sdelay $0x3  }
0x1a1: {  	[tilespmem:s9+$0x78A0] =	vst v1  }
0x1a2: {  	v1 =	vld.idx.msk [tilespmem:v18+s14+$0x0], $0xffff  }
0x1a3: {  	v19 =	vor.u32 v44, v0;
	_ =	sdelay $0x3  }
0x1a4: {  	[tilespmem:s9+$0x78B0] =	vst v1  }
0x1a5: {  	v1 =	vld.idx.msk [tilespmem:v19+s14+$0x0], $0xffff  }
0x1a6: {  	v20 =	vor.u32 v45, v0;
	_ =	sdelay $0x3  }
0x1a7: {  	[tilespmem:s9+$0x78C0] =	vst v1  }
0x1a8: {  	v1 =	vld.idx.msk [tilespmem:v20+s14+$0x0], $0xffff  }
0x1a9: {  	v21 =	vor.u32 v46, v0;
	_ =	sdelay $0x3  }
0x1aa: {  	[tilespmem:s9+$0x78D0] =	vst v1  }
0x1ab: {  	v1 =	vld.idx.msk [tilespmem:v21+s14+$0x0], $0xffff  }
0x1ac: {  	v23 =	vor.u32 v47, v0;
	_ =	sdelay $0x3  }
0x1ad: {  	[tilespmem:s9+$0x78E0] =	vst v1  }
0x1ae: {  	v1 =	vld.idx.msk [tilespmem:v23+s14+$0x0], $0xffff;
	_ =	sdelay $0x1  }
0x1af: {  	v22 =	vor.u32 v48, v0;
	_ =	sdelay $0x2  }
0x1b0: {  	s12 =	simm.s32 $0x7880;
	[tilespmem:s9+$0x78F0] =	vst v1  }
0x1b1: {  	[tilespmem:s25], [sflag:$0x3] =	stream.indirect.gather.add.f32 [hbm:s5], $0x20, s12, s21, $0xb8;
	[tilespmem:$0x15000] =	vst v63  }
0x1b2: {  	v1 =	vld.idx.msk [tilespmem:v22+s14+$0x0], $0xffff  }
0x1b3: {  	v24 =	vor.u32 v49, v0;
	_ =	sdelay $0x3  }
0x1b4: {  	[tilespmem:s9+$0x7900] =	vst v1  }
0x1b5: {  	v1 =	vld.idx.msk [tilespmem:v24+s14+$0x0], $0xffff  }
0x1b6: {  	v25 =	vor.u32 v50, v0;
	_ =	sdelay $0x3  }
0x1b7: {  	[tilespmem:s9+$0x7910] =	vst v1  }
0x1b8: {  	v1 =	vld.idx.msk [tilespmem:v25+s14+$0x0], $0xffff  }
0x1b9: {  	v26 =	vor.u32 v51, v0;
	_ =	sdelay $0x3  }
0x1ba: {  	[tilespmem:s9+$0x7920] =	vst v1  }
0x1bb: {  	v1 =	vld.idx.msk [tilespmem:v26+s14+$0x0], $0xffff  }
0x1bc: {  	v27 =	vor.u32 v52, v0;
	_ =	sdelay $0x3  }
0x1bd: {  	[tilespmem:s9+$0x7930] =	vst v1  }
0x1be: {  	v1 =	vld.idx.msk [tilespmem:v27+s14+$0x0], $0xffff  }
0x1bf: {  	v28 =	vor.u32 v53, v0;
	_ =	sdelay $0x3  }
0x1c0: {  	[tilespmem:s9+$0x7940] =	vst v1  }
0x1c1: {  	v1 =	vld.idx.msk [tilespmem:v28+s14+$0x0], $0xffff  }
0x1c2: {  	v29 =	vor.u32 v54, v0;
	_ =	sdelay $0x3  }
0x1c3: {  	[tilespmem:s9+$0x7950] =	vst v1  }
0x1c4: {  	v1 =	vld.idx.msk [tilespmem:v29+s14+$0x0], $0xffff  }
0x1c5: {  	v31 =	vor.u32 v55, v0;
	_ =	sdelay $0x3  }
0x1c6: {  	[tilespmem:s9+$0x7960] =	vst v1  }
0x1c7: {  	v1 =	vld.idx.msk [tilespmem:v31+s14+$0x0], $0xffff;
	_ =	sdelay $0x1  }
0x1c8: {  	v30 =	vor.u32 v56, v0;
	_ =	sdelay $0x2  }
0x1c9: {  	s13 =	simm.s32 $0x7900;
	[tilespmem:s9+$0x7970] =	vst v1  }
0x1ca: {  	[tilespmem:s26], [sflag:$0x3] =	stream.indirect.gather.add.f32 [hbm:s5], $0x20, s13, s21, $0xb8;
	[tilespmem:$0x15000] =	vst v63  }
0x1cb: {  	v1 =	vld.idx.msk [tilespmem:v30+s14+$0x0], $0xffff  }
0x1cc: {  	v32 =	vor.u32 v57, v0;
	_ =	sdelay $0x3  }
0x1cd: {  	[tilespmem:s9+$0x7980] =	vst v1  }
0x1ce: {  	v1 =	vld.idx.msk [tilespmem:v32+s14+$0x0], $0xffff  }
0x1cf: {  	v33 =	vor.u32 v58, v0;
	_ =	sdelay $0x3  }
0x1d0: {  	[tilespmem:s9+$0x7990] =	vst v1  }
0x1d1: {  	v1 =	vld.idx.msk [tilespmem:v33+s14+$0x0], $0xffff  }
0x1d2: {  	v34 =	vor.u32 v59, v0;
	_ =	sdelay $0x3  }
0x1d3: {  	[tilespmem:s9+$0x79A0] =	vst v1  }
0x1d4: {  	v1 =	vld.idx.msk [tilespmem:v34+s14+$0x0], $0xffff  }
0x1d5: {  	v2 =	vor.u32 v60, v0;
	_ =	sdelay $0x3  }
0x1d6: {  	[tilespmem:s9+$0x79B0] =	vst v1  }
0x1d7: {  	v1 =	vld.idx.msk [tilespmem:v2+s14+$0x0], $0xffff  }
0x1d8: {  	[tilespmem:$0x1FDA0] =	vst v2;
	v2 =	vor.u32 v61, v0;
	_ =	sdelay $0x3  }
0x1d9: {  	[tilespmem:s9+$0x79C0] =	vst v1  }
0x1da: {  	v1 =	vld.idx.msk [tilespmem:v2+s14+$0x0], $0xffff  }
0x1db: {  	[tilespmem:$0x1FDB0] =	vst v2;
	v2 =	vor.u32 v62, v0;
	_ =	sdelay $0x3  }
0x1dc: {  	[tilespmem:s9+$0x79D0] =	vst v1  }
0x1dd: {  	v1 =	vld.idx.msk [tilespmem:v2+s14+$0x0], $0xffff  }
0x1de: {  	v0 =	vor.u32 v63, v0;
	_ =	sdelay $0x3  }
0x1df: {  	[tilespmem:s9+$0x79E0] =	vst v1  }
0x1e0: {  	s10 =	simm.s32 $0x1;
	[tilespmem:$0x1FDD0] =	vst v0;
	v0 =	vld.idx.msk [tilespmem:v0+s14+$0x0], $0xffff  }
0x1e1: {  	v1 =	vmov s10  }
0x1e2: {  	v1 =	vand.u32 $0x7, v1  }
0x1e3: {  	v1 =	vbroadcast v1, $0x0;
	_ =	sdelay $0x1  }
0x1e4: {  	[tilespmem:s9+$0x79F0] =	vst v0;
	v0 =	vor.u32 v3, v1;
	_ =	sdelay $0x1  }
0x1e5: {  	s1 =	simm.s32 $0x7980  }
0x1e6: {  	s8 =	simm.s32 $0x800;
	s11 =	simm.s32 $0x1000;
	s12 =	simm.s32 $0x800;
	[tilespmem:$0x1FDC0] =	vst v2  }
.LBB2_4:
0x1e7: {  	[tilespmem:s28], [sflag:$0x3] =	stream.indirect.gather.add.f32 [hbm:s5], $0x20, s1, s21, $0xb8;
	[tilespmem:$0x15000] =	vst v63  }
0x1e8: {  	p0 =	sne.s32 s11, $0x1800;
	s1 =	smov.u32 s11;
	s11 =	sadd.s32 $0x800, s11;
	v0 =	vld.idx.msk [tilespmem:v0+s14+$0x0], $0xffff  }
0x1e9: {  	_ = 	snop  }
0x1ea: {  	v2 =	vor.u32 v5, v1;
	_ =	sdelay $0x2  }
0x1eb: {  	s13 =	sshra.s32 s12, $0x2;
	s12 =	smov.u32 s1  }
0x1ec: {  	[tilespmem:s13+$0x7800] =	vst v0  }
0x1ed: {  	v0 =	vld.idx.msk [tilespmem:v2+s14+$0x0], $0xffff;
	_ =	sdelay $0x1  }
0x1ee: {  	v2 =	vor.u32 v6, v1;
	_ =	sdelay $0x3  }
0x1ef: {  	[tilespmem:s13+$0x7810] =	vst v0  }
0x1f0: {  	v0 =	vld.idx.msk [tilespmem:v2+s14+$0x0], $0xffff;
	_ =	sdelay $0x1  }
0x1f1: {  	v2 =	vor.u32 v35, v1;
	_ =	sdelay $0x3  }
0x1f2: {  	[tilespmem:s13+$0x7820] =	vst v0  }
0x1f3: {  	v0 =	vld.idx.msk [tilespmem:v2+s14+$0x0], $0xffff;
	_ =	sdelay $0x1  }
0x1f4: {  	v2 =	vor.u32 v36, v1;
	_ =	sdelay $0x3  }
0x1f5: {  	[tilespmem:s13+$0x7830] =	vst v0  }
0x1f6: {  	v0 =	vld.idx.msk [tilespmem:v2+s14+$0x0], $0xffff;
	_ =	sdelay $0x1  }
0x1f7: {  	v2 =	vor.u32 v37, v1;
	_ =	sdelay $0x3  }
0x1f8: {  	[tilespmem:s13+$0x7840] =	vst v0  }
0x1f9: {  	v0 =	vld.idx.msk [tilespmem:v2+s14+$0x0], $0xffff;
	_ =	sdelay $0x1  }
0x1fa: {  	v2 =	vor.u32 v38, v1;
	_ =	sdelay $0x3  }
0x1fb: {  	[tilespmem:s13+$0x7850] =	vst v0  }
0x1fc: {  	v0 =	vld.idx.msk [tilespmem:v2+s14+$0x0], $0xffff;
	_ =	sdelay $0x1  }
0x1fd: {  	v2 =	vor.u32 v39, v1;
	_ =	sdelay $0x3  }
0x1fe: {  	[tilespmem:s13+$0x7860] =	vst v0  }
0x1ff: {  	v0 =	vld.idx.msk [tilespmem:v2+s14+$0x0], $0xffff;
	_ =	sdelay $0x2  }
0x200: {  	v2 =	vor.u32 v40, v1;
	_ =	sdelay $0x2  }
0x201: {  	s1 =	sadd.s32 $0x7800, s13;
	[tilespmem:s13+$0x7870] =	vst v0  }
0x202: {  	[tilespmem:s17], [sflag:$0x3] =	stream.indirect.gather.add.f32 [hbm:s5], $0x20, s1, s21, $0xb8;
	[tilespmem:$0x15000] =	vst v63  }
0x203: {  	v0 =	vld.idx.msk [tilespmem:v2+s14+$0x0], $0xffff;
	_ =	sdelay $0x1  }
0x204: {  	v2 =	vor.u32 v41, v1;
	_ =	sdelay $0x3  }
0x205: {  	[tilespmem:s13+$0x7880] =	vst v0  }
0x206: {  	v0 =	vld.idx.msk [tilespmem:v2+s14+$0x0], $0xffff;
	_ =	sdelay $0x1  }
0x207: {  	v2 =	vor.u32 v42, v1;
	_ =	sdelay $0x3  }
0x208: {  	[tilespmem:s13+$0x7890] =	vst v0  }
0x209: {  	v0 =	vld.idx.msk [tilespmem:v2+s14+$0x0], $0xffff;
	_ =	sdelay $0x1  }
0x20a: {  	v2 =	vor.u32 v43, v1;
	_ =	sdelay $0x3  }
0x20b: {  	[tilespmem:s13+$0x78A0] =	vst v0  }
0x20c: {  	v0 =	vld.idx.msk [tilespmem:v2+s14+$0x0], $0xffff;
	_ =	sdelay $0x1  }
0x20d: {  	v2 =	vor.u32 v44, v1;
	_ =	sdelay $0x3  }
0x20e: {  	[tilespmem:s13+$0x78B0] =	vst v0  }
0x20f: {  	v0 =	vld.idx.msk [tilespmem:v2+s14+$0x0], $0xffff;
	_ =	sdelay $0x1  }
0x210: {  	v2 =	vor.u32 v45, v1;
	_ =	sdelay $0x3  }
0x211: {  	[tilespmem:s13+$0x78C0] =	vst v0  }
0x212: {  	v0 =	vld.idx.msk [tilespmem:v2+s14+$0x0], $0xffff;
	_ =	sdelay $0x1  }
0x213: {  	v2 =	vor.u32 v46, v1;
	_ =	sdelay $0x3  }
0x214: {  	[tilespmem:s13+$0x78D0] =	vst v0  }
0x215: {  	v0 =	vld.idx.msk [tilespmem:v2+s14+$0x0], $0xffff;
	_ =	sdelay $0x1  }
0x216: {  	v2 =	vor.u32 v47, v1;
	_ =	sdelay $0x3  }
0x217: {  	[tilespmem:s13+$0x78E0] =	vst v0  }
0x218: {  	v0 =	vld.idx.msk [tilespmem:v2+s14+$0x0], $0xffff;
	_ =	sdelay $0x2  }
0x219: {  	v2 =	vor.u32 v48, v1;
	_ =	sdelay $0x2  }
0x21a: {  	s1 =	sadd.s32 $0x7880, s13;
	[tilespmem:s13+$0x78F0] =	vst v0  }
0x21b: {  	[tilespmem:s25], [sflag:$0x3] =	stream.indirect.gather.add.f32 [hbm:s5], $0x20, s1, s21, $0xb8;
	[tilespmem:$0x15000] =	vst v63  }
0x21c: {  	v0 =	vld.idx.msk [tilespmem:v2+s14+$0x0], $0xffff;
	_ =	sdelay $0x1  }
0x21d: {  	v2 =	vor.u32 v49, v1;
	_ =	sdelay $0x3  }
0x21e: {  	[tilespmem:s13+$0x7900] =	vst v0  }
0x21f: {  	v0 =	vld.idx.msk [tilespmem:v2+s14+$0x0], $0xffff;
	_ =	sdelay $0x1  }
0x220: {  	v2 =	vor.u32 v50, v1;
	_ =	sdelay $0x3  }
0x221: {  	[tilespmem:s13+$0x7910] =	vst v0  }
0x222: {  	v0 =	vld.idx.msk [tilespmem:v2+s14+$0x0], $0xffff;
	_ =	sdelay $0x1  }
0x223: {  	v2 =	vor.u32 v51, v1;
	_ =	sdelay $0x3  }
0x224: {  	[tilespmem:s13+$0x7920] =	vst v0  }
0x225: {  	v0 =	vld.idx.msk [tilespmem:v2+s14+$0x0], $0xffff;
	_ =	sdelay $0x1  }
0x226: {  	v2 =	vor.u32 v52, v1;
	_ =	sdelay $0x3  }
0x227: {  	[tilespmem:s13+$0x7930] =	vst v0  }
0x228: {  	v0 =	vld.idx.msk [tilespmem:v2+s14+$0x0], $0xffff;
	_ =	sdelay $0x1  }
0x229: {  	v2 =	vor.u32 v53, v1;
	_ =	sdelay $0x3  }
0x22a: {  	[tilespmem:s13+$0x7940] =	vst v0  }
0x22b: {  	v0 =	vld.idx.msk [tilespmem:v2+s14+$0x0], $0xffff;
	_ =	sdelay $0x1  }
0x22c: {  	v2 =	vor.u32 v54, v1;
	_ =	sdelay $0x3  }
0x22d: {  	[tilespmem:s13+$0x7950] =	vst v0  }
0x22e: {  	v0 =	vld.idx.msk [tilespmem:v2+s14+$0x0], $0xffff;
	_ =	sdelay $0x1  }
0x22f: {  	v2 =	vor.u32 v55, v1;
	_ =	sdelay $0x3  }
0x230: {  	[tilespmem:s13+$0x7960] =	vst v0  }
0x231: {  	v0 =	vld.idx.msk [tilespmem:v2+s14+$0x0], $0xffff;
	_ =	sdelay $0x2  }
0x232: {  	v2 =	vor.u32 v56, v1;
	_ =	sdelay $0x2  }
0x233: {  	s1 =	sadd.s32 $0x7900, s13;
	[tilespmem:s13+$0x7970] =	vst v0  }
0x234: {  	[tilespmem:s26], [sflag:$0x3] =	stream.indirect.gather.add.f32 [hbm:s5], $0x20, s1, s21, $0xb8;
	[tilespmem:$0x15000] =	vst v63  }
0x235: {  	v0 =	vld.idx.msk [tilespmem:v2+s14+$0x0], $0xffff;
	_ =	sdelay $0x1  }
0x236: {  	v2 =	vor.u32 v57, v1;
	_ =	sdelay $0x3  }
0x237: {  	[tilespmem:s13+$0x7980] =	vst v0  }
0x238: {  	v0 =	vld.idx.msk [tilespmem:v2+s14+$0x0], $0xffff;
	_ =	sdelay $0x1  }
0x239: {  	v2 =	vor.u32 v58, v1;
	_ =	sdelay $0x3  }
0x23a: {  	[tilespmem:s13+$0x7990] =	vst v0  }
0x23b: {  	v0 =	vld.idx.msk [tilespmem:v2+s14+$0x0], $0xffff;
	_ =	sdelay $0x1  }
0x23c: {  	v2 =	vor.u32 v59, v1;
	_ =	sdelay $0x3  }
0x23d: {  	[tilespmem:s13+$0x79A0] =	vst v0  }
0x23e: {  	v0 =	vld.idx.msk [tilespmem:v2+s14+$0x0], $0xffff;
	_ =	sdelay $0x1  }
0x23f: {  	v2 =	vor.u32 v60, v1;
	_ =	sdelay $0x3  }
0x240: {  	[tilespmem:s13+$0x79B0] =	vst v0  }
0x241: {  	v0 =	vld.idx.msk [tilespmem:v2+s14+$0x0], $0xffff;
	_ =	sdelay $0x1  }
0x242: {  	v2 =	vor.u32 v61, v1;
	_ =	sdelay $0x3  }
0x243: {  	[tilespmem:s13+$0x79C0] =	vst v0  }
0x244: {  	v0 =	vld.idx.msk [tilespmem:v2+s14+$0x0], $0xffff;
	_ =	sdelay $0x1  }
0x245: {  	v2 =	vor.u32 v62, v1;
	_ =	sdelay $0x3  }
0x246: {  	[tilespmem:s13+$0x79D0] =	vst v0  }
0x247: {  	v0 =	vld.idx.msk [tilespmem:v2+s14+$0x0], $0xffff;
	_ =	sdelay $0x1  }
0x248: {  	v1 =	vor.u32 v63, v1;
	_ =	sdelay $0x2  }
0x249: {  	s10 =	sadd.s32 $0x1, s10  }
0x24a: {  	v2 =	vmov s10;
	[tilespmem:s13+$0x79E0] =	vst v0  }
0x24b: {  	v0 =	vand.u32 $0x7, v2;
	v2 =	vld.idx.msk [tilespmem:v1+s14+$0x0], $0xffff  }
0x24c: {  	v1 =	vbroadcast v0, $0x0  }
.Ltmp1:
0x24d: {  	(pc) =	sbr.rel @p0 .LBB2_4-.Ltmp1, $2  }
0x24e: {  	v0 =	vor.u32 v3, v1;
	_ =	sdelay $0x2  }
0x24f: {  	s1 =	sadd.s32 $0x7980, s13;
	[tilespmem:s13+$0x79F0] =	vst v2  }
0x250: {  	_ =	sdelay $0x2  }
0x251: {  	[tilespmem:s28], [sflag:$0x3] =	stream.indirect.gather.add.f32 [hbm:s5], $0x20, s1, s21, $0xb8;
	[tilespmem:$0x15000] =	vst v63  }
0x252: {  	v0 =	vld.idx.msk [tilespmem:v0+s14+$0x0], $0xffff  }
0x253: {  	v2 =	vor.u32 v5, v1;
	_ =	sdelay $0x2  }
0x254: {  	s10 =	sshra.s32 s12, $0x2  }
0x255: {  	[tilespmem:s10+$0x7800] =	vst v0  }
0x256: {  	v0 =	vld.idx.msk [tilespmem:v2+s14+$0x0], $0xffff  }
0x257: {  	v2 =	vor.u32 v6, v1;
	_ =	sdelay $0x3  }
0x258: {  	[tilespmem:s10+$0x7810] =	vst v0  }
0x259: {  	v0 =	vld.idx.msk [tilespmem:v2+s14+$0x0], $0xffff  }
0x25a: {  	v2 =	vor.u32 v35, v1;
	_ =	sdelay $0x3  }
0x25b: {  	[tilespmem:s10+$0x7820] =	vst v0  }
0x25c: {  	v0 =	vld.idx.msk [tilespmem:v2+s14+$0x0], $0xffff  }
0x25d: {  	v2 =	vor.u32 v36, v1;
	_ =	sdelay $0x3  }
0x25e: {  	[tilespmem:s10+$0x7830] =	vst v0  }
0x25f: {  	v0 =	vld.idx.msk [tilespmem:v2+s14+$0x0], $0xffff  }
0x260: {  	v2 =	vor.u32 v37, v1;
	_ =	sdelay $0x3  }
0x261: {  	[tilespmem:s10+$0x7840] =	vst v0  }
0x262: {  	v0 =	vld.idx.msk [tilespmem:v2+s14+$0x0], $0xffff  }
0x263: {  	v2 =	vor.u32 v38, v1;
	_ =	sdelay $0x3  }
0x264: {  	[tilespmem:s10+$0x7850] =	vst v0  }
0x265: {  	v0 =	vld.idx.msk [tilespmem:v2+s14+$0x0], $0xffff  }
0x266: {  	v2 =	vor.u32 v39, v1;
	_ =	sdelay $0x3  }
0x267: {  	[tilespmem:s10+$0x7860] =	vst v0  }
0x268: {  	v0 =	vld.idx.msk [tilespmem:v2+s14+$0x0], $0xffff;
	_ =	sdelay $0x1  }
0x269: {  	v2 =	vor.u32 v40, v1;
	_ =	sdelay $0x2  }
0x26a: {  	s11 =	sadd.s32 $0x7800, s10;
	[tilespmem:s10+$0x7870] =	vst v0  }
0x26b: {  	[tilespmem:s17], [sflag:$0x3] =	stream.indirect.gather.add.f32 [hbm:s5], $0x20, s11, s21, $0xb8;
	[tilespmem:$0x15000] =	vst v63  }
0x26c: {  	v0 =	vld.idx.msk [tilespmem:v2+s14+$0x0], $0xffff  }
0x26d: {  	v2 =	vor.u32 v41, v1;
	_ =	sdelay $0x3  }
0x26e: {  	[tilespmem:s10+$0x7880] =	vst v0  }
0x26f: {  	v0 =	vld.idx.msk [tilespmem:v2+s14+$0x0], $0xffff  }
0x270: {  	v2 =	vor.u32 v42, v1;
	_ =	sdelay $0x3  }
0x271: {  	[tilespmem:s10+$0x7890] =	vst v0  }
0x272: {  	v0 =	vld.idx.msk [tilespmem:v2+s14+$0x0], $0xffff  }
0x273: {  	v2 =	vor.u32 v43, v1;
	_ =	sdelay $0x3  }
0x274: {  	[tilespmem:s10+$0x78A0] =	vst v0  }
0x275: {  	v0 =	vld.idx.msk [tilespmem:v2+s14+$0x0], $0xffff  }
0x276: {  	v2 =	vor.u32 v44, v1;
	_ =	sdelay $0x3  }
0x277: {  	[tilespmem:s10+$0x78B0] =	vst v0  }
0x278: {  	v0 =	vld.idx.msk [tilespmem:v2+s14+$0x0], $0xffff  }
0x279: {  	v2 =	vor.u32 v45, v1;
	_ =	sdelay $0x3  }
0x27a: {  	[tilespmem:s10+$0x78C0] =	vst v0  }
0x27b: {  	v0 =	vld.idx.msk [tilespmem:v2+s14+$0x0], $0xffff  }
0x27c: {  	v2 =	vor.u32 v46, v1;
	_ =	sdelay $0x3  }
0x27d: {  	[tilespmem:s10+$0x78D0] =	vst v0  }
0x27e: {  	v0 =	vld.idx.msk [tilespmem:v2+s14+$0x0], $0xffff  }
0x27f: {  	v2 =	vor.u32 v47, v1;
	_ =	sdelay $0x3  }
0x280: {  	[tilespmem:s10+$0x78E0] =	vst v0  }
0x281: {  	v0 =	vld.idx.msk [tilespmem:v2+s14+$0x0], $0xffff;
	_ =	sdelay $0x1  }
0x282: {  	v2 =	vor.u32 v48, v1;
	_ =	sdelay $0x2  }
0x283: {  	s12 =	sadd.s32 $0x7880, s10;
	[tilespmem:s10+$0x78F0] =	vst v0  }
0x284: {  	[tilespmem:s25], [sflag:$0x3] =	stream.indirect.gather.add.f32 [hbm:s5], $0x20, s12, s21, $0xb8;
	[tilespmem:$0x15000] =	vst v63  }
0x285: {  	v0 =	vld.idx.msk [tilespmem:v2+s14+$0x0], $0xffff  }
0x286: {  	v2 =	vor.u32 v49, v1;
	_ =	sdelay $0x3  }
0x287: {  	[tilespmem:s10+$0x7900] =	vst v0  }
0x288: {  	v0 =	vld.idx.msk [tilespmem:v2+s14+$0x0], $0xffff  }
0x289: {  	v2 =	vor.u32 v50, v1;
	_ =	sdelay $0x3  }
0x28a: {  	[tilespmem:s10+$0x7910] =	vst v0  }
0x28b: {  	v0 =	vld.idx.msk [tilespmem:v2+s14+$0x0], $0xffff  }
0x28c: {  	v2 =	vor.u32 v51, v1;
	_ =	sdelay $0x3  }
0x28d: {  	[tilespmem:s10+$0x7920] =	vst v0  }
0x28e: {  	v0 =	vld.idx.msk [tilespmem:v2+s14+$0x0], $0xffff  }
0x28f: {  	v2 =	vor.u32 v52, v1;
	_ =	sdelay $0x3  }
0x290: {  	[tilespmem:s10+$0x7930] =	vst v0  }
0x291: {  	v0 =	vld.idx.msk [tilespmem:v2+s14+$0x0], $0xffff  }
0x292: {  	v2 =	vor.u32 v53, v1;
	_ =	sdelay $0x3  }
0x293: {  	[tilespmem:s10+$0x7940] =	vst v0  }
0x294: {  	v0 =	vld.idx.msk [tilespmem:v2+s14+$0x0], $0xffff  }
0x295: {  	v2 =	vor.u32 v54, v1;
	_ =	sdelay $0x3  }
0x296: {  	[tilespmem:s10+$0x7950] =	vst v0  }
0x297: {  	v0 =	vld.idx.msk [tilespmem:v2+s14+$0x0], $0xffff  }
0x298: {  	v2 =	vor.u32 v55, v1;
	_ =	sdelay $0x3  }
0x299: {  	[tilespmem:s10+$0x7960] =	vst v0  }
0x29a: {  	v0 =	vld.idx.msk [tilespmem:v2+s14+$0x0], $0xffff;
	_ =	sdelay $0x1  }
0x29b: {  	v2 =	vor.u32 v56, v1;
	_ =	sdelay $0x2  }
0x29c: {  	s13 =	sadd.s32 $0x7900, s10;
	[tilespmem:s10+$0x7970] =	vst v0  }
0x29d: {  	[tilespmem:s26], [sflag:$0x3] =	stream.indirect.gather.add.f32 [hbm:s5], $0x20, s13, s21, $0xb8;
	[tilespmem:$0x15000] =	vst v63  }
0x29e: {  	v0 =	vld.idx.msk [tilespmem:v2+s14+$0x0], $0xffff  }
0x29f: {  	v2 =	vor.u32 v57, v1;
	_ =	sdelay $0x3  }
0x2a0: {  	[tilespmem:s10+$0x7980] =	vst v0  }
0x2a1: {  	v0 =	vld.idx.msk [tilespmem:v2+s14+$0x0], $0xffff  }
0x2a2: {  	v2 =	vor.u32 v58, v1;
	_ =	sdelay $0x3  }
0x2a3: {  	[tilespmem:s10+$0x7990] =	vst v0  }
0x2a4: {  	v0 =	vld.idx.msk [tilespmem:v2+s14+$0x0], $0xffff  }
0x2a5: {  	v2 =	vor.u32 v59, v1;
	_ =	sdelay $0x3  }
0x2a6: {  	[tilespmem:s10+$0x79A0] =	vst v0  }
0x2a7: {  	v0 =	vld.idx.msk [tilespmem:v2+s14+$0x0], $0xffff  }
0x2a8: {  	v2 =	vor.u32 v60, v1;
	_ =	sdelay $0x3  }
0x2a9: {  	[tilespmem:s10+$0x79B0] =	vst v0  }
0x2aa: {  	v0 =	vld.idx.msk [tilespmem:v2+s14+$0x0], $0xffff  }
0x2ab: {  	v2 =	vor.u32 v61, v1;
	_ =	sdelay $0x3  }
0x2ac: {  	[tilespmem:s10+$0x79C0] =	vst v0  }
0x2ad: {  	v0 =	vld.idx.msk [tilespmem:v2+s14+$0x0], $0xffff  }
0x2ae: {  	v2 =	vor.u32 v62, v1;
	_ =	sdelay $0x3  }
0x2af: {  	[tilespmem:s10+$0x79D0] =	vst v0  }
0x2b0: {  	v0 =	vld.idx.msk [tilespmem:v2+s14+$0x0], $0xffff  }
0x2b1: {  	v1 =	vor.u32 v63, v1;
	_ =	sdelay $0x3  }
0x2b2: {  	[tilespmem:s10+$0x79E0] =	vst v0  }
0x2b3: {  	v0 =	vld.idx.msk [tilespmem:v1+s14+$0x0], $0xffff;
	_ =	sdelay $0x4  }
0x2b4: {  	[tilespmem:s10+$0x79F0] =	vst v0;
	s10 =	sadd.s32 $0x7980, s10  }
0x2b5: {  	[tilespmem:s28], [sflag:$0x3] =	stream.indirect.gather.add.f32 [hbm:s5], $0x20, s10, s21, $0xb8;
	[tilespmem:$0x15000] =	vst v63  }
0x2b6: {  	v0 =	vld.idx.msk [tilespmem:v7+s15+$0x0], $0xffff;
	_ =	sdelay $0x4  }
0x2b7: {  	[tilespmem:s9+$0x8000] =	vst v0  }
0x2b8: {  	v0 =	vld.idx.msk [tilespmem:v8+s15+$0x0], $0xffff;
	_ =	sdelay $0x4  }
0x2b9: {  	[tilespmem:s9+$0x8010] =	vst v0  }
0x2ba: {  	v0 =	vld.idx.msk [tilespmem:v9+s15+$0x0], $0xffff;
	_ =	sdelay $0x4  }
0x2bb: {  	[tilespmem:s9+$0x8020] =	vst v0  }
0x2bc: {  	v0 =	vld.idx.msk [tilespmem:v10+s15+$0x0], $0xffff;
	_ =	sdelay $0x4  }
0x2bd: {  	[tilespmem:s9+$0x8030] =	vst v0  }
0x2be: {  	v0 =	vld.idx.msk [tilespmem:v11+s15+$0x0], $0xffff;
	_ =	sdelay $0x4  }
0x2bf: {  	[tilespmem:s9+$0x8040] =	vst v0  }
0x2c0: {  	v0 =	vld.idx.msk [tilespmem:v12+s15+$0x0], $0xffff;
	_ =	sdelay $0x4  }
0x2c1: {  	[tilespmem:s9+$0x8050] =	vst v0  }
0x2c2: {  	v0 =	vld.idx.msk [tilespmem:v13+s15+$0x0], $0xffff;
	_ =	sdelay $0x4  }
0x2c3: {  	[tilespmem:s9+$0x8060] =	vst v0  }
0x2c4: {  	v0 =	vld.idx.msk [tilespmem:v15+s15+$0x0], $0xffff;
	_ =	sdelay $0x4  }
0x2c5: {  	s11 =	simm.s32 $0x8000;
	[tilespmem:s9+$0x8070] =	vst v0  }
0x2c6: {  	[tilespmem:s18], [sflag:$0x3] =	stream.indirect.gather.add.f32 [hbm:s6], $0x20, s11, s21, $0xb8;
	[tilespmem:$0x15000] =	vst v63  }
0x2c7: {  	v0 =	vld.idx.msk [tilespmem:v14+s15+$0x0], $0xffff;
	_ =	sdelay $0x4  }
0x2c8: {  	[tilespmem:s9+$0x8080] =	vst v0  }
0x2c9: {  	v0 =	vld.idx.msk [tilespmem:v16+s15+$0x0], $0xffff;
	_ =	sdelay $0x4  }
0x2ca: {  	[tilespmem:s9+$0x8090] =	vst v0  }
0x2cb: {  	v0 =	vld.idx.msk [tilespmem:v17+s15+$0x0], $0xffff;
	_ =	sdelay $0x4  }
0x2cc: {  	[tilespmem:s9+$0x80A0] =	vst v0  }
0x2cd: {  	v0 =	vld.idx.msk [tilespmem:v18+s15+$0x0], $0xffff;
	_ =	sdelay $0x4  }
0x2ce: {  	[tilespmem:s9+$0x80B0] =	vst v0  }
0x2cf: {  	v0 =	vld.idx.msk [tilespmem:v19+s15+$0x0], $0xffff;
	_ =	sdelay $0x4  }
0x2d0: {  	[tilespmem:s9+$0x80C0] =	vst v0  }
0x2d1: {  	v0 =	vld.idx.msk [tilespmem:v20+s15+$0x0], $0xffff;
	_ =	sdelay $0x4  }
0x2d2: {  	[tilespmem:s9+$0x80D0] =	vst v0  }
0x2d3: {  	v0 =	vld.idx.msk [tilespmem:v21+s15+$0x0], $0xffff;
	_ =	sdelay $0x4  }
0x2d4: {  	[tilespmem:s9+$0x80E0] =	vst v0  }
0x2d5: {  	v0 =	vld.idx.msk [tilespmem:v23+s15+$0x0], $0xffff;
	_ =	sdelay $0x4  }
0x2d6: {  	s12 =	simm.s32 $0x8080;
	[tilespmem:s9+$0x80F0] =	vst v0  }
0x2d7: {  	[tilespmem:s29], [sflag:$0x3] =	stream.indirect.gather.add.f32 [hbm:s6], $0x20, s12, s21, $0xb8;
	[tilespmem:$0x15000] =	vst v63  }
0x2d8: {  	v0 =	vld.idx.msk [tilespmem:v22+s15+$0x0], $0xffff;
	_ =	sdelay $0x4  }
0x2d9: {  	[tilespmem:s9+$0x8100] =	vst v0  }
0x2da: {  	v0 =	vld.idx.msk [tilespmem:v24+s15+$0x0], $0xffff;
	_ =	sdelay $0x4  }
0x2db: {  	[tilespmem:s9+$0x8110] =	vst v0  }
0x2dc: {  	v0 =	vld.idx.msk [tilespmem:v25+s15+$0x0], $0xffff;
	_ =	sdelay $0x4  }
0x2dd: {  	[tilespmem:s9+$0x8120] =	vst v0  }
0x2de: {  	v0 =	vld.idx.msk [tilespmem:v26+s15+$0x0], $0xffff;
	_ =	sdelay $0x4  }
0x2df: {  	[tilespmem:s9+$0x8130] =	vst v0  }
0x2e0: {  	v0 =	vld.idx.msk [tilespmem:v27+s15+$0x0], $0xffff;
	_ =	sdelay $0x4  }
0x2e1: {  	[tilespmem:s9+$0x8140] =	vst v0  }
0x2e2: {  	v0 =	vld.idx.msk [tilespmem:v28+s15+$0x0], $0xffff;
	_ =	sdelay $0x4  }
0x2e3: {  	[tilespmem:s9+$0x8150] =	vst v0  }
0x2e4: {  	v0 =	vld.idx.msk [tilespmem:v29+s15+$0x0], $0xffff;
	_ =	sdelay $0x4  }
0x2e5: {  	[tilespmem:s9+$0x8160] =	vst v0  }
0x2e6: {  	v0 =	vld.idx.msk [tilespmem:v31+s15+$0x0], $0xffff;
	_ =	sdelay $0x4  }
0x2e7: {  	s13 =	simm.s32 $0x8100;
	[tilespmem:s9+$0x8170] =	vst v0  }
0x2e8: {  	[tilespmem:s30], [sflag:$0x3] =	stream.indirect.gather.add.f32 [hbm:s6], $0x20, s13, s21, $0xb8;
	[tilespmem:$0x15000] =	vst v63  }
0x2e9: {  	v0 =	vld.idx.msk [tilespmem:v30+s15+$0x0], $0xffff;
	_ =	sdelay $0x4  }
0x2ea: {  	[tilespmem:s9+$0x8180] =	vst v0  }
0x2eb: {  	v0 =	vld.idx.msk [tilespmem:v32+s15+$0x0], $0xffff;
	_ =	sdelay $0x4  }
0x2ec: {  	[tilespmem:s9+$0x8190] =	vst v0  }
0x2ed: {  	v0 =	vld.idx.msk [tilespmem:v33+s15+$0x0], $0xffff;
	_ =	sdelay $0x4  }
0x2ee: {  	[tilespmem:s9+$0x81A0] =	vst v0  }
0x2ef: {  	v0 =	vld.idx.msk [tilespmem:v34+s15+$0x0], $0xffff;
	_ =	sdelay $0x4  }
0x2f0: {  	[tilespmem:s9+$0x81B0] =	vst v0;
	v0 =	vld [tilespmem:$0x1FDA0];
	_ =	sdelay $0x7  }
0x2f1: {  	v0 =	vld.idx.msk [tilespmem:v0+s15+$0x0], $0xffff;
	_ =	sdelay $0x4  }
0x2f2: {  	[tilespmem:s9+$0x81C0] =	vst v0;
	v0 =	vld [tilespmem:$0x1FDB0];
	_ =	sdelay $0x7  }
0x2f3: {  	v0 =	vld.idx.msk [tilespmem:v0+s15+$0x0], $0xffff;
	_ =	sdelay $0x4  }
0x2f4: {  	[tilespmem:s9+$0x81D0] =	vst v0;
	v0 =	vld [tilespmem:$0x1FDC0];
	_ =	sdelay $0x7  }
0x2f5: {  	v0 =	vld.idx.msk [tilespmem:v0+s15+$0x0], $0xffff;
	_ =	sdelay $0x4  }
0x2f6: {  	[tilespmem:s9+$0x81E0] =	vst v0;
	v0 =	vld [tilespmem:$0x1FDD0];
	_ =	sdelay $0x7  }
0x2f7: {  	s10 =	simm.s32 $0x1;
	v0 =	vld.idx.msk [tilespmem:v0+s15+$0x0], $0xffff  }
0x2f8: {  	v1 =	vmov s10  }
0x2f9: {  	v1 =	vand.u32 $0x7, v1  }
0x2fa: {  	v1 =	vbroadcast v1, $0x0;
	_ =	sdelay $0x1  }
0x2fb: {  	[tilespmem:s9+$0x81F0] =	vst v0;
	v0 =	vor.u32 v3, v1;
	_ =	sdelay $0x2  }
0x2fc: {  	s1 =	simm.s32 $0x8180;
	s11 =	simm.s32 $0x1000  }
.LBB2_6:
0x2fd: {  	[tilespmem:s31], [sflag:$0x3] =	stream.indirect.gather.add.f32 [hbm:s6], $0x20, s1, s21, $0xb8;
	[tilespmem:$0x15000] =	vst v63  }
0x2fe: {  	p0 =	sne.s32 s11, $0x3800;
	s1 =	smov.u32 s11;
	s11 =	sadd.s32 $0x800, s11;
	v0 =	vld.idx.msk [tilespmem:v0+s15+$0x0], $0xffff  }
0x2ff: {  	_ = 	snop  }
0x300: {  	v2 =	vor.u32 v5, v1;
	_ =	sdelay $0x2  }
0x301: {  	s9 =	sshra.s32 s8, $0x2;
	s8 =	smov.u32 s1  }
0x302: {  	[tilespmem:s9+$0x8000] =	vst v0  }
0x303: {  	v0 =	vld.idx.msk [tilespmem:v2+s15+$0x0], $0xffff;
	_ =	sdelay $0x1  }
0x304: {  	v2 =	vor.u32 v6, v1;
	_ =	sdelay $0x3  }
0x305: {  	[tilespmem:s9+$0x8010] =	vst v0  }
0x306: {  	v0 =	vld.idx.msk [tilespmem:v2+s15+$0x0], $0xffff;
	_ =	sdelay $0x1  }
0x307: {  	v2 =	vor.u32 v35, v1;
	_ =	sdelay $0x3  }
0x308: {  	[tilespmem:s9+$0x8020] =	vst v0  }
0x309: {  	v0 =	vld.idx.msk [tilespmem:v2+s15+$0x0], $0xffff;
	_ =	sdelay $0x1  }
0x30a: {  	v2 =	vor.u32 v36, v1;
	_ =	sdelay $0x3  }
0x30b: {  	[tilespmem:s9+$0x8030] =	vst v0  }
0x30c: {  	v0 =	vld.idx.msk [tilespmem:v2+s15+$0x0], $0xffff;
	_ =	sdelay $0x1  }
0x30d: {  	v2 =	vor.u32 v37, v1;
	_ =	sdelay $0x3  }
0x30e: {  	[tilespmem:s9+$0x8040] =	vst v0  }
0x30f: {  	v0 =	vld.idx.msk [tilespmem:v2+s15+$0x0], $0xffff;
	_ =	sdelay $0x1  }
0x310: {  	v2 =	vor.u32 v38, v1;
	_ =	sdelay $0x3  }
0x311: {  	[tilespmem:s9+$0x8050] =	vst v0  }
0x312: {  	v0 =	vld.idx.msk [tilespmem:v2+s15+$0x0], $0xffff;
	_ =	sdelay $0x1  }
0x313: {  	v2 =	vor.u32 v39, v1;
	_ =	sdelay $0x3  }
0x314: {  	[tilespmem:s9+$0x8060] =	vst v0  }
0x315: {  	v0 =	vld.idx.msk [tilespmem:v2+s15+$0x0], $0xffff;
	_ =	sdelay $0x2  }
0x316: {  	v2 =	vor.u32 v40, v1;
	_ =	sdelay $0x2  }
0x317: {  	s1 =	sadd.s32 $0x8000, s9;
	[tilespmem:s9+$0x8070] =	vst v0  }
0x318: {  	[tilespmem:s18], [sflag:$0x3] =	stream.indirect.gather.add.f32 [hbm:s6], $0x20, s1, s21, $0xb8;
	[tilespmem:$0x15000] =	vst v63  }
0x319: {  	v0 =	vld.idx.msk [tilespmem:v2+s15+$0x0], $0xffff;
	_ =	sdelay $0x1  }
0x31a: {  	v2 =	vor.u32 v41, v1;
	_ =	sdelay $0x3  }
0x31b: {  	[tilespmem:s9+$0x8080] =	vst v0  }
0x31c: {  	v0 =	vld.idx.msk [tilespmem:v2+s15+$0x0], $0xffff;
	_ =	sdelay $0x1  }
0x31d: {  	v2 =	vor.u32 v42, v1;
	_ =	sdelay $0x3  }
0x31e: {  	[tilespmem:s9+$0x8090] =	vst v0  }
0x31f: {  	v0 =	vld.idx.msk [tilespmem:v2+s15+$0x0], $0xffff;
	_ =	sdelay $0x1  }
0x320: {  	v2 =	vor.u32 v43, v1;
	_ =	sdelay $0x3  }
0x321: {  	[tilespmem:s9+$0x80A0] =	vst v0  }
0x322: {  	v0 =	vld.idx.msk [tilespmem:v2+s15+$0x0], $0xffff;
	_ =	sdelay $0x1  }
0x323: {  	v2 =	vor.u32 v44, v1;
	_ =	sdelay $0x3  }
0x324: {  	[tilespmem:s9+$0x80B0] =	vst v0  }
0x325: {  	v0 =	vld.idx.msk [tilespmem:v2+s15+$0x0], $0xffff;
	_ =	sdelay $0x1  }
0x326: {  	v2 =	vor.u32 v45, v1;
	_ =	sdelay $0x3  }
0x327: {  	[tilespmem:s9+$0x80C0] =	vst v0  }
0x328: {  	v0 =	vld.idx.msk [tilespmem:v2+s15+$0x0], $0xffff;
	_ =	sdelay $0x1  }
0x329: {  	v2 =	vor.u32 v46, v1;
	_ =	sdelay $0x3  }
0x32a: {  	[tilespmem:s9+$0x80D0] =	vst v0  }
0x32b: {  	v0 =	vld.idx.msk [tilespmem:v2+s15+$0x0], $0xffff;
	_ =	sdelay $0x1  }
0x32c: {  	v2 =	vor.u32 v47, v1;
	_ =	sdelay $0x3  }
0x32d: {  	[tilespmem:s9+$0x80E0] =	vst v0  }
0x32e: {  	v0 =	vld.idx.msk [tilespmem:v2+s15+$0x0], $0xffff;
	_ =	sdelay $0x2  }
0x32f: {  	v2 =	vor.u32 v48, v1;
	_ =	sdelay $0x2  }
0x330: {  	s1 =	sadd.s32 $0x8080, s9;
	[tilespmem:s9+$0x80F0] =	vst v0  }
0x331: {  	[tilespmem:s29], [sflag:$0x3] =	stream.indirect.gather.add.f32 [hbm:s6], $0x20, s1, s21, $0xb8;
	[tilespmem:$0x15000] =	vst v63  }
0x332: {  	v0 =	vld.idx.msk [tilespmem:v2+s15+$0x0], $0xffff;
	_ =	sdelay $0x1  }
0x333: {  	v2 =	vor.u32 v49, v1;
	_ =	sdelay $0x3  }
0x334: {  	[tilespmem:s9+$0x8100] =	vst v0  }
0x335: {  	v0 =	vld.idx.msk [tilespmem:v2+s15+$0x0], $0xffff;
	_ =	sdelay $0x1  }
0x336: {  	v2 =	vor.u32 v50, v1;
	_ =	sdelay $0x3  }
0x337: {  	[tilespmem:s9+$0x8110] =	vst v0  }
0x338: {  	v0 =	vld.idx.msk [tilespmem:v2+s15+$0x0], $0xffff;
	_ =	sdelay $0x1  }
0x339: {  	v2 =	vor.u32 v51, v1;
	_ =	sdelay $0x3  }
0x33a: {  	[tilespmem:s9+$0x8120] =	vst v0  }
0x33b: {  	v0 =	vld.idx.msk [tilespmem:v2+s15+$0x0], $0xffff;
	_ =	sdelay $0x1  }
0x33c: {  	v2 =	vor.u32 v52, v1;
	_ =	sdelay $0x3  }
0x33d: {  	[tilespmem:s9+$0x8130] =	vst v0  }
0x33e: {  	v0 =	vld.idx.msk [tilespmem:v2+s15+$0x0], $0xffff;
	_ =	sdelay $0x1  }
0x33f: {  	v2 =	vor.u32 v53, v1;
	_ =	sdelay $0x3  }
0x340: {  	[tilespmem:s9+$0x8140] =	vst v0  }
0x341: {  	v0 =	vld.idx.msk [tilespmem:v2+s15+$0x0], $0xffff;
	_ =	sdelay $0x1  }
0x342: {  	v2 =	vor.u32 v54, v1;
	_ =	sdelay $0x3  }
0x343: {  	[tilespmem:s9+$0x8150] =	vst v0  }
0x344: {  	v0 =	vld.idx.msk [tilespmem:v2+s15+$0x0], $0xffff;
	_ =	sdelay $0x1  }
0x345: {  	v2 =	vor.u32 v55, v1;
	_ =	sdelay $0x3  }
0x346: {  	[tilespmem:s9+$0x8160] =	vst v0  }
0x347: {  	v0 =	vld.idx.msk [tilespmem:v2+s15+$0x0], $0xffff;
	_ =	sdelay $0x2  }
0x348: {  	v2 =	vor.u32 v56, v1;
	_ =	sdelay $0x2  }
0x349: {  	s1 =	sadd.s32 $0x8100, s9;
	[tilespmem:s9+$0x8170] =	vst v0  }
0x34a: {  	[tilespmem:s30], [sflag:$0x3] =	stream.indirect.gather.add.f32 [hbm:s6], $0x20, s1, s21, $0xb8;
	[tilespmem:$0x15000] =	vst v63  }
0x34b: {  	v0 =	vld.idx.msk [tilespmem:v2+s15+$0x0], $0xffff;
	_ =	sdelay $0x1  }
0x34c: {  	v2 =	vor.u32 v57, v1;
	_ =	sdelay $0x3  }
0x34d: {  	[tilespmem:s9+$0x8180] =	vst v0  }
0x34e: {  	v0 =	vld.idx.msk [tilespmem:v2+s15+$0x0], $0xffff;
	_ =	sdelay $0x1  }
0x34f: {  	v2 =	vor.u32 v58, v1;
	_ =	sdelay $0x3  }
0x350: {  	[tilespmem:s9+$0x8190] =	vst v0  }
0x351: {  	v0 =	vld.idx.msk [tilespmem:v2+s15+$0x0], $0xffff;
	_ =	sdelay $0x1  }
0x352: {  	v2 =	vor.u32 v59, v1;
	_ =	sdelay $0x3  }
0x353: {  	[tilespmem:s9+$0x81A0] =	vst v0  }
0x354: {  	v0 =	vld.idx.msk [tilespmem:v2+s15+$0x0], $0xffff;
	_ =	sdelay $0x1  }
0x355: {  	v2 =	vor.u32 v60, v1;
	_ =	sdelay $0x3  }
0x356: {  	[tilespmem:s9+$0x81B0] =	vst v0  }
0x357: {  	v0 =	vld.idx.msk [tilespmem:v2+s15+$0x0], $0xffff;
	_ =	sdelay $0x1  }
0x358: {  	v2 =	vor.u32 v61, v1;
	_ =	sdelay $0x3  }
0x359: {  	[tilespmem:s9+$0x81C0] =	vst v0  }
0x35a: {  	v0 =	vld.idx.msk [tilespmem:v2+s15+$0x0], $0xffff;
	_ =	sdelay $0x1  }
0x35b: {  	v2 =	vor.u32 v62, v1;
	_ =	sdelay $0x3  }
0x35c: {  	[tilespmem:s9+$0x81D0] =	vst v0  }
0x35d: {  	v0 =	vld.idx.msk [tilespmem:v2+s15+$0x0], $0xffff;
	_ =	sdelay $0x1  }
0x35e: {  	v1 =	vor.u32 v63, v1;
	_ =	sdelay $0x2  }
0x35f: {  	s10 =	sadd.s32 $0x1, s10  }
0x360: {  	v2 =	vmov s10;
	[tilespmem:s9+$0x81E0] =	vst v0  }
0x361: {  	v0 =	vand.u32 $0x7, v2;
	v2 =	vld.idx.msk [tilespmem:v1+s15+$0x0], $0xffff  }
0x362: {  	v1 =	vbroadcast v0, $0x0  }
.Ltmp2:
0x363: {  	(pc) =	sbr.rel @p0 .LBB2_6-.Ltmp2, $2  }
0x364: {  	v0 =	vor.u32 v3, v1;
	_ =	sdelay $0x2  }
0x365: {  	s1 =	sadd.s32 $0x8180, s9;
	[tilespmem:s9+$0x81F0] =	vst v2  }
0x366: {  	_ =	sdelay $0x2  }
0x367: {  	[tilespmem:s31], [sflag:$0x3] =	stream.indirect.gather.add.f32 [hbm:s6], $0x20, s1, s21, $0xb8;
	[tilespmem:$0x15000] =	vst v63  }
0x368: {  	v0 =	vld.idx.msk [tilespmem:v0+s15+$0x0], $0xffff  }
0x369: {  	v2 =	vor.u32 v5, v1;
	_ =	sdelay $0x2  }
0x36a: {  	s8 =	sshra.s32 s8, $0x2  }
0x36b: {  	[tilespmem:s8+$0x8000] =	vst v0  }
0x36c: {  	v0 =	vld.idx.msk [tilespmem:v2+s15+$0x0], $0xffff  }
0x36d: {  	v2 =	vor.u32 v6, v1;
	_ =	sdelay $0x3  }
0x36e: {  	[tilespmem:s8+$0x8010] =	vst v0  }
0x36f: {  	v0 =	vld.idx.msk [tilespmem:v2+s15+$0x0], $0xffff  }
0x370: {  	v2 =	vor.u32 v35, v1;
	_ =	sdelay $0x3  }
0x371: {  	[tilespmem:s8+$0x8020] =	vst v0  }
0x372: {  	v0 =	vld.idx.msk [tilespmem:v2+s15+$0x0], $0xffff  }
0x373: {  	v2 =	vor.u32 v36, v1;
	_ =	sdelay $0x3  }
0x374: {  	[tilespmem:s8+$0x8030] =	vst v0  }
0x375: {  	v0 =	vld.idx.msk [tilespmem:v2+s15+$0x0], $0xffff  }
0x376: {  	v2 =	vor.u32 v37, v1;
	_ =	sdelay $0x3  }
0x377: {  	[tilespmem:s8+$0x8040] =	vst v0  }
0x378: {  	v0 =	vld.idx.msk [tilespmem:v2+s15+$0x0], $0xffff  }
0x379: {  	v2 =	vor.u32 v38, v1;
	_ =	sdelay $0x3  }
0x37a: {  	[tilespmem:s8+$0x8050] =	vst v0  }
0x37b: {  	v0 =	vld.idx.msk [tilespmem:v2+s15+$0x0], $0xffff  }
0x37c: {  	v2 =	vor.u32 v39, v1;
	_ =	sdelay $0x3  }
0x37d: {  	[tilespmem:s8+$0x8060] =	vst v0  }
0x37e: {  	v0 =	vld.idx.msk [tilespmem:v2+s15+$0x0], $0xffff;
	_ =	sdelay $0x1  }
0x37f: {  	v2 =	vor.u32 v40, v1;
	_ =	sdelay $0x2  }
0x380: {  	s11 =	sadd.s32 $0x8000, s8;
	[tilespmem:s8+$0x8070] =	vst v0  }
0x381: {  	[tilespmem:s18], [sflag:$0x3] =	stream.indirect.gather.add.f32 [hbm:s6], $0x20, s11, s21, $0xb8;
	[tilespmem:$0x15000] =	vst v63  }
0x382: {  	v0 =	vld.idx.msk [tilespmem:v2+s15+$0x0], $0xffff  }
0x383: {  	v2 =	vor.u32 v41, v1;
	_ =	sdelay $0x3  }
0x384: {  	[tilespmem:s8+$0x8080] =	vst v0  }
0x385: {  	v0 =	vld.idx.msk [tilespmem:v2+s15+$0x0], $0xffff  }
0x386: {  	v2 =	vor.u32 v42, v1;
	_ =	sdelay $0x3  }
0x387: {  	[tilespmem:s8+$0x8090] =	vst v0  }
0x388: {  	v0 =	vld.idx.msk [tilespmem:v2+s15+$0x0], $0xffff  }
0x389: {  	v2 =	vor.u32 v43, v1;
	_ =	sdelay $0x3  }
0x38a: {  	[tilespmem:s8+$0x80A0] =	vst v0  }
0x38b: {  	v0 =	vld.idx.msk [tilespmem:v2+s15+$0x0], $0xffff  }
0x38c: {  	v2 =	vor.u32 v44, v1;
	_ =	sdelay $0x3  }
0x38d: {  	[tilespmem:s8+$0x80B0] =	vst v0  }
0x38e: {  	v0 =	vld.idx.msk [tilespmem:v2+s15+$0x0], $0xffff  }
0x38f: {  	v2 =	vor.u32 v45, v1;
	_ =	sdelay $0x3  }
0x390: {  	[tilespmem:s8+$0x80C0] =	vst v0  }
0x391: {  	v0 =	vld.idx.msk [tilespmem:v2+s15+$0x0], $0xffff  }
0x392: {  	v2 =	vor.u32 v46, v1;
	_ =	sdelay $0x3  }
0x393: {  	[tilespmem:s8+$0x80D0] =	vst v0  }
0x394: {  	v0 =	vld.idx.msk [tilespmem:v2+s15+$0x0], $0xffff  }
0x395: {  	v2 =	vor.u32 v47, v1;
	_ =	sdelay $0x3  }
0x396: {  	[tilespmem:s8+$0x80E0] =	vst v0  }
0x397: {  	v0 =	vld.idx.msk [tilespmem:v2+s15+$0x0], $0xffff;
	_ =	sdelay $0x1  }
0x398: {  	v2 =	vor.u32 v48, v1;
	_ =	sdelay $0x2  }
0x399: {  	s12 =	sadd.s32 $0x8080, s8;
	[tilespmem:s8+$0x80F0] =	vst v0  }
0x39a: {  	[tilespmem:s29], [sflag:$0x3] =	stream.indirect.gather.add.f32 [hbm:s6], $0x20, s12, s21, $0xb8;
	[tilespmem:$0x15000] =	vst v63  }
0x39b: {  	v0 =	vld.idx.msk [tilespmem:v2+s15+$0x0], $0xffff  }
0x39c: {  	v2 =	vor.u32 v49, v1;
	_ =	sdelay $0x3  }
0x39d: {  	[tilespmem:s8+$0x8100] =	vst v0  }
0x39e: {  	v0 =	vld.idx.msk [tilespmem:v2+s15+$0x0], $0xffff  }
0x39f: {  	v2 =	vor.u32 v50, v1;
	_ =	sdelay $0x3  }
0x3a0: {  	[tilespmem:s8+$0x8110] =	vst v0  }
0x3a1: {  	v0 =	vld.idx.msk [tilespmem:v2+s15+$0x0], $0xffff  }
0x3a2: {  	v2 =	vor.u32 v51, v1;
	_ =	sdelay $0x3  }
0x3a3: {  	[tilespmem:s8+$0x8120] =	vst v0  }
0x3a4: {  	v0 =	vld.idx.msk [tilespmem:v2+s15+$0x0], $0xffff  }
0x3a5: {  	v2 =	vor.u32 v52, v1;
	_ =	sdelay $0x3  }
0x3a6: {  	[tilespmem:s8+$0x8130] =	vst v0  }
0x3a7: {  	v0 =	vld.idx.msk [tilespmem:v2+s15+$0x0], $0xffff  }
0x3a8: {  	v2 =	vor.u32 v53, v1;
	_ =	sdelay $0x3  }
0x3a9: {  	[tilespmem:s8+$0x8140] =	vst v0  }
0x3aa: {  	v0 =	vld.idx.msk [tilespmem:v2+s15+$0x0], $0xffff  }
0x3ab: {  	v2 =	vor.u32 v54, v1;
	_ =	sdelay $0x3  }
0x3ac: {  	[tilespmem:s8+$0x8150] =	vst v0  }
0x3ad: {  	v0 =	vld.idx.msk [tilespmem:v2+s15+$0x0], $0xffff  }
0x3ae: {  	v2 =	vor.u32 v55, v1;
	_ =	sdelay $0x3  }
0x3af: {  	[tilespmem:s8+$0x8160] =	vst v0  }
0x3b0: {  	v0 =	vld.idx.msk [tilespmem:v2+s15+$0x0], $0xffff;
	_ =	sdelay $0x1  }
0x3b1: {  	v2 =	vor.u32 v56, v1;
	_ =	sdelay $0x2  }
0x3b2: {  	s13 =	sadd.s32 $0x8100, s8;
	[tilespmem:s8+$0x8170] =	vst v0  }
0x3b3: {  	[tilespmem:s30], [sflag:$0x3] =	stream.indirect.gather.add.f32 [hbm:s6], $0x20, s13, s21, $0xb8;
	[tilespmem:$0x15000] =	vst v63  }
0x3b4: {  	v0 =	vld.idx.msk [tilespmem:v2+s15+$0x0], $0xffff  }
0x3b5: {  	v2 =	vor.u32 v57, v1;
	_ =	sdelay $0x3  }
0x3b6: {  	[tilespmem:s8+$0x8180] =	vst v0  }
0x3b7: {  	v0 =	vld.idx.msk [tilespmem:v2+s15+$0x0], $0xffff  }
0x3b8: {  	v2 =	vor.u32 v58, v1;
	_ =	sdelay $0x3  }
0x3b9: {  	[tilespmem:s8+$0x8190] =	vst v0  }
0x3ba: {  	v0 =	vld.idx.msk [tilespmem:v2+s15+$0x0], $0xffff  }
0x3bb: {  	v2 =	vor.u32 v59, v1;
	_ =	sdelay $0x3  }
0x3bc: {  	[tilespmem:s8+$0x81A0] =	vst v0  }
0x3bd: {  	v0 =	vld.idx.msk [tilespmem:v2+s15+$0x0], $0xffff  }
0x3be: {  	v2 =	vor.u32 v60, v1;
	_ =	sdelay $0x3  }
0x3bf: {  	[tilespmem:s8+$0x81B0] =	vst v0  }
0x3c0: {  	v0 =	vld.idx.msk [tilespmem:v2+s15+$0x0], $0xffff  }
0x3c1: {  	v2 =	vor.u32 v61, v1;
	_ =	sdelay $0x3  }
0x3c2: {  	[tilespmem:s8+$0x81C0] =	vst v0  }
0x3c3: {  	v0 =	vld.idx.msk [tilespmem:v2+s15+$0x0], $0xffff  }
0x3c4: {  	v2 =	vor.u32 v62, v1;
	_ =	sdelay $0x3  }
0x3c5: {  	[tilespmem:s8+$0x81D0] =	vst v0  }
0x3c6: {  	v0 =	vld.idx.msk [tilespmem:v2+s15+$0x0], $0xffff  }
0x3c7: {  	v1 =	vor.u32 v63, v1;
	_ =	sdelay $0x3  }
0x3c8: {  	[tilespmem:s8+$0x81E0] =	vst v0  }
0x3c9: {  	v0 =	vld.idx.msk [tilespmem:v1+s15+$0x0], $0xffff;
	_ =	sdelay $0x4  }
0x3ca: {  	s9 =	sadd.s32 $0x8180, s8;
	[tilespmem:s8+$0x81F0] =	vst v0  }
0x3cb: {  	[tilespmem:s31], [sflag:$0x3] =	stream.indirect.gather.add.f32 [hbm:s6], $0x20, s9, s21, $0xb8;
	[tilespmem:$0x15000] =	vst v63  }
0x3cc: {  	_ =	swait.ge [sflag:s0], $0x4000  }
0x3cd: {  	[sflag:s0] =	ssyncset.done $0x0  }
0x3ce: {  	[sflag:s0] =	ssyncadd.s32 $0xFFFFC000  }
0x3cf: {  	_ =	swait.ge [sflag:s0], $0x4000  }
0x3d0: {  	[sflag:s0] =	ssyncset.done $0x0  }
0x3d1: {  	[sflag:s0] =	ssyncadd.s32 $0xFFFFC000  }
0x3d2: {  	_ =	swait.ge [sflag:s0], $0x4000  }
0x3d3: {  	[sflag:s0] =	ssyncset.done $0x0  }
0x3d4: {  	[sflag:s0] =	ssyncadd.s32 $0xFFFFC000  }
0x3d5: {  	_ =	swait.ge [sflag:s0], $0x4000  }
0x3d6: {  	[sflag:s0] =	ssyncset.done $0x0  }
0x3d7: {  	[sflag:s0] =	ssyncadd.s32 $0xFFFFC000  }
0x3d8: {  	_ =	swait.ge [sflag:s0], $0x4000  }
0x3d9: {  	[sflag:s0] =	ssyncset.done $0x0  }
0x3da: {  	[sflag:s0] =	ssyncadd.s32 $0xFFFFC000  }
0x3db: {  	_ =	swait.ge [sflag:s0], $0x4000  }
0x3dc: {  	[sflag:s0] =	ssyncset.done $0x0  }
0x3dd: {  	[sflag:s0] =	ssyncadd.s32 $0xFFFFC000  }
0x3de: {  	_ =	swait.ge [sflag:s0], $0x4000  }
0x3df: {  	[sflag:s0] =	ssyncset.done $0x0  }
0x3e0: {  	[sflag:s0] =	ssyncadd.s32 $0xFFFFC000  }
0x3e1: {  	_ =	swait.ge [sflag:s0], $0x4000  }
0x3e2: {  	[sflag:s0] =	ssyncset.done $0x0  }
0x3e3: {  	[sflag:s0] =	ssyncadd.s32 $0xFFFFC000  }
0x3e4: {  	_ =	swait.ge [sflag:s0], $0x4000  }
0x3e5: {  	[sflag:s0] =	ssyncset.done $0x0  }
0x3e6: {  	[sflag:s0] =	ssyncadd.s32 $0xFFFFC000  }
0x3e7: {  	_ =	swait.ge [sflag:s0], $0x4000  }
0x3e8: {  	[sflag:s0] =	ssyncset.done $0x0  }
0x3e9: {  	[sflag:s0] =	ssyncadd.s32 $0xFFFFC000  }
0x3ea: {  	_ =	swait.ge [sflag:s0], $0x4000  }
0x3eb: {  	[sflag:s0] =	ssyncset.done $0x0  }
0x3ec: {  	[sflag:s0] =	ssyncadd.s32 $0xFFFFC000  }
0x3ed: {  	_ =	swait.ge [sflag:s0], $0x4000  }
0x3ee: {  	[sflag:s0] =	ssyncset.done $0x0  }
0x3ef: {  	[sflag:s0] =	ssyncadd.s32 $0xFFFFC000  }
0x3f0: {  	_ =	swait.ge [sflag:s0], $0x4000  }
0x3f1: {  	[sflag:s0] =	ssyncset.done $0x0  }
0x3f2: {  	[sflag:s0] =	ssyncadd.s32 $0xFFFFC000  }
0x3f3: {  	_ =	swait.ge [sflag:s0], $0x4000  }
0x3f4: {  	[sflag:s0] =	ssyncset.done $0x0  }
0x3f5: {  	[sflag:s0] =	ssyncadd.s32 $0xFFFFC000  }
0x3f6: {  	_ =	swait.ge [sflag:s0], $0x4000  }
0x3f7: {  	[sflag:s0] =	ssyncset.done $0x0  }
0x3f8: {  	[sflag:s0] =	ssyncadd.s32 $0xFFFFC000  }
0x3f9: {  	_ =	swait.ge [sflag:s0], $0x4000  }
0x3fa: {  	[sflag:s0] =	ssyncset.done $0x0  }
0x3fb: {  	[sflag:s0] =	ssyncadd.s32 $0xFFFFC000  }
0x3fc: {  	_ =	swait.ge [sflag:s0], $0x4000  }
0x3fd: {  	[sflag:s0] =	ssyncset.done $0x0  }
0x3fe: {  	[sflag:s0] =	ssyncadd.s32 $0xFFFFC000  }
0x3ff: {  	_ =	swait.ge [sflag:s0], $0x4000  }
0x400: {  	[sflag:s0] =	ssyncset.done $0x0  }
0x401: {  	[sflag:s0] =	ssyncadd.s32 $0xFFFFC000  }
0x402: {  	_ =	swait.ge [sflag:s0], $0x4000  }
0x403: {  	[sflag:s0] =	ssyncset.done $0x0  }
0x404: {  	[sflag:s0] =	ssyncadd.s32 $0xFFFFC000  }
0x405: {  	_ =	swait.ge [sflag:s0], $0x4000  }
0x406: {  	[sflag:s0] =	ssyncset.done $0x0  }
0x407: {  	[sflag:s0] =	ssyncadd.s32 $0xFFFFC000  }
0x408: {  	_ =	swait.ge [sflag:s0], $0x4000  }
0x409: {  	[sflag:s0] =	ssyncset.done $0x0  }
0x40a: {  	[sflag:s0] =	ssyncadd.s32 $0xFFFFC000  }
0x40b: {  	_ =	swait.ge [sflag:s0], $0x4000  }
0x40c: {  	[sflag:s0] =	ssyncset.done $0x0  }
0x40d: {  	[sflag:s0] =	ssyncadd.s32 $0xFFFFC000  }
0x40e: {  	_ =	swait.ge [sflag:s0], $0x4000  }
0x40f: {  	[sflag:s0] =	ssyncset.done $0x0  }
0x410: {  	[sflag:s0] =	ssyncadd.s32 $0xFFFFC000  }
0x411: {  	_ =	swait.ge [sflag:s0], $0x4000  }
0x412: {  	[sflag:s0] =	ssyncset.done $0x0  }
0x413: {  	[sflag:s0] =	ssyncadd.s32 $0xFFFFC000  }
0x414: {  	_ =	swait.ge [sflag:s0], $0x4000  }
0x415: {  	[sflag:s0] =	ssyncset.done $0x0  }
0x416: {  	[sflag:s0] =	ssyncadd.s32 $0xFFFFC000  }
0x417: {  	_ =	swait.ge [sflag:s0], $0x4000  }
0x418: {  	[sflag:s0] =	ssyncset.done $0x0  }
0x419: {  	[sflag:s0] =	ssyncadd.s32 $0xFFFFC000  }
0x41a: {  	_ =	swait.ge [sflag:s0], $0x4000  }
0x41b: {  	[sflag:s0] =	ssyncset.done $0x0  }
0x41c: {  	[sflag:s0] =	ssyncadd.s32 $0xFFFFC000  }
0x41d: {  	_ =	swait.ge [sflag:s0], $0x4000  }
0x41e: {  	[sflag:s0] =	ssyncset.done $0x0  }
0x41f: {  	[sflag:s0] =	ssyncadd.s32 $0xFFFFC000  }
0x420: {  	_ =	swait.ge [sflag:s0], $0x4000  }
0x421: {  	[sflag:s0] =	ssyncset.done $0x0  }
0x422: {  	[sflag:s0] =	ssyncadd.s32 $0xFFFFC000  }
0x423: {  	_ =	swait.ge [sflag:s0], $0x4000  }
0x424: {  	[sflag:s0] =	ssyncset.done $0x0  }
0x425: {  	[sflag:s0] =	ssyncadd.s32 $0xFFFFC000  }
0x426: {  	_ =	swait.ge [sflag:s0], $0x4000  }
0x427: {  	[sflag:s0] =	ssyncset.done $0x0  }
0x428: {  	[sflag:s0] =	ssyncadd.s32 $0xFFFFC000  }
0x429: {  	_ =	swait.ge [sflag:s0], $0x4000  }
0x42a: {  	[sflag:s0] =	ssyncset.done $0x0  }
0x42b: {  	s10 =	rddreg [dreg:$0x6];
	[sflag:s0] =	ssyncadd.s32 $0xFFFFC000  }
0x42c: {  	[hbm4b:s10+s3] =	stream.linear.scatter [tilespmem:s16], [sflag:$0x4], $0x4000, $0x38;
	[tilespmem:$0x15000] =	vst v63  }
0x42d: {  	_ =	swait.ge [sflag:s2], $0x4000  }
0x42e: {  	[sflag:s2] =	ssyncset.done $0x0  }
0x42f: {  	s11 =	rddreg [dreg:$0x7];
	[sflag:s2] =	ssyncadd.s32 $0xFFFFC000  }
0x430: {  	[hbm4b:s11+s3] =	stream.linear.scatter [tilespmem:s17], [sflag:$0x4], $0x4000, $0x38;
	[tilespmem:$0x15000] =	vst v63  }
0x431: {  	_ =	swait.ge [sflag:s2], $0x4000  }
0x432: {  	[sflag:s2] =	ssyncset.done $0x0  }
0x433: {  	s12 =	rddreg [dreg:$0x8];
	[sflag:s2] =	ssyncadd.s32 $0xFFFFC000  }
0x434: {  	[hbm4b:s12+s3] =	stream.linear.scatter [tilespmem:s18], [sflag:$0x4], $0x4000, $0x38;
	[tilespmem:$0x15000] =	vst v63  }
0x435: {  	_ =	swait.ge [sflag:s2], $0x4000  }
0x436: {  	v3 =	vld [tilespmem:$0x1FE10]  }
0x437: {  	v5 =	vld [tilespmem:$0x1FE20]  }
0x438: {  	v6 =	vld [tilespmem:$0x1FE30]  }
0x439: {  	v7 =	vld [tilespmem:$0x1FE40]  }
0x43a: {  	v8 =	vld [tilespmem:$0x1FE50]  }
0x43b: {  	v9 =	vld [tilespmem:$0x1FE60]  }
0x43c: {  	v10 =	vld [tilespmem:$0x1FE70]  }
0x43d: {  	v11 =	vld [tilespmem:$0x1FE80]  }
0x43e: {  	v12 =	vld [tilespmem:$0x1FE90]  }
0x43f: {  	v13 =	vld [tilespmem:$0x1FEA0]  }
0x440: {  	v14 =	vld [tilespmem:$0x1FEB0]  }
0x441: {  	v15 =	vld [tilespmem:$0x1FEC0]  }
0x442: {  	v16 =	vld [tilespmem:$0x1FED0]  }
0x443: {  	v17 =	vld [tilespmem:$0x1FEE0]  }
0x444: {  	v18 =	vld [tilespmem:$0x1FEF0]  }
0x445: {  	v19 =	vld [tilespmem:$0x1FF00]  }
0x446: {  	v20 =	vld [tilespmem:$0x1FF10]  }
0x447: {  	v21 =	vld [tilespmem:$0x1FF20]  }
0x448: {  	v22 =	vld [tilespmem:$0x1FF30]  }
0x449: {  	v23 =	vld [tilespmem:$0x1FF40]  }
0x44a: {  	v24 =	vld [tilespmem:$0x1FF50]  }
0x44b: {  	v25 =	vld [tilespmem:$0x1FF60]  }
0x44c: {  	v26 =	vld [tilespmem:$0x1FF70]  }
0x44d: {  	v28 =	vld [tilespmem:$0x1FF80]  }
0x44e: {  	s7 =	sadd.s32 $0x1, s7;
	s13 =	rddreg [dreg:$0x9];
	v29 =	vld [tilespmem:$0x1FF90]  }
0x44f: {  	v30 =	vld [tilespmem:$0x1FFA0];
	p0 =	sne.s32 s7, s13  }
.Ltmp3:
0x450: {  	v31 =	vld [tilespmem:$0x1FFB0];
	(pc) =	sbr.rel @p0 .LBB2_1-.Ltmp3, $4  }
0x451: {  	v32 =	vld [tilespmem:$0x1FFC0]  }
0x452: {  	v27 =	vld [tilespmem:$0x1FFD0]  }
0x453: {  	[sflag:s2] =	ssyncset.done $0x0;
	v33 =	vld [tilespmem:$0x1FFE0]  }
0x454: {  	v2 =	vmov v4;
	v34 =	vld [tilespmem:$0x1FFF0];
	[sflag:s2] =	ssyncadd.s32 $0xFFFFC000  }
0x455: {  	_ =	sfence.sel $0x180000  }
0x456: {  	[bflag:$0x0] =	sbarrier.arrive $0xFFFF  }
0x457: {  	_ =	strace $0x90000047  }
0x458: {  	s0 =	stileid.u32;
	[bflag:$0x2] =	sbarrier.arrive $0xFFFF  }
0x459: {  	p0 =	sne.s32 s0, $0x0;
	s0 =	rddreg [dreg:$0x2]  }
0x45a: {  	s0 =	sadd.s32 @!p0 $0x100000, s0  }
0x45b: {  	[sflag:s0] =	ssyncadd.tile.s32 @!p0 $0x1;
	_ =	shalt  }
.Lfunc_end2:
_tile_overlayer_lowered:
.L_overlay_start_2:
0x45c: {  	(tag) =	ssettag $0x2  }
0x45d: {  	s0 =	rddreg [dreg:$0x0];
	s2 =	stileid.u32  }
0x45e: {  	s1 =	rddreg [dreg:$0x1];
	p0 =	sne.s32 s2, $0x0  }
0x45f: {  	s3 =	rddreg [dreg:$0x2];
	[bflag:$0x3] =	sbarrier.arrive $0xFFFF;
	s2 =	simm.s32 @!p0 $0x1C04  }
0x460: {  	[timem:s3], [sflag:s2] =	dma.local @!p0 [hbm:s0], s1  }
0x461: {  	s0 =	simm.s32 @!p0 $0x4  }
0x462: {  	_ =	swait.ge @!p0 [sflag:s0], s1  }
0x463: {  	s1 =	ssub.s32 @!p0 $0x0, s1;
	[sflag:s0] =	ssyncset.done @!p0 $0x0  }
0x464: {  	[sflag:s0] =	ssyncadd.s32 @!p0 s1  }
0x465: {  	[bflag:$0x3] =	sbarrier.arrive $0xFFFF  }
0x466: {  	_ =	shalt  }

// kernel: kernel.8.cloned.1.call-start
scs
__scs_entry_jumppad:
0x0: {  	(pc) =	sbr.rel $0x88, $3  }
0x1: {  	(tag) =	ssettag $0x0;
	lr =	simm.s32 $0x1  }
0x2: {  	[smem:$0x3F91] =	sst lr;
	_ =	strace $0xD0000000  }
0x3: {  	_ = 	snop  }
0x4: {  	_ = 	snop  }
0x5: {  	_ = 	snop  }
0x6: {  	_ = 	snop  }
0x7: {  	_ = 	snop  }
__scs_overlays_trampoline_lowered:
0x8: {  	[smem:$0x3FA0] =	sst s0  }
0x9: {  	[smem:$0x3FA1] =	sst s1  }
0xa: {  	[smem:$0x3FA2] =	sst s2  }
0xb: {  	[smem:$0x3FA3] =	sst s3  }
0xc: {  	[smem:$0x3FA4] =	sst s4  }
0xd: {  	[smem:$0x3FA5] =	sst s5  }
0xe: {  	[smem:$0x3FA6] =	sst s6  }
0xf: {  	[smem:$0x3FA7] =	sst s7  }
0x10: {  	[smem:$0x3FA8] =	sst s8  }
0x11: {  	[smem:$0x3FA9] =	sst s9;
	s0 =	simm.s32 @!p0 $0x0  }
0x12: {  	s1 =	sld [smem:$0x3F8F];
	s0 =	simm.s32 @p0 $0x1  }
0x13: {  	[smem:$0x3FAA] =	sst s0;
	s0 =	simm.s32 @!p1 $0x0  }
0x14: {  	s2 =	sld [smem:$0x3F8E];
	s0 =	simm.s32 @p1 $0x1  }
0x15: {  	[smem:$0x3FAB] =	sst s0;
	s0 =	simm.s32 @!p2 $0x0  }
0x16: {  	s3 =	sld [smem:$0x3FDB];
	s0 =	simm.s32 @p2 $0x1  }
0x17: {  	s4 =	simm.s32 $0x1BF5;
	[smem:$0x3FAD] =	sst s0  }
0x18: {  	s0 =	sld [smem:$0x3F90];
	_ =	swait.ge [sflag:s4], $0x0  }
0x19: {  	s7 =	sld [smem:$0x3F91]  }
0x1a: {  	s8 =	sadd.s32 $0xFFFFE003, lr  }
0x1b: {  	s9 =	sadd.s32 $0xFFFFFEF7, lr;
	s5 =	simm.s32 $0xFFFFFFFF;
	p2 =	slt.u32 s8, $0xFFFFF086  }
0x1c: {  	p1 =	slt.u32 s9, $0xF7A;
	s5 =	simm.s32 @!p2 $0x0  }
0x1d: {  	s5 =	simm.s32 @p1 $0x1;
	p0 =	seq.s32 s7, s2  }
0x1e: {  	s7 =	smul.u32 @!p0 $0xF7A, s2;
	p2 =	seq.s32 @!p0 s5, $0x0  }
0x1f: {  	s9 =	smul.u32 $0xF7A, s1;
	s8 =	simm.s32 @!p0 $0x1BF5;
	p2 =	por !p2, p0  }
0x20: {  	[sflag:s8] =	ssyncset.s32 @!p0 $0xFFFFF086;
	s6 =	sadd.s32 @!p0 s3, s7;
	s7 =	simm.s32 @!p0 $0x108  }
0x21: {  	s3 =	sadd.s32 s3, s9;
	s6 =	sadd.s32 @!p0 $0x88, s6;
	s7 =	simm.s32 @p2 $0x1082  }
0x22: {  	[simem:s7], [sflag:s8] =	dma.local @!p0 [hbm:s6], $0xF7A  }
0x23: {  	s9 =	sor.u32 $0xD0000000, s2;
	s6 =	simm.s32 $0x108;
	_ =	swait.ge @!p0 [sflag:s8], $0x0  }
0x24: {  	s3 =	sadd.s32 $0x88, s3;
	s6 =	simm.s32 @!p1 $0x1082;
	[sflag:s4] =	ssyncset.s32 $0xFFFFF086  }
0x25: {  	[simem:s6], [sflag:s4] =	dma.local [hbm:s3], $0xF7A  }
0x26: {  	[smem:$0x3F91] =	sst s1;
	(tag) =	ssettag s2;
	_ =	strace s9  }
0x27: {  	s1 =	sld [smem:$0x3FA1]  }
0x28: {  	s2 =	sld [smem:$0x3FA2]  }
0x29: {  	s4 =	sld [smem:$0x3FA4]  }
0x2a: {  	p0 =	seq.s32 s5, $0x0;
	s5 =	sld [smem:$0x3FA5]  }
0x2b: {  	s6 =	sld [smem:$0x3FA6]  }
0x2c: {  	s7 =	sld [smem:$0x3FA7]  }
0x2d: {  	s3 =	simm.s32 $0x108;
	s8 =	sld [smem:$0x3FA8]  }
0x2e: {  	s3 =	simm.s32 @!p0 $0x1082;
	s9 =	sld [smem:$0x3FA9]  }
0x2f: {  	lr =	sadd.s32 s0, s3;
	s0 =	sld [smem:$0x3FA0]  }
0x30: {  	s3 =	sld [smem:$0x3FA3]  }
0x31: {  	[smem:$0x3FAC] =	sst s10  }
0x32: {  	s10 =	sld [smem:$0x3FAA];
	_ =	sdelay $0x3  }
0x33: {  	p0 =	seq.s32 s10, $0x1;
	s10 =	sld [smem:$0x3FAC];
	_ =	sdelay $0x3  }
0x34: {  	[smem:$0x3FAC] =	sst s10  }
0x35: {  	s10 =	sld [smem:$0x3FAB];
	_ =	sdelay $0x3  }
0x36: {  	p1 =	seq.s32 s10, $0x1;
	s10 =	sld [smem:$0x3FAC];
	_ =	sdelay $0x3  }
0x37: {  	[smem:$0x3FAC] =	sst s10  }
0x38: {  	s10 =	sld [smem:$0x3FAD]  }
0x39: {  	_ = 	snop;
	(pc) =	sbr.ind lr, $3  }
0x3a: {  	_ = 	snop  }
0x3b: {  	_ = 	snop  }
0x3c: {  	p2 =	seq.s32 s10, $0x1;
	s10 =	sld [smem:$0x3FAC]  }
0x3d: {  	_ =	shalt  }
0x3e: {  	_ =	shalt  }
0x3f: {  	_ =	shalt  }
0x40: {  	_ =	shalt  }
0x41: {  	_ =	shalt  }
0x42: {  	_ =	shalt  }
0x43: {  	_ =	shalt  }
0x44: {  	_ =	shalt  }
0x45: {  	_ =	shalt  }
0x46: {  	_ =	shalt  }
0x47: {  	_ =	shalt  }
0x48: {  	_ =	shalt  }
0x49: {  	_ =	shalt  }
0x4a: {  	_ =	shalt  }
0x4b: {  	_ =	shalt  }
0x4c: {  	_ =	shalt  }
0x4d: {  	_ =	shalt  }
0x4e: {  	_ =	shalt  }
0x4f: {  	_ =	shalt  }
0x50: {  	_ =	shalt  }
0x51: {  	_ =	shalt  }
0x52: {  	_ =	shalt  }
0x53: {  	_ =	shalt  }
0x54: {  	_ =	shalt  }
0x55: {  	_ =	shalt  }
0x56: {  	_ =	shalt  }
0x57: {  	_ =	shalt  }
0x58: {  	_ =	shalt  }
0x59: {  	_ =	shalt  }
0x5a: {  	_ =	shalt  }
0x5b: {  	_ =	shalt  }
0x5c: {  	_ =	shalt  }
0x5d: {  	_ =	shalt  }
0x5e: {  	_ =	shalt  }
0x5f: {  	_ =	shalt  }
0x60: {  	_ =	shalt  }
0x61: {  	_ =	shalt  }
0x62: {  	_ =	shalt  }
0x63: {  	_ =	shalt  }
0x64: {  	_ =	shalt  }
0x65: {  	_ =	shalt  }
0x66: {  	_ =	shalt  }
0x67: {  	_ =	shalt  }
0x68: {  	_ =	shalt  }
0x69: {  	_ =	shalt  }
0x6a: {  	_ =	shalt  }
0x6b: {  	_ =	shalt  }
0x6c: {  	_ =	shalt  }
0x6d: {  	_ =	shalt  }
0x6e: {  	_ =	shalt  }
0x6f: {  	_ =	shalt  }
0x70: {  	_ =	shalt  }
0x71: {  	_ =	shalt  }
0x72: {  	_ =	shalt  }
0x73: {  	_ =	shalt  }
0x74: {  	_ =	shalt  }
0x75: {  	_ =	shalt  }
0x76: {  	_ =	shalt  }
0x77: {  	_ =	shalt  }
0x78: {  	_ =	shalt  }
0x79: {  	_ =	shalt  }
0x7a: {  	_ =	shalt  }
0x7b: {  	_ =	shalt  }
0x7c: {  	_ =	shalt  }
0x7d: {  	_ =	shalt  }
0x7e: {  	_ =	shalt  }
0x7f: {  	_ =	shalt  }
0x80: {  	_ =	shalt  }
0x81: {  	_ =	shalt  }
0x82: {  	_ =	shalt  }
0x83: {  	_ =	shalt  }
0x84: {  	_ =	shalt  }
0x85: {  	_ =	shalt  }
0x86: {  	_ =	shalt  }
0x87: {  	_ =	shalt  }
.Lfunc_end0:
.L_simem_size_0:
called_computation.1_lowered:
.L_overlay_start_0:
0x88: {  	s2 =	sld [smem:$0x3FD9]  }
0x89: {  	s3 =	sld [smem:$0x3FFE];
	_ =	sdelay $0x1  }
0x8a: {  	s1 =	srdreg.scid  }
0x8b: {  	s0 =	sand.u32 $0x1, s1  }
0x8c: {  	s17 =	sshll.u32 s0, $0xA;
	s2 =	sadd.s32 s3, s2  }
0x8d: {  	s2 =	sadd.s32 s2, s17  }
0x8e: {  	[smem:$0x3FB8] =	sst s2  }
0x8f: {  	_ = 	snop  }
0x90: {  	s18 =	sld [smem:$0x3FC9]  }
0x91: {  	s4 =	sld [smem:$0x3FC8];
	(tm) =	ssettm $0x1  }
0x92: {  	s19 =	sld [smem:$0x3FFB];
	_ =	sdelay $0x3  }
0x93: {  	_ =	strace s19  }
0x94: {  	s2 =	sld [smem:$0x3FFC];
	_ =	sdelay $0x3  }
0x95: {  	_ =	strace s2  }
0x96: {  	s2 =	sld [smem:$0x3FFD];
	_ =	sdelay $0x3  }
0x97: {  	_ =	strace s2  }
0x98: {  	_ =	strace $0x8FFFFFFF  }
0x99: {  	s20 =	sld [smem:$0x3FDB];
	_ =	sdelay $0x1  }
0x9a: {  	s5 =	simm.s32 $_scs_section_size  }
0x9b: {  	s6 =	simm.s32 $_size__tile_overlayer_lowered;
	s7 =	simm.s32 $_tile_overlayer_lowered  }
0x9c: {  	s8 =	simm.s32 $0x1BFF;
	s21 =	sshll.u32 s7, $0x1;
	s5 =	sadd.s32 s5, s20  }
0x9d: {  	s22 =	simm.s32 $0x0;
	s6 =	sshll.u32 s6, $0x1;
	s7 =	sadd.s32 s21, s5  }
0x9e: {  	[timem:s22], [sflag:s8] =	dma.local [hbm:s7], s6  }
0x9f: {  	_ =	swait.ge [sflag:s8], s6  }
0xa0: {  	s6 =	ssub.s32 $0x0, s6;
	[sflag:s8] =	ssyncset.done $0x0  }
0xa1: {  	[sflag:s8] =	ssyncadd.s32 s6;
	_ =	sdelay $0x1  }
0xa2: {  	s23 =	simm.s32 $0x1B8B  }
0xa3: {  	_ =	swait.ge [sflag:s23], $0x1  }
0xa4: {  	[sflag:s23] =	ssyncset.done $0x0  }
0xa5: {  	[sflag:s23] =	ssyncadd.s32 $0xFFFFFFFF  }
0xa6: {  	s6 =	sld [smem:$0x0]  }
0xa7: {  	s7 =	sand.u32 $0xFFFFFFFE, s1  }
0xa8: {  	p0 =	sne.s32 s1, s7  }
0xa9: {  	s7 =	sshll.u32 @p0 s7, $0xE  }
0xaa: {  	s7 =	sadd.s32 @p0 $0x11B8D, s7;
	s8 =	sshll.u32 @p0 s6, $0x11  }
0xab: {  	s7 =	sor.u32 @p0 s8, s7  }
0xac: {  	[sflag:s7] =	ssyncadd.remote.s32 @p0 $0x1;
	_ =	sdelay $0x1  }
0xad: {  	s7 =	simm.s32 @p0 $0x1B8D  }
0xae: {  	_ =	swait.eq @p0 [sflag:s7], $0x1  }
0xaf: {  	[sflag:s7] =	ssyncadd.s32 @p0 $0xFFFFFFFF  }
0xb0: {  	s8 =	sshll.u32 @!p0 s1, $0xE  }
0xb1: {  	s8 =	sor.u32 @!p0 $0x4000, s8;
	s7 =	simm.s32 @!p0 $0x1B8D  }
0xb2: {  	s6 =	sshll.u32 @!p0 s6, $0x11;
	s8 =	sadd.s32 @!p0 $0x11B8D, s8;
	_ =	swait.eq @!p0 [sflag:s7], $0x1  }
0xb3: {  	s6 =	sor.u32 @!p0 s6, s8;
	[sflag:s7] =	ssyncadd.s32 @!p0 $0xFFFFFFFF  }
0xb4: {  	s25 =	simm.s32 $0x1B8E;
	s24 =	sld [smem:$0x3FFE];
	[sflag:s6] =	ssyncadd.remote.s32 @!p0 $0x1  }
0xb5: {  	s26 =	simm.s32 $execute0_lowered;
	[smem:$0x3FD2] =	sst s25  }
0xb6: {  	s7 =	sshll.u32 s26, $0x1;
	_ =	strace $0x80000049;
	[dreg:$0x1] =	wrdreg $0xFFFFFFFF  }
0xb7: {  	s28 =	simm.s32 $_size_execute0_lowered;
	s5 =	sadd.s32 s5, s7;
	[dreg:$0x0] =	wrdreg $0x0  }
0xb8: {  	s7 =	sshll.u32 s28, $0x1;
	[dreg:$0x2] =	wrdreg s5  }
0xb9: {  	[dreg:$0x3] =	wrdreg s7  }
0xba: {  	[dreg:$0x4] =	wrdreg $0xC0  }
0xbb: {  	_ =	task [dreg:s22], $0x5FFFF  }
0xbc: {  	[dreg:$0x1] =	wrdreg $0xFFFFFFFF  }
0xbd: {  	[dreg:$0x0] =	wrdreg $0x60  }
0xbe: {  	[dreg:$0x2] =	wrdreg s24  }
0xbf: {  	[dreg:$0x3] =	wrdreg s18  }
0xc0: {  	[dreg:$0x4] =	wrdreg s4  }
0xc1: {  	[dreg:$0x5] =	wrdreg $0xA  }
0xc2: {  	_ =	task.clear_ibuf [dreg:s22], $0x6FFFF;
	_ =	strace $0x90000049  }
0xc3: {  	s29 =	simm.s32 $0xA;
	_ =	strace $0x8000004B  }
0xc4: {  	_ =	swait.ge [sflag:s29], $0x1  }
0xc5: {  	[sflag:s29] =	ssyncadd.s32 $0xFFFFFFFF  }
0xc6: {  	_ =	strace $0x9000004B  }
0xc7: {  	_ =	sfence  }
0xc8: {  	s30 =	sld [smem:$0x0];
	_ =	sdelay $0x2  }
0xc9: {  	s31 =	sshll.u32 s1, $0xD;
	s1 =	sshrl.u32 s1, $0x2  }
0xca: {  	s4 =	sand.u32 $0x4000, s31;
	s1 =	sadd.s32 s1, s30  }
0xcb: {  	s0 =	sor.u32 s4, s0;
	s1 =	sshll.u32 s1, $0x11  }
0xcc: {  	s0 =	sor.u32 s1, s0  }
0xcd: {  	s0 =	sadd.s32 $0x8F2B, s0  }
0xce: {  	[sflag:s0] =	ssyncadd.remote.s32 $0x1  }
0xcf: {  	_ =	sfence.sel $0xFFFF  }
0xd0: {  	[dreg:$0x0] =	wrdreg $0xFFFFFFFF;
	(pc) =	sbr.abs _section_cstart, $3  }
0xd1: {  	[dreg:$0x1] =	wrdreg $0xFFFFFFFF  }
0xd2: {  	_ =	task.clear_ibuf [dreg:s22], $0x2FFFF;
	_ =	strace $0x9FFFFFFF  }
0xd3: {  	(tm) =	ssettm $0x7FFFFFFF  }
tec
execute0_lowered:
.L_overlay_start_1:
0x0: {  	(tag) =	ssettag $0x1  }
0x1: {  	s14 =	rddreg [dreg:$0x0];
	s1 =	srdreg.scid  }
0x2: {  	s3 =	rddreg [dreg:$0x1];
	s0 =	stileid.u32;
	s24 =	sand.u32 $0x1, s1  }
0x3: {  	s5 =	rddreg [dreg:$0x2];
	s4 =	sshll.u32 s0, $0xA;
	s6 =	sshll.u32 s24, $0x9  }
0x4: {  	s2 =	simm.s32 $0x0;
	s1 =	rddreg [dreg:$0x3];
	s13 =	sor.u32 s6, s4  }
0x5: {  	[smem:$0x7FF] =	sst s2;
	s6 =	sshrl.u32 s13, $0x3  }
0x6: {  	_ =	strace $0x8000004A;
	s4 =	sadd.s32 s3, s6;
	s3 =	simm.s32 $0x2  }
0x7: {  	[tilespmem:s2], [sflag:$0x2] =	stream.linear.gather [hbm4b:s4+s2], $0x200, $0x38;
	[tilespmem:$0x8400] =	vst v63  }
0x8: {  	_ =	swait.ge [sflag:s3], $0x200  }
0x9: {  	[sflag:s3] =	ssyncset.done $0x0  }
0xa: {  	s5 =	sadd.s32 s5, s6;
	s6 =	simm.s32 $0x200;
	[sflag:s3] =	ssyncadd.s32 $0xFFFFFE00  }
0xb: {  	[tilespmem:s6], [sflag:$0x2] =	stream.linear.gather [hbm4b:s5+s2], $0x200, $0x38;
	[tilespmem:$0x8400] =	vst v63  }
0xc: {  	_ =	swait.ge [sflag:s3], $0x200  }
0xd: {  	s8 =	simm.s32 $0x80;
	[sflag:s3] =	ssyncset.done $0x0  }
0xe: {  	s9 =	simm.s32 $0x400;
	s7 =	sadd.s32 $0x112DE00, s14;
	[sflag:s3] =	ssyncadd.s32 $0xFFFFFE00  }
0xf: {  	[tilespmem:s9], [sflag:$0x1] =	stream.indirect.gather [hbm4b:s7+s8], $0x80, s2, s8, $0xb8;
	[tilespmem:$0x8400] =	vst v63  }
0x10: {  	s11 =	simm.s32 $0x4400;
	s12 =	simm.s32 $0x1;
	s10 =	sadd.s32 $0x372400, s14  }
0x11: {  	[tilespmem:s11], [sflag:$0x1] =	stream.indirect.gather [hbm4b:s10+s8], $0x80, s6, s8, $0xb8;
	[tilespmem:$0x8400] =	vst v63  }
0x12: {  	_ =	swait.ge [sflag:s12], $0x4000  }
0x13: {  	[sflag:s12] =	ssyncset.done $0x0  }
0x14: {  	[sflag:s12] =	ssyncadd.s32 $0xFFFFC000  }
0x15: {  	_ =	swait.ge [sflag:s12], $0x4000  }
0x16: {  	s25 =	sadd.s32 $0x49400, s14;
	s28 =	sshll.u32 s13, $0x4;
	[sflag:s12] =	ssyncset.done $0x0  }
0x17: {  	s13 =	sadd.s32 s25, s28;
	[sflag:s12] =	ssyncadd.s32 $0xFFFFC000  }
0x18: {  	[hbm4b:s13+s2] =	stream.linear.scatter [tilespmem:s9], [sflag:$0x2], $0x4000, $0x38;
	[tilespmem:$0x8400] =	vst v63  }
0x19: {  	_ =	swait.ge [sflag:s3], $0x4000  }
0x1a: {  	s26 =	sadd.s32 $0x89400, s14;
	[sflag:s3] =	ssyncset.done $0x0  }
0x1b: {  	s14 =	sadd.s32 s26, s28;
	[sflag:s3] =	ssyncadd.s32 $0xFFFFC000  }
0x1c: {  	[hbm4b:s14+s2] =	stream.linear.scatter [tilespmem:s11], [sflag:$0x2], $0x4000, $0x38;
	[tilespmem:$0x8400] =	vst v63  }
0x1d: {  	_ =	swait.ge [sflag:s3], $0x4000  }
0x1e: {  	[sflag:s3] =	ssyncset.done $0x0  }
0x1f: {  	[sflag:s3] =	ssyncadd.s32 $0xFFFFC000  }
0x20: {  	[tilespmem:s9], [sflag:$0x1] =	stream.indirect.gather [hbm4b:s7+s8], $0x80, s8, s8, $0xb8;
	[tilespmem:$0x8400] =	vst v63  }
0x21: {  	s15 =	simm.s32 $0x280  }
0x22: {  	[tilespmem:s11], [sflag:$0x1] =	stream.indirect.gather [hbm4b:s10+s8], $0x80, s15, s8, $0xb8;
	[tilespmem:$0x8400] =	vst v63  }
0x23: {  	_ =	swait.ge [sflag:s12], $0x4000  }
0x24: {  	[sflag:s12] =	ssyncset.done $0x0  }
0x25: {  	[sflag:s12] =	ssyncadd.s32 $0xFFFFC000  }
0x26: {  	_ =	swait.ge [sflag:s12], $0x4000  }
0x27: {  	s17 =	sor.u32 $0x800, s28;
	[sflag:s12] =	ssyncset.done $0x0  }
0x28: {  	s16 =	sadd.s32 s25, s17;
	[sflag:s12] =	ssyncadd.s32 $0xFFFFC000  }
0x29: {  	[hbm4b:s16+s2] =	stream.linear.scatter [tilespmem:s9], [sflag:$0x2], $0x4000, $0x38;
	[tilespmem:$0x8400] =	vst v63  }
0x2a: {  	_ =	swait.ge [sflag:s3], $0x4000  }
0x2b: {  	[sflag:s3] =	ssyncset.done $0x0  }
0x2c: {  	s17 =	sadd.s32 s26, s17;
	[sflag:s3] =	ssyncadd.s32 $0xFFFFC000  }
0x2d: {  	[hbm4b:s17+s2] =	stream.linear.scatter [tilespmem:s11], [sflag:$0x2], $0x4000, $0x38;
	[tilespmem:$0x8400] =	vst v63  }
0x2e: {  	_ =	swait.ge [sflag:s3], $0x4000  }
0x2f: {  	[sflag:s3] =	ssyncset.done $0x0  }
0x30: {  	s18 =	simm.s32 $0x100;
	[sflag:s3] =	ssyncadd.s32 $0xFFFFC000  }
0x31: {  	[tilespmem:s9], [sflag:$0x1] =	stream.indirect.gather [hbm4b:s7+s8], $0x80, s18, s8, $0xb8;
	[tilespmem:$0x8400] =	vst v63  }
0x32: {  	s19 =	simm.s32 $0x300  }
0x33: {  	[tilespmem:s11], [sflag:$0x1] =	stream.indirect.gather [hbm4b:s10+s8], $0x80, s19, s8, $0xb8;
	[tilespmem:$0x8400] =	vst v63  }
0x34: {  	_ =	swait.ge [sflag:s12], $0x4000  }
0x35: {  	[sflag:s12] =	ssyncset.done $0x0  }
0x36: {  	[sflag:s12] =	ssyncadd.s32 $0xFFFFC000  }
0x37: {  	_ =	swait.ge [sflag:s12], $0x4000  }
0x38: {  	s21 =	sor.u32 $0x1000, s28;
	[sflag:s12] =	ssyncset.done $0x0  }
0x39: {  	s20 =	sadd.s32 s25, s21;
	[sflag:s12] =	ssyncadd.s32 $0xFFFFC000  }
0x3a: {  	[hbm4b:s20+s2] =	stream.linear.scatter [tilespmem:s9], [sflag:$0x2], $0x4000, $0x38;
	[tilespmem:$0x8400] =	vst v63  }
0x3b: {  	_ =	swait.ge [sflag:s3], $0x4000  }
0x3c: {  	[sflag:s3] =	ssyncset.done $0x0  }
0x3d: {  	s21 =	sadd.s32 s26, s21;
	[sflag:s3] =	ssyncadd.s32 $0xFFFFC000  }
0x3e: {  	[hbm4b:s21+s2] =	stream.linear.scatter [tilespmem:s11], [sflag:$0x2], $0x4000, $0x38;
	[tilespmem:$0x8400] =	vst v63  }
0x3f: {  	_ =	swait.ge [sflag:s3], $0x4000  }
0x40: {  	[sflag:s3] =	ssyncset.done $0x0  }
0x41: {  	s22 =	simm.s32 $0x180;
	[sflag:s3] =	ssyncadd.s32 $0xFFFFC000  }
0x42: {  	[tilespmem:s9], [sflag:$0x1] =	stream.indirect.gather [hbm4b:s7+s8], $0x80, s22, s8, $0xb8;
	[tilespmem:$0x8400] =	vst v63  }
0x43: {  	s23 =	simm.s32 $0x380  }
0x44: {  	[tilespmem:s11], [sflag:$0x1] =	stream.indirect.gather [hbm4b:s10+s8], $0x80, s23, s8, $0xb8;
	[tilespmem:$0x8400] =	vst v63  }
0x45: {  	_ =	swait.ge [sflag:s12], $0x4000  }
0x46: {  	[sflag:s12] =	ssyncset.done $0x0  }
0x47: {  	s29 =	ssub.s32 $0x2, s24;
	[sflag:s12] =	ssyncadd.s32 $0xFFFFC000  }
0x48: {  	s30 =	sshrl.u32 s29, $0x1;
	_ =	swait.ge [sflag:s12], $0x4000  }
0x49: {  	s29 =	ssub.s32 s29, s30;
	s28 =	sor.u32 $0x1800, s28;
	[sflag:s12] =	ssyncset.done $0x0  }
0x4a: {  	s31 =	smax.u32 s29, $0x1;
	s24 =	sadd.s32 s25, s28;
	[sflag:s12] =	ssyncadd.s32 $0xFFFFC000  }
0x4b: {  	[hbm4b:s24+s2] =	stream.linear.scatter [tilespmem:s9], [sflag:$0x2], $0x4000, $0x38;
	[tilespmem:$0x8400] =	vst v63  }
0x4c: {  	p0 =	sne.s32 s31, $0x1;
	_ =	swait.ge [sflag:s3], $0x4000  }
.Ltmp0:
0x4d: {  	[sflag:s3] =	ssyncset.done $0x0;
	(pc) =	sbr.rel @!p0 .LBB2_2-.Ltmp0, $4  }
0x4e: {  	s25 =	sadd.s32 s26, s28;
	[sflag:s3] =	ssyncadd.s32 $0xFFFFC000  }
0x4f: {  	[hbm4b:s25+s2] =	stream.linear.scatter [tilespmem:s11], [sflag:$0x2], $0x4000, $0x38;
	[tilespmem:$0x8400] =	vst v63  }
0x50: {  	_ =	swait.ge [sflag:s3], $0x4000  }
0x51: {  	s26 =	sadd.s32 $0xFFFFFFFF, s31;
	[sflag:s3] =	ssyncset.done $0x0  }
.LBB2_1:
0x52: {  	p0 =	sne.s32 s26, $0x1;
	s26 =	sadd.s32 $0xFFFFFFFF, s26;
	[sflag:s3] =	ssyncadd.s32 $0xFFFFC000  }
0x53: {  	[tilespmem:s2], [sflag:$0x2] =	stream.linear.gather [hbm4b:s4+s2], $0x200, $0x38;
	[tilespmem:$0x8400] =	vst v63  }
0x54: {  	_ =	swait.ge [sflag:s3], $0x200  }
0x55: {  	[sflag:s3] =	ssyncset.done $0x0  }
0x56: {  	[sflag:s3] =	ssyncadd.s32 $0xFFFFFE00  }
0x57: {  	[tilespmem:s6], [sflag:$0x2] =	stream.linear.gather [hbm4b:s5+s2], $0x200, $0x38;
	[tilespmem:$0x8400] =	vst v63  }
0x58: {  	_ =	swait.ge [sflag:s3], $0x200  }
0x59: {  	[sflag:s3] =	ssyncset.done $0x0  }
0x5a: {  	[sflag:s3] =	ssyncadd.s32 $0xFFFFFE00  }
0x5b: {  	[tilespmem:s9], [sflag:$0x1] =	stream.indirect.gather [hbm4b:s7+s8], $0x80, s2, s8, $0xb8;
	[tilespmem:$0x8400] =	vst v63  }
0x5c: {  	_ = 	snop  }
0x5d: {  	[tilespmem:s11], [sflag:$0x1] =	stream.indirect.gather [hbm4b:s10+s8], $0x80, s6, s8, $0xb8;
	[tilespmem:$0x8400] =	vst v63  }
0x5e: {  	_ =	swait.ge [sflag:s12], $0x4000  }
0x5f: {  	[sflag:s12] =	ssyncset.done $0x0  }
0x60: {  	[sflag:s12] =	ssyncadd.s32 $0xFFFFC000  }
0x61: {  	_ =	swait.ge [sflag:s12], $0x4000  }
0x62: {  	[sflag:s12] =	ssyncset.done $0x0  }
0x63: {  	[sflag:s12] =	ssyncadd.s32 $0xFFFFC000  }
0x64: {  	[hbm4b:s13+s2] =	stream.linear.scatter [tilespmem:s9], [sflag:$0x2], $0x4000, $0x38;
	[tilespmem:$0x8400] =	vst v63  }
0x65: {  	_ =	swait.ge [sflag:s3], $0x4000  }
0x66: {  	[sflag:s3] =	ssyncset.done $0x0  }
0x67: {  	[sflag:s3] =	ssyncadd.s32 $0xFFFFC000  }
0x68: {  	[hbm4b:s14+s2] =	stream.linear.scatter [tilespmem:s11], [sflag:$0x2], $0x4000, $0x38;
	[tilespmem:$0x8400] =	vst v63  }
0x69: {  	_ =	swait.ge [sflag:s3], $0x4000  }
0x6a: {  	[sflag:s3] =	ssyncset.done $0x0  }
0x6b: {  	[sflag:s3] =	ssyncadd.s32 $0xFFFFC000  }
0x6c: {  	[tilespmem:s9], [sflag:$0x1] =	stream.indirect.gather [hbm4b:s7+s8], $0x80, s8, s8, $0xb8;
	[tilespmem:$0x8400] =	vst v63  }
0x6d: {  	_ = 	snop  }
0x6e: {  	[tilespmem:s11], [sflag:$0x1] =	stream.indirect.gather [hbm4b:s10+s8], $0x80, s15, s8, $0xb8;
	[tilespmem:$0x8400] =	vst v63  }
0x6f: {  	_ =	swait.ge [sflag:s12], $0x4000  }
0x70: {  	[sflag:s12] =	ssyncset.done $0x0  }
0x71: {  	[sflag:s12] =	ssyncadd.s32 $0xFFFFC000  }
0x72: {  	_ =	swait.ge [sflag:s12], $0x4000  }
0x73: {  	[sflag:s12] =	ssyncset.done $0x0  }
0x74: {  	[sflag:s12] =	ssyncadd.s32 $0xFFFFC000  }
0x75: {  	[hbm4b:s16+s2] =	stream.linear.scatter [tilespmem:s9], [sflag:$0x2], $0x4000, $0x38;
	[tilespmem:$0x8400] =	vst v63  }
0x76: {  	_ =	swait.ge [sflag:s3], $0x4000  }
0x77: {  	[sflag:s3] =	ssyncset.done $0x0  }
0x78: {  	[sflag:s3] =	ssyncadd.s32 $0xFFFFC000  }
0x79: {  	[hbm4b:s17+s2] =	stream.linear.scatter [tilespmem:s11], [sflag:$0x2], $0x4000, $0x38;
	[tilespmem:$0x8400] =	vst v63  }
0x7a: {  	_ =	swait.ge [sflag:s3], $0x4000  }
0x7b: {  	[sflag:s3] =	ssyncset.done $0x0  }
0x7c: {  	[sflag:s3] =	ssyncadd.s32 $0xFFFFC000  }
0x7d: {  	[tilespmem:s9], [sflag:$0x1] =	stream.indirect.gather [hbm4b:s7+s8], $0x80, s18, s8, $0xb8;
	[tilespmem:$0x8400] =	vst v63  }
0x7e: {  	_ = 	snop  }
0x7f: {  	[tilespmem:s11], [sflag:$0x1] =	stream.indirect.gather [hbm4b:s10+s8], $0x80, s19, s8, $0xb8;
	[tilespmem:$0x8400] =	vst v63  }
0x80: {  	_ =	swait.ge [sflag:s12], $0x4000  }
0x81: {  	[sflag:s12] =	ssyncset.done $0x0  }
0x82: {  	[sflag:s12] =	ssyncadd.s32 $0xFFFFC000  }
0x83: {  	_ =	swait.ge [sflag:s12], $0x4000  }
0x84: {  	[sflag:s12] =	ssyncset.done $0x0  }
0x85: {  	[sflag:s12] =	ssyncadd.s32 $0xFFFFC000  }
0x86: {  	[hbm4b:s20+s2] =	stream.linear.scatter [tilespmem:s9], [sflag:$0x2], $0x4000, $0x38;
	[tilespmem:$0x8400] =	vst v63  }
0x87: {  	_ =	swait.ge [sflag:s3], $0x4000  }
0x88: {  	[sflag:s3] =	ssyncset.done $0x0  }
0x89: {  	[sflag:s3] =	ssyncadd.s32 $0xFFFFC000  }
0x8a: {  	[hbm4b:s21+s2] =	stream.linear.scatter [tilespmem:s11], [sflag:$0x2], $0x4000, $0x38;
	[tilespmem:$0x8400] =	vst v63  }
0x8b: {  	_ =	swait.ge [sflag:s3], $0x4000  }
0x8c: {  	[sflag:s3] =	ssyncset.done $0x0  }
0x8d: {  	[sflag:s3] =	ssyncadd.s32 $0xFFFFC000  }
0x8e: {  	[tilespmem:s9], [sflag:$0x1] =	stream.indirect.gather [hbm4b:s7+s8], $0x80, s22, s8, $0xb8;
	[tilespmem:$0x8400] =	vst v63  }
0x8f: {  	_ = 	snop  }
0x90: {  	[tilespmem:s11], [sflag:$0x1] =	stream.indirect.gather [hbm4b:s10+s8], $0x80, s23, s8, $0xb8;
	[tilespmem:$0x8400] =	vst v63  }
0x91: {  	_ =	swait.ge [sflag:s12], $0x4000  }
0x92: {  	[sflag:s12] =	ssyncset.done $0x0  }
0x93: {  	[sflag:s12] =	ssyncadd.s32 $0xFFFFC000  }
0x94: {  	_ =	swait.ge [sflag:s12], $0x4000  }
0x95: {  	[sflag:s12] =	ssyncset.done $0x0  }
0x96: {  	[sflag:s12] =	ssyncadd.s32 $0xFFFFC000  }
0x97: {  	[hbm4b:s24+s2] =	stream.linear.scatter [tilespmem:s9], [sflag:$0x2], $0x4000, $0x38;
	[tilespmem:$0x8400] =	vst v63  }
0x98: {  	_ =	swait.ge [sflag:s3], $0x4000  }
.Ltmp1:
0x99: {  	[sflag:s3] =	ssyncset.done $0x0;
	(pc) =	sbr.rel @p0 .LBB2_1-.Ltmp1, $4  }
0x9a: {  	[sflag:s3] =	ssyncadd.s32 $0xFFFFC000  }
0x9b: {  	[hbm4b:s25+s2] =	stream.linear.scatter [tilespmem:s11], [sflag:$0x2], $0x4000, $0x38;
	[tilespmem:$0x8400] =	vst v63  }
0x9c: {  	_ =	swait.ge [sflag:s3], $0x4000  }
0x9d: {  	[sflag:s3] =	ssyncset.done $0x0  }
.LBB2_2:
0x9e: {  	[sflag:s3] =	ssyncadd.s32 $0xFFFFC000  }
0x9f: {  	_ =	sfence.sel $0x180000  }
0xa0: {  	[bflag:$0x0] =	sbarrier.arrive $0xFFFF  }
0xa1: {  	p0 =	sne.s32 s0, $0x0;
	_ =	strace $0x9000004A  }
0xa2: {  	s0 =	sadd.s32 @!p0 $0x100000, s1;
	[bflag:$0x2] =	sbarrier.arrive $0xFFFF  }
0xa3: {  	[sflag:s0] =	ssyncadd.tile.s32 @!p0 $0x1;
	_ =	shalt  }
.Lfunc_end2:
_tile_overlayer_lowered:
.L_overlay_start_2:
0xa4: {  	(tag) =	ssettag $0x2  }
0xa5: {  	s0 =	rddreg [dreg:$0x0];
	s2 =	stileid.u32  }
0xa6: {  	s1 =	rddreg [dreg:$0x1];
	p0 =	sne.s32 s2, $0x0  }
0xa7: {  	s3 =	rddreg [dreg:$0x2];
	[bflag:$0x3] =	sbarrier.arrive $0xFFFF;
	s2 =	simm.s32 @!p0 $0x1C02  }
0xa8: {  	[timem:s3], [sflag:s2] =	dma.local @!p0 [hbm:s0], s1  }
0xa9: {  	s0 =	simm.s32 @!p0 $0x2  }
0xaa: {  	_ =	swait.ge @!p0 [sflag:s0], s1  }
0xab: {  	s1 =	ssub.s32 @!p0 $0x0, s1;
	[sflag:s0] =	ssyncset.done @!p0 $0x0  }
0xac: {  	[sflag:s0] =	ssyncadd.s32 @!p0 s1  }
0xad: {  	[bflag:$0x3] =	sbarrier.arrive $0xFFFF  }
0xae: {  	_ =	shalt  }

</sc_bundles>
